<compile_context>
chip_gen: v7x
topology: tpu7x:2x2x1
jax: 0.10.2.dev20260603
libtpu: 0.0.44.dev20260713+nightly
codegen_flags: <defaults>
</compile_context>

<pallas_src>
import dataclasses

import jax
import jax.numpy as jnp
from jax import lax
from jax.experimental import pallas as pl
from jax.experimental.pallas import tpu as pltpu
from jax.experimental.pallas import tpu_sc as plsc

NBX = 512
NBY = 512
NBINS = NBX * NBY
BSX = 1.0 / NBX
BSY = 1.0 / NBY
INV_BSX = float(NBX)
INV_BSY = float(NBY)
BIN_AREA = BSX * BSY
H2 = BSX * BSY
N_ITERS = 40

N_NODES = 1_000_000
NW = 32
CHUNK = 2048
NCHUNK = 16
ROWS = CHUNK // 128
NGRID = 1
STRIPE = NBINS // 16


def _splat_body(pos_hbm, sx_hbm, sy_hbm, out_hbm,
                pxb, pyb, sxb, syb,
                pxb2, pyb2, sxb2, syb2,
                i00b, i10b, i01b, i11b,
                v00b, v10b, v01b, v11b,
                tmp, grid_sh, sem, ssem):
    cid = lax.axis_index("c")
    sid = lax.axis_index("s")
    iota16 = lax.iota(jnp.int32, 16)

    @pl.loop(0, STRIPE // 16)
    def _(i):
        tmp[pl.ds(i * 16, 16)] = jnp.zeros((16,), jnp.float32)

    for g in range(NGRID):
        pltpu.sync_copy(tmp, grid_sh.at[pl.ds(g * NBINS + sid * STRIPE,
                                              STRIPE)])
    plsc.subcore_barrier()

    wid = cid * 16 + sid

    def bases(t):
        raw = (t * NW + wid) * CHUNK
        return jnp.minimum(raw, N_NODES - CHUNK), raw

    def load_descs(t, bufs):
        pxl, pyl, sxl, syl = bufs
        base, _ = bases(t)
        return [(pos_hbm.at[pl.ds(base, CHUNK)], pxl),
                (pos_hbm.at[pl.ds(N_NODES + base, CHUNK)], pyl),
                (sx_hbm.at[pl.ds(base, CHUNK)], sxl),
                (sy_hbm.at[pl.ds(base, CHUNK)], syl)]

    def fire_loads(t, bufs):
        for src, dst in load_descs(t, bufs):
            pltpu.async_copy(src, dst, sem)

    def wait_loads(t, bufs):
        for src, dst in load_descs(t, bufs):
            pltpu.make_async_copy(src, dst, sem).wait()

    def process(t, bufs):
        pxl, pyl, sxl, syl = bufs
        base, raw = bases(t)

        @pl.when(raw < N_NODES)
        def _():
            @pl.loop(0, ROWS)
            def _(r):
                def corners(sl, valid):
                    gx = pxl[sl] * INV_BSX - 0.5
                    gy = pyl[sl] * INV_BSY - 0.5
                    ix0 = gx.astype(jnp.int32)
                    iy0 = gy.astype(jnp.int32)
                    wx = jnp.clip(gx - ix0.astype(jnp.float32), 0.0, 1.0)
                    wy = jnp.clip(gy - iy0.astype(jnp.float32), 0.0, 1.0)
                    area = jnp.where(valid, sxl[sl] * syl[sl], 0.0)
                    iy0g = jnp.minimum(iy0, NBY - 1)
                    iy1g = jnp.minimum(iy0 + 1, NBY - 1)
                    bx0 = ix0 * NBY
                    bx1 = jnp.minimum(ix0 + 1, NBX - 1) * NBY
                    ax1 = wx * area
                    ax0 = area - ax1
                    return ((bx0 + iy0g, bx1 + iy0g, bx0 + iy1g,
                             bx1 + iy1g),
                            (ax0 - ax0 * wy, ax1 - ax1 * wy, ax0 * wy,
                             ax1 * wy))

                for c in range(8):
                    off = r * 128 + c * 16
                    sl = pl.ds(c * 16, 16)
                    idxs, vals = corners(pl.ds(off, 16),
                                         base + off + iota16 >= raw)
                    for ibuf, x in zip((i00b, i10b, i01b, i11b), idxs):
                        ibuf[sl] = x
                    for vbuf, x in zip((v00b, v10b, v01b, v11b), vals):
                        vbuf[sl] = x
                cs = [
                    pltpu.async_copy(v00b, grid_sh.at[i00b], ssem, add=True),
                    pltpu.async_copy(v10b, grid_sh.at[i10b], ssem, add=True),
                    pltpu.async_copy(v01b, grid_sh.at[i01b], ssem, add=True),
                    pltpu.async_copy(v11b, grid_sh.at[i11b], ssem, add=True),
                ]
                for c_ in cs:
                    c_.wait()

    bufs_a = (pxb, pyb, sxb, syb)
    bufs_b = (pxb2, pyb2, sxb2, syb2)
    fire_loads(0, bufs_a)

    @pl.loop(0, NCHUNK // 2)
    def _(i):
        t0 = i * 2
        wait_loads(t0, bufs_a)
        fire_loads(t0 + 1, bufs_b)
        process(t0, bufs_a)
        wait_loads(t0 + 1, bufs_b)

        @pl.when(t0 + 2 < NCHUNK)
        def _():
            fire_loads(t0 + 2, bufs_a)

        process(t0 + 1, bufs_b)

    plsc.subcore_barrier()

    for g in range(NGRID):
        src = pl.ds(g * NBINS + sid * STRIPE, STRIPE)
        dst = pl.ds((cid * NGRID + g) * NBINS + sid * STRIPE, STRIPE)
        pltpu.sync_copy(grid_sh.at[src], tmp)
        pltpu.sync_copy(tmp, out_hbm.at[dst])


def _splat(pos, sx, sy):
    mesh = plsc.VectorSubcoreMesh(core_axis_name="c", subcore_axis_name="s")
    cp = pltpu.CompilerParams()
    if "needs_layout_passes" in pltpu.CompilerParams.__dataclass_fields__:
        cp = dataclasses.replace(cp, needs_layout_passes=False)
    k = pl.kernel(
        _splat_body,
        compiler_params=cp,
        out_type=jax.ShapeDtypeStruct((2 * NGRID * NBINS,), jnp.float32),
        mesh=mesh,
        scratch_types=(
            [pltpu.VMEM((CHUNK,), jnp.float32)] * 8
            + [pltpu.VMEM((128,), jnp.int32)] * 4
            + [pltpu.VMEM((128,), jnp.float32)] * 4
            + [
                pltpu.VMEM((STRIPE,), jnp.float32),
                pltpu.VMEM_SHARED((NGRID * NBINS,), jnp.float32),
                pltpu.SemaphoreType.DMA,
                pltpu.SemaphoreType.DMA,
            ]
        ),
    )
    return k(pos, sx, sy)


def _dense_body(p_ref, out_ref):
    acc = p_ref[0].astype(jnp.float32)
    for g in range(1, 2 * NGRID):
        acc = acc + p_ref[g].astype(jnp.float32)
    rho = acc * (1.0 / BIN_AREA)
    rhs = rho - jnp.mean(rho)
    src = (0.25 * H2) * rhs

    def step(_, phi):
        up = jnp.concatenate([phi[:1, :], phi[:-1, :]], axis=0)
        down = jnp.concatenate([phi[1:, :], phi[-1:, :]], axis=0)
        left = jnp.concatenate([phi[:, :1], phi[:, :-1]], axis=1)
        right = jnp.concatenate([phi[:, 1:], phi[:, -1:]], axis=1)
        return 0.25 * (up + down + left + right) - src

    phi = lax.fori_loop(0, N_ITERS, step, jnp.zeros((NBX, NBY), jnp.float32))
    vx = jnp.concatenate([
        -(phi[1:2, :] - phi[0:1, :]) * INV_BSX,
        -(phi[2:, :] - phi[:-2, :]) * (0.5 * INV_BSX),
        -(phi[-1:, :] - phi[-2:-1, :]) * INV_BSX,
    ], axis=0)
    vy = jnp.concatenate([
        -(phi[:, 1:2] - phi[:, 0:1]) * INV_BSY,
        -(phi[:, 2:] - phi[:, :-2]) * (0.5 * INV_BSY),
        -(phi[:, -1:] - phi[:, -2:-1]) * INV_BSY,
    ], axis=1)
    energy = 0.5 * jnp.sum(rho * (vx * vx + vy * vy)) * BIN_AREA
    out_ref[...] = jnp.broadcast_to(energy, (1, 1))


def _dense(partials):
    return pl.pallas_call(
        _dense_body,
        out_shape=jax.ShapeDtypeStruct((1, 1), jnp.float32),
    )(partials)


def kernel(pos, node_size_x, node_size_y):
    flat = _splat(pos, node_size_x, node_size_y)
    partials = flat.reshape(2 * NGRID, NBX, NBY)
    energy = _dense(partials)
    return energy.reshape(1)

# --- scband reference (transcript-rebuilt; emitter-appended) ---
"""Pipeline reference for scband-flow-based-density-potential-57397942944088 (READ-ONLY COPY).

The authoritative reference and input builder live on the scoring server;
editing this copy changes nothing except your own understanding.
"""

import jax, jax.numpy as jnp
import numpy as np

NBX = 512
NBY = 512
XL = 0.0
YL = 0.0
XH = 1.0
YH = 1.0
BSX = (XH - XL) / NBX
BSY = (YH - YL) / NBY
N_NODES = 1000000
N_ITERS = 40


def setup_inputs(seed: int = 0) -> dict:
    key = jax.random.key(seed)
    k1, k2, k3 = jax.random.split(key, 3)
    pos = jax.random.uniform(k1, (2 * N_NODES,), dtype=jnp.float32)
    node_size_x = jax.random.uniform(k2, (N_NODES,), dtype=jnp.float32) * (2.0 * BSX)
    node_size_y = jax.random.uniform(k3, (N_NODES,), dtype=jnp.float32) * (2.0 * BSY)
    return {"pos": pos, "node_size_x": node_size_x, "node_size_y": node_size_y}


def reference(pos, node_size_x, node_size_y):
    n = pos.shape[0] // 2
    px = pos[:n]
    py = pos[n:]
    bin_area = BSX * BSY
    # --- histogram binning: bilinear splat of node area onto bin grid (rho_current) ---
    gx = (px - XL) / BSX - 0.5
    gy = (py - YL) / BSY - 0.5
    fx = jnp.floor(gx)
    fy = jnp.floor(gy)
    wx = jnp.clip(gx - fx, 0.0, 1.0)
    wy = jnp.clip(gy - fy, 0.0, 1.0)
    ix0 = jnp.clip(fx.astype(jnp.int32), 0, NBX - 1)
    iy0 = jnp.clip(fy.astype(jnp.int32), 0, NBY - 1)
    ix1 = jnp.clip(ix0 + 1, 0, NBX - 1)
    iy1 = jnp.clip(iy0 + 1, 0, NBY - 1)
    area = node_size_x * node_size_y
    w00 = (1.0 - wx) * (1.0 - wy) * area
    w10 = wx * (1.0 - wy) * area
    w01 = (1.0 - wx) * wy * area
    w11 = wx * wy * area
    flat = jnp.zeros((NBX * NBY,), dtype=jnp.float32)
    flat = flat.at[ix0 * NBY + iy0].add(w00)
    flat = flat.at[ix1 * NBY + iy0].add(w10)
    flat = flat.at[ix0 * NBY + iy1].add(w01)
    flat = flat.at[ix1 * NBY + iy1].add(w11)
    rho = flat.reshape(NBX, NBY) / bin_area
    # --- flow rhs: deviation from uniform target density ---
    rho_target = jnp.mean(rho)
    rhs = rho - rho_target
    # --- Poisson solve (weighted Jacobi, Neumann BC via edge padding) ---
    h2 = BSX * BSY

    def jacobi_step(phi, _):
        p = jnp.pad(phi, 1, mode="edge")
        phi_new = 0.25 * (p[2:, 1:-1] + p[:-2, 1:-1] + p[1:-1, 2:] + p[1:-1, :-2] - h2 * rhs)
        return phi_new, None

    phi0 = jnp.zeros_like(rhs)
    phi, _ = jax.lax.scan(jacobi_step, phi0, None, length=N_ITERS)
    # --- velocity field v = -grad(phi): 2nd order interior, 1st order boundary ---
    vx = jnp.concatenate([
        -(phi[1:2, :] - phi[0:1, :]) / BSX,
        -(phi[2:, :] - phi[:-2, :]) / (2.0 * BSX),
        -(phi[-1:, :] - phi[-2:-1, :]) / BSX,
    ], axis=0)
    vy = jnp.concatenate([
        -(phi[:, 1:2] - phi[:, 0:1]) / BSY,
        -(phi[:, 2:] - phi[:, :-2]) / (2.0 * BSY),
        -(phi[:, -1:] - phi[:, -2:-1]) / BSY,
    ], axis=1)
    # --- transport energy = 1/2 * sum(rho * |v|^2) * bin_area ---
    energy = 0.5 * jnp.sum(rho * (vx * vx + vy * vy)) * bin_area
    return energy.reshape(1)

if __name__ == "__main__":
    import jax
    _d = setup_inputs()
    print(jax.jit(kernel)(*tuple(_d.values())))

</pallas_src>

<mosaic_0001>
#map = affine_map<(d0, d1) -> (0)>
module attributes {stable_mosaic.version = 14 : i64} {
  func.func @_splat_body(%arg0: i32, %arg1: i32, %arg2: memref<2000000xf32, #tpu.memory_space<hbm>>, %arg3: memref<1000000xf32, #tpu.memory_space<hbm>>, %arg4: memref<1000000xf32, #tpu.memory_space<hbm>>, %arg5: memref<524288xf32, #tpu.memory_space<hbm>>, %arg6: memref<2048xf32, #tpu.memory_space<vmem>>, %arg7: memref<2048xf32, #tpu.memory_space<vmem>>, %arg8: memref<2048xf32, #tpu.memory_space<vmem>>, %arg9: memref<2048xf32, #tpu.memory_space<vmem>>, %arg10: memref<2048xf32, #tpu.memory_space<vmem>>, %arg11: memref<2048xf32, #tpu.memory_space<vmem>>, %arg12: memref<2048xf32, #tpu.memory_space<vmem>>, %arg13: memref<2048xf32, #tpu.memory_space<vmem>>, %arg14: memref<128xi32, #tpu.memory_space<vmem>>, %arg15: memref<128xi32, #tpu.memory_space<vmem>>, %arg16: memref<128xi32, #tpu.memory_space<vmem>>, %arg17: memref<128xi32, #tpu.memory_space<vmem>>, %arg18: memref<128xf32, #tpu.memory_space<vmem>>, %arg19: memref<128xf32, #tpu.memory_space<vmem>>, %arg20: memref<128xf32, #tpu.memory_space<vmem>>, %arg21: memref<128xf32, #tpu.memory_space<vmem>>, %arg22: memref<16384xf32, #tpu.memory_space<vmem>>, %arg23: memref<262144xf32, #tpu.memory_space<vmem_shared>>, %arg24: memref<!tpu.dma_semaphore, #tpu.memory_space<semaphore_mem>>, %arg25: memref<!tpu.dma_semaphore, #tpu.memory_space<semaphore_mem>>) attributes {dimension_semantics = [#tpu.dimension_semantics<core_parallel>, #tpu.dimension_semantics<subcore_parallel>], iteration_bounds = array<i64: 2, 16>, scalar_prefetch = 0 : i64, scratch_operands = 20 : i64, tpu.core_type = #tpu.core_type<sc_vector_subcore>, window_params = [{transform_indices = #map}, {transform_indices = #map}, {transform_indices = #map}, {transform_indices = #map}]} {
    %iota3A = tpu.iota {dimensions = array<i32: 0>} : vector<16xi32>
    %scan3A = arith.constant 0 : i32
    %scan3A_0 = arith.constant 1024 : i32
    %scan3A_1 = arith.addi %scan3A, %scan3A_0 : i32
    %scan3A_2 = arith.constant 1 : i32
    scf.for %scan3A_42 = %scan3A to %scan3A_1 step %scan3A_2  : i32 {
      %mul3A_43 = arith.constant 1 : i32
      %mul3A_44 = arith.muli %scan3A_42, %mul3A_43 : i32
      %add3A_45 = arith.constant 0 : i32
      %add3A_46 = arith.addi %add3A_45, %mul3A_44 : i32
      %broadcast_in_dim3A = arith.constant 0.000000e+00 : f32
      %broadcast_in_dim3A_47 = vector.broadcast %broadcast_in_dim3A : f32 to vector<16xf32>
      %mul3A_48 = arith.constant 16 : i32
      %mul3A_49 = arith.muli %add3A_46, %mul3A_48 : i32
      %swap3A = arith.index_cast %mul3A_49 : i32 to index
      %swap3A_50 = tpu.vector_load %arg22[%swap3A] {strides = array<i32>} : memref<16384xf32, #tpu.memory_space<vmem>>, vector<16xf32>,
      tpu.vector_store %arg22[%swap3A], %broadcast_in_dim3A_47 {strides = array<i32>} : memref<16384xf32, #tpu.memory_space<vmem>>, vector<16xf32>,
    }
    %scan3A_3 = arith.constant 1024 : i32
    %mul3A = arith.constant 16384 : i32
    %mul3A_4 = arith.muli %arg1, %mul3A : i32
    %add3A = arith.constant 0 : i32
    %add3A_5 = arith.addi %add3A, %mul3A_4 : i32
    "tpu.region"() ({
      %run_scoped3A = tpu.sem_alloc : memref<!tpu.dma_semaphore, #tpu.memory_space<semaphore_mem>>
      %dma_start3A_42 = tpu.memref_slice %arg23[%add3A_5] : memref<262144xf32, #tpu.memory_space<vmem_shared>> -> memref<16384xf32, #tpu.memory_space<vmem_shared>>
      %dma_start3A_43 = tpu.memref_slice %arg23[%add3A_5] : memref<262144xf32, #tpu.memory_space<vmem_shared>> -> memref<16384xf32, #tpu.memory_space<vmem_shared>>
      tpu.enqueue_dma source(%arg22 : memref<16384xf32, #tpu.memory_space<vmem>>) target(%dma_start3A_43 : memref<16384xf32, #tpu.memory_space<vmem_shared>>) target_semaphore(%run_scoped3A : memref<!tpu.dma_semaphore, #tpu.memory_space<semaphore_mem>>)
      %dma_wait3A = tpu.memref_slice %arg23[%add3A_5] : memref<262144xf32, #tpu.memory_space<vmem_shared>> -> memref<16384xf32, #tpu.memory_space<vmem_shared>>
      %dma_wait3A_44 = tpu.memref_slice %arg23[%add3A_5] : memref<262144xf32, #tpu.memory_space<vmem_shared>> -> memref<16384xf32, #tpu.memory_space<vmem_shared>>
      tpu.wait_dma2 semaphore(%run_scoped3A : memref<!tpu.dma_semaphore, #tpu.memory_space<semaphore_mem>>) src(%arg22 : memref<16384xf32, #tpu.memory_space<vmem>>) dst(%dma_wait3A_44 : memref<16384xf32, #tpu.memory_space<vmem_shared>>)
      tpu.yield
    }) : () -> ()
    %barrier3A = arith.constant 0 : index
    tpu.barrier barrier_id(%barrier3A)
    %mul3A_6 = arith.constant 16 : i32
    %mul3A_7 = arith.muli %arg0, %mul3A_6 : i32
    %add3A_8 = arith.addi %mul3A_7, %arg1 : i32
    %add3A_9 = arith.constant 0 : i32
    %add3A_10 = arith.addi %add3A_9, %add3A_8 : i32
    %mul3A_11 = arith.constant 2048 : i32
    %mul3A_12 = arith.muli %add3A_10, %mul3A_11 : i32
    %min3A = arith.constant 997952 : i32
    %min3A_13 = arith.minsi %mul3A_12, %min3A : i32
    %add3A_14 = arith.constant 1000000 : i32
    %add3A_15 = arith.addi %add3A_14, %min3A_13 : i32
    %dma_start3A = tpu.memref_slice %arg2[%min3A_13] : memref<2000000xf32, #tpu.memory_space<hbm>> -> memref<2048xf32, #tpu.memory_space<hbm>>
    %dma_start3A_16 = tpu.memref_slice %arg2[%min3A_13] : memref<2000000xf32, #tpu.memory_space<hbm>> -> memref<2048xf32, #tpu.memory_space<hbm>>
    tpu.enqueue_dma source(%dma_start3A_16 : memref<2048xf32, #tpu.memory_space<hbm>>) target(%arg6 : memref<2048xf32, #tpu.memory_space<vmem>>) target_semaphore(%arg24 : memref<!tpu.dma_semaphore, #tpu.memory_space<semaphore_mem>>)
    %dma_start3A_17 = tpu.memref_slice %arg2[%add3A_15] : memref<2000000xf32, #tpu.memory_space<hbm>> -> memref<2048xf32, #tpu.memory_space<hbm>>
    %dma_start3A_18 = tpu.memref_slice %arg2[%add3A_15] : memref<2000000xf32, #tpu.memory_space<hbm>> -> memref<2048xf32, #tpu.memory_space<hbm>>
    tpu.enqueue_dma source(%dma_start3A_18 : memref<2048xf32, #tpu.memory_space<hbm>>) target(%arg7 : memref<2048xf32, #tpu.memory_space<vmem>>) target_semaphore(%arg24 : memref<!tpu.dma_semaphore, #tpu.memory_space<semaphore_mem>>)
    %dma_start3A_19 = tpu.memref_slice %arg3[%min3A_13] : memref<1000000xf32, #tpu.memory_space<hbm>> -> memref<2048xf32, #tpu.memory_space<hbm>>
    %dma_start3A_20 = tpu.memref_slice %arg3[%min3A_13] : memref<1000000xf32, #tpu.memory_space<hbm>> -> memref<2048xf32, #tpu.memory_space<hbm>>
    tpu.enqueue_dma source(%dma_start3A_20 : memref<2048xf32, #tpu.memory_space<hbm>>) target(%arg8 : memref<2048xf32, #tpu.memory_space<vmem>>) target_semaphore(%arg24 : memref<!tpu.dma_semaphore, #tpu.memory_space<semaphore_mem>>)
    %dma_start3A_21 = tpu.memref_slice %arg4[%min3A_13] : memref<1000000xf32, #tpu.memory_space<hbm>> -> memref<2048xf32, #tpu.memory_space<hbm>>
    %dma_start3A_22 = tpu.memref_slice %arg4[%min3A_13] : memref<1000000xf32, #tpu.memory_space<hbm>> -> memref<2048xf32, #tpu.memory_space<hbm>>
    tpu.enqueue_dma source(%dma_start3A_22 : memref<2048xf32, #tpu.memory_space<hbm>>) target(%arg9 : memref<2048xf32, #tpu.memory_space<vmem>>) target_semaphore(%arg24 : memref<!tpu.dma_semaphore, #tpu.memory_space<semaphore_mem>>)
    %scan3A_23 = arith.constant 0 : i32
    %scan3A_24 = arith.constant 8 : i32
    %scan3A_25 = arith.addi %scan3A_23, %scan3A_24 : i32
    %scan3A_26 = arith.constant 1 : i32
    scf.for %scan3A_42 = %scan3A_23 to %scan3A_25 step %scan3A_26  : i32 {
      %mul3A_43 = arith.constant 1 : i32
      %mul3A_44 = arith.muli %scan3A_42, %mul3A_43 : i32
      %add3A_45 = arith.constant 0 : i32
      %add3A_46 = arith.addi %add3A_45, %mul3A_44 : i32
      %mul3A_47 = arith.constant 2 : i32
      %mul3A_48 = arith.muli %add3A_46, %mul3A_47 : i32
      %mul3A_49 = arith.constant 32 : i32
      %mul3A_50 = arith.muli %mul3A_48, %mul3A_49 : i32
      %add3A_51 = arith.addi %mul3A_50, %add3A_8 : i32
      %mul3A_52 = arith.constant 2048 : i32
      %mul3A_53 = arith.muli %add3A_51, %mul3A_52 : i32
      %min3A_54 = arith.constant 997952 : i32
      %min3A_55 = arith.minsi %mul3A_53, %min3A_54 : i32
      %add3A_56 = arith.constant 1000000 : i32
      %add3A_57 = arith.addi %add3A_56, %min3A_55 : i32
      %dma_wait3A = tpu.memref_slice %arg2[%min3A_55] : memref<2000000xf32, #tpu.memory_space<hbm>> -> memref<2048xf32, #tpu.memory_space<hbm>>
      %dma_wait3A_58 = tpu.memref_slice %arg2[%min3A_55] : memref<2000000xf32, #tpu.memory_space<hbm>> -> memref<2048xf32, #tpu.memory_space<hbm>>
      tpu.wait_dma2 semaphore(%arg24 : memref<!tpu.dma_semaphore, #tpu.memory_space<semaphore_mem>>) src(%dma_wait3A_58 : memref<2048xf32, #tpu.memory_space<hbm>>) dst(%arg6 : memref<2048xf32, #tpu.memory_space<vmem>>)
      %dma_wait3A_59 = tpu.memref_slice %arg2[%add3A_57] : memref<2000000xf32, #tpu.memory_space<hbm>> -> memref<2048xf32, #tpu.memory_space<hbm>>
      %dma_wait3A_60 = tpu.memref_slice %arg2[%add3A_57] : memref<2000000xf32, #tpu.memory_space<hbm>> -> memref<2048xf32, #tpu.memory_space<hbm>>
      tpu.wait_dma2 semaphore(%arg24 : memref<!tpu.dma_semaphore, #tpu.memory_space<semaphore_mem>>) src(%dma_wait3A_60 : memref<2048xf32, #tpu.memory_space<hbm>>) dst(%arg7 : memref<2048xf32, #tpu.memory_space<vmem>>)
      %dma_wait3A_61 = tpu.memref_slice %arg3[%min3A_55] : memref<1000000xf32, #tpu.memory_space<hbm>> -> memref<2048xf32, #tpu.memory_space<hbm>>
      %dma_wait3A_62 = tpu.memref_slice %arg3[%min3A_55] : memref<1000000xf32, #tpu.memory_space<hbm>> -> memref<2048xf32, #tpu.memory_space<hbm>>
      tpu.wait_dma2 semaphore(%arg24 : memref<!tpu.dma_semaphore, #tpu.memory_space<semaphore_mem>>) src(%dma_wait3A_62 : memref<2048xf32, #tpu.memory_space<hbm>>) dst(%arg8 : memref<2048xf32, #tpu.memory_space<vmem>>)
      %dma_wait3A_63 = tpu.memref_slice %arg4[%min3A_55] : memref<1000000xf32, #tpu.memory_space<hbm>> -> memref<2048xf32, #tpu.memory_space<hbm>>
      %dma_wait3A_64 = tpu.memref_slice %arg4[%min3A_55] : memref<1000000xf32, #tpu.memory_space<hbm>> -> memref<2048xf32, #tpu.memory_space<hbm>>
      tpu.wait_dma2 semaphore(%arg24 : memref<!tpu.dma_semaphore, #tpu.memory_space<semaphore_mem>>) src(%dma_wait3A_64 : memref<2048xf32, #tpu.memory_space<hbm>>) dst(%arg9 : memref<2048xf32, #tpu.memory_space<vmem>>)
      %add3A_65 = arith.constant 1 : i32
      %add3A_66 = arith.addi %mul3A_48, %add3A_65 : i32
      %mul3A_67 = arith.constant 32 : i32
      %mul3A_68 = arith.muli %add3A_66, %mul3A_67 : i32
      %add3A_69 = arith.addi %mul3A_68, %add3A_8 : i32
      %mul3A_70 = arith.constant 2048 : i32
      %mul3A_71 = arith.muli %add3A_69, %mul3A_70 : i32
      %min3A_72 = arith.constant 997952 : i32
      %min3A_73 = arith.minsi %mul3A_71, %min3A_72 : i32
      %add3A_74 = arith.constant 1000000 : i32
      %add3A_75 = arith.addi %add3A_74, %min3A_73 : i32
      %dma_start3A_76 = tpu.memref_slice %arg2[%min3A_73] : memref<2000000xf32, #tpu.memory_space<hbm>> -> memref<2048xf32, #tpu.memory_space<hbm>>
      %dma_start3A_77 = tpu.memref_slice %arg2[%min3A_73] : memref<2000000xf32, #tpu.memory_space<hbm>> -> memref<2048xf32, #tpu.memory_space<hbm>>
      tpu.enqueue_dma source(%dma_start3A_77 : memref<2048xf32, #tpu.memory_space<hbm>>) target(%arg10 : memref<2048xf32, #tpu.memory_space<vmem>>) target_semaphore(%arg24 : memref<!tpu.dma_semaphore, #tpu.memory_space<semaphore_mem>>)
      %dma_start3A_78 = tpu.memref_slice %arg2[%add3A_75] : memref<2000000xf32, #tpu.memory_space<hbm>> -> memref<2048xf32, #tpu.memory_space<hbm>>
      %dma_start3A_79 = tpu.memref_slice %arg2[%add3A_75] : memref<2000000xf32, #tpu.memory_space<hbm>> -> memref<2048xf32, #tpu.memory_space<hbm>>
      tpu.enqueue_dma source(%dma_start3A_79 : memref<2048xf32, #tpu.memory_space<hbm>>) target(%arg11 : memref<2048xf32, #tpu.memory_space<vmem>>) target_semaphore(%arg24 : memref<!tpu.dma_semaphore, #tpu.memory_space<semaphore_mem>>)
      %dma_start3A_80 = tpu.memref_slice %arg3[%min3A_73] : memref<1000000xf32, #tpu.memory_space<hbm>> -> memref<2048xf32, #tpu.memory_space<hbm>>
      %dma_start3A_81 = tpu.memref_slice %arg3[%min3A_73] : memref<1000000xf32, #tpu.memory_space<hbm>> -> memref<2048xf32, #tpu.memory_space<hbm>>
      tpu.enqueue_dma source(%dma_start3A_81 : memref<2048xf32, #tpu.memory_space<hbm>>) target(%arg12 : memref<2048xf32, #tpu.memory_space<vmem>>) target_semaphore(%arg24 : memref<!tpu.dma_semaphore, #tpu.memory_space<semaphore_mem>>)
      %dma_start3A_82 = tpu.memref_slice %arg4[%min3A_73] : memref<1000000xf32, #tpu.memory_space<hbm>> -> memref<2048xf32, #tpu.memory_space<hbm>>
      %dma_start3A_83 = tpu.memref_slice %arg4[%min3A_73] : memref<1000000xf32, #tpu.memory_space<hbm>> -> memref<2048xf32, #tpu.memory_space<hbm>>
      tpu.enqueue_dma source(%dma_start3A_83 : memref<2048xf32, #tpu.memory_space<hbm>>) target(%arg13 : memref<2048xf32, #tpu.memory_space<vmem>>) target_semaphore(%arg24 : memref<!tpu.dma_semaphore, #tpu.memory_space<semaphore_mem>>)
      %mul3A_84 = arith.constant 32 : i32
      %mul3A_85 = arith.muli %mul3A_48, %mul3A_84 : i32
      %add3A_86 = arith.addi %mul3A_85, %add3A_8 : i32
      %mul3A_87 = arith.constant 2048 : i32
      %mul3A_88 = arith.muli %add3A_86, %mul3A_87 : i32
      %min3A_89 = arith.constant 997952 : i32
      %min3A_90 = arith.minsi %mul3A_88, %min3A_89 : i32
      %lt3A = arith.constant 1000000 : i32
      %lt3A_91 = arith.cmpi slt, %mul3A_88, %lt3A : i32
      %convert_element_type3A = arith.extui %lt3A_91 : i1 to i32
      %cond3A = arith.constant 0 : i32
      %cond3A_92 = arith.cmpi ne, %convert_element_type3A, %cond3A : i32
      scf.if %cond3A_92 {
        %scan3A_133 = arith.constant 0 : i32
        %scan3A_134 = arith.constant 16 : i32
        %scan3A_135 = arith.addi %scan3A_133, %scan3A_134 : i32
        %scan3A_136 = arith.constant 1 : i32
        scf.for %scan3A_138 = %scan3A_133 to %scan3A_135 step %scan3A_136  : i32 {
          %mul3A_139 = arith.constant 1 : i32
          %mul3A_140 = arith.muli %scan3A_138, %mul3A_139 : i32
          %add3A_141 = arith.constant 0 : i32
          %add3A_142 = arith.addi %add3A_141, %mul3A_140 : i32
          %mul3A_143 = arith.constant 128 : i32
          %mul3A_144 = arith.muli %add3A_142, %mul3A_143 : i32
          %add3A_145 = arith.constant 0 : i32
          %add3A_146 = arith.addi %mul3A_144, %add3A_145 : i32
          %add3A_147 = arith.addi %min3A_90, %add3A_146 : i32
          %add3A_148 = vector.broadcast %add3A_147 : i32 to vector<16xi32>
          %add3A_149 = arith.addi %add3A_148, %iota3A : vector<16xi32>
          %ge3A = vector.broadcast %mul3A_88 : i32 to vector<16xi32>
          %ge3A_150 = arith.cmpi sge, %add3A_149, %ge3A : vector<16xi32>
          %get3A = arith.index_cast %add3A_146 : i32 to index
          %get3A_151 = tpu.vector_load %arg6[%get3A] {strides = array<i32>} : memref<2048xf32, #tpu.memory_space<vmem>>, vector<16xf32>,
          %mul3A_152 = arith.constant 5.120000e+02 : f32
          %mul3A_153 = vector.broadcast %mul3A_152 : f32 to vector<16xf32>
          %mul3A_154 = arith.mulf %get3A_151, %mul3A_153 : vector<16xf32>
          %sub3A = arith.constant 5.000000e-01 : f32
          %sub3A_155 = vector.broadcast %sub3A : f32 to vector<16xf32>
          %sub3A_156 = arith.subf %mul3A_154, %sub3A_155 : vector<16xf32>
          %get3A_157 = arith.index_cast %add3A_146 : i32 to index
          %get3A_158 = tpu.vector_load %arg7[%get3A_157] {strides = array<i32>} : memref<2048xf32, #tpu.memory_space<vmem>>, vector<16xf32>,
          %mul3A_159 = arith.constant 5.120000e+02 : f32
          %mul3A_160 = vector.broadcast %mul3A_159 : f32 to vector<16xf32>
          %mul3A_161 = arith.mulf %get3A_158, %mul3A_160 : vector<16xf32>
          %sub3A_162 = arith.constant 5.000000e-01 : f32
          %sub3A_163 = vector.broadcast %sub3A_162 : f32 to vector<16xf32>
          %sub3A_164 = arith.subf %mul3A_161, %sub3A_163 : vector<16xf32>
          %convert_element_type3A_165 = arith.fptosi %sub3A_156 : vector<16xf32> to vector<16xi32>
          %convert_element_type3A_166 = arith.fptosi %sub3A_164 : vector<16xf32> to vector<16xi32>
          %convert_element_type3A_167 = arith.sitofp %convert_element_type3A_165 : vector<16xi32> to vector<16xf32>
          %sub3A_168 = arith.subf %sub3A_156, %convert_element_type3A_167 : vector<16xf32>
          %jit3A = arith.constant 0.000000e+00 : f32
          %jit3A_169 = arith.constant 1.000000e+00 : f32
          %max3A = vector.broadcast %jit3A : f32 to vector<16xf32>
          %max3A_170 = arith.maximumf %max3A, %sub3A_168 : vector<16xf32>
          %min3A_171 = vector.broadcast %jit3A_169 : f32 to vector<16xf32>
          %min3A_172 = arith.minimumf %min3A_171, %max3A_170 : vector<16xf32>
          %convert_element_type3A_173 = arith.sitofp %convert_element_type3A_166 : vector<16xi32> to vector<16xf32>
          %sub3A_174 = arith.subf %sub3A_164, %convert_element_type3A_173 : vector<16xf32>
          %jit3A_175 = arith.constant 0.000000e+00 : f32
          %jit3A_176 = arith.constant 1.000000e+00 : f32
          %max3A_177 = vector.broadcast %jit3A_175 : f32 to vector<16xf32>
          %max3A_178 = arith.maximumf %max3A_177, %sub3A_174 : vector<16xf32>
          %min3A_179 = vector.broadcast %jit3A_176 : f32 to vector<16xf32>
          %min3A_180 = arith.minimumf %min3A_179, %max3A_178 : vector<16xf32>
          %get3A_181 = arith.index_cast %add3A_146 : i32 to index
          %get3A_182 = tpu.vector_load %arg8[%get3A_181] {strides = array<i32>} : memref<2048xf32, #tpu.memory_space<vmem>>, vector<16xf32>,
          %get3A_183 = arith.index_cast %add3A_146 : i32 to index
          %get3A_184 = tpu.vector_load %arg9[%get3A_183] {strides = array<i32>} : memref<2048xf32, #tpu.memory_space<vmem>>, vector<16xf32>,
          %mul3A_185 = arith.mulf %get3A_182, %get3A_184 : vector<16xf32>
          %jit3A_186 = arith.constant 0.000000e+00 : f32
          %broadcast_in_dim3A = vector.broadcast %jit3A_186 : f32 to vector<16xf32>
          %select_n3A = arith.select %ge3A_150, %mul3A_185, %broadcast_in_dim3A : vector<16xi1>, vector<16xf32>
          %min3A_187 = arith.constant 511 : i32
          %min3A_188 = vector.broadcast %min3A_187 : i32 to vector<16xi32>
          %min3A_189 = arith.minsi %convert_element_type3A_166, %min3A_188 : vector<16xi32>
          %add3A_190 = arith.constant 1 : i32
          %add3A_191 = vector.broadcast %add3A_190 : i32 to vector<16xi32>
          %add3A_192 = arith.addi %convert_element_type3A_166, %add3A_191 : vector<16xi32>
          %min3A_193 = arith.constant 511 : i32
          %min3A_194 = vector.broadcast %min3A_193 : i32 to vector<16xi32>
          %min3A_195 = arith.minsi %add3A_192, %min3A_194 : vector<16xi32>
          %mul3A_196 = arith.constant 512 : i32
          %mul3A_197 = vector.broadcast %mul3A_196 : i32 to vector<16xi32>
          %mul3A_198 = arith.muli %convert_element_type3A_165, %mul3A_197 : vector<16xi32>
          %add3A_199 = arith.constant 1 : i32
          %add3A_200 = vector.broadcast %add3A_199 : i32 to vector<16xi32>
          %add3A_201 = arith.addi %convert_element_type3A_165, %add3A_200 : vector<16xi32>
          %min3A_202 = arith.constant 511 : i32
          %min3A_203 = vector.broadcast %min3A_202 : i32 to vector<16xi32>
          %min3A_204 = arith.minsi %add3A_201, %min3A_203 : vector<16xi32>
          %mul3A_205 = arith.constant 512 : i32
          %mul3A_206 = vector.broadcast %mul3A_205 : i32 to vector<16xi32>
          %mul3A_207 = arith.muli %min3A_204, %mul3A_206 : vector<16xi32>
          %mul3A_208 = arith.mulf %min3A_172, %select_n3A : vector<16xf32>
          %sub3A_209 = arith.subf %select_n3A, %mul3A_208 : vector<16xf32>
          %add3A_210 = arith.addi %mul3A_198, %min3A_189 : vector<16xi32>
          %add3A_211 = arith.addi %mul3A_207, %min3A_189 : vector<16xi32>
          %add3A_212 = arith.addi %mul3A_198, %min3A_195 : vector<16xi32>
          %add3A_213 = arith.addi %mul3A_207, %min3A_195 : vector<16xi32>
          %mul3A_214 = arith.mulf %sub3A_209, %min3A_180 : vector<16xf32>
          %sub3A_215 = arith.subf %sub3A_209, %mul3A_214 : vector<16xf32>
          %mul3A_216 = arith.mulf %mul3A_208, %min3A_180 : vector<16xf32>
          %sub3A_217 = arith.subf %mul3A_208, %mul3A_216 : vector<16xf32>
          %mul3A_218 = arith.mulf %sub3A_209, %min3A_180 : vector<16xf32>
          %mul3A_219 = arith.mulf %mul3A_208, %min3A_180 : vector<16xf32>
          %swap3A = arith.constant 0 : index
          %swap3A_220 = tpu.vector_load %arg14[%swap3A] {strides = array<i32>} : memref<128xi32, #tpu.memory_space<vmem>>, vector<16xi32>,
          tpu.vector_store %arg14[%swap3A], %add3A_210 {strides = array<i32>} : memref<128xi32, #tpu.memory_space<vmem>>, vector<16xi32>,
          %swap3A_221 = arith.constant 0 : index
          %swap3A_222 = tpu.vector_load %arg15[%swap3A_221] {strides = array<i32>} : memref<128xi32, #tpu.memory_space<vmem>>, vector<16xi32>,
          tpu.vector_store %arg15[%swap3A_221], %add3A_211 {strides = array<i32>} : memref<128xi32, #tpu.memory_space<vmem>>, vector<16xi32>,
          %swap3A_223 = arith.constant 0 : index
          %swap3A_224 = tpu.vector_load %arg16[%swap3A_223] {strides = array<i32>} : memref<128xi32, #tpu.memory_space<vmem>>, vector<16xi32>,
          tpu.vector_store %arg16[%swap3A_223], %add3A_212 {strides = array<i32>} : memref<128xi32, #tpu.memory_space<vmem>>, vector<16xi32>,
          %swap3A_225 = arith.constant 0 : index
          %swap3A_226 = tpu.vector_load %arg17[%swap3A_225] {strides = array<i32>} : memref<128xi32, #tpu.memory_space<vmem>>, vector<16xi32>,
          tpu.vector_store %arg17[%swap3A_225], %add3A_213 {strides = array<i32>} : memref<128xi32, #tpu.memory_space<vmem>>, vector<16xi32>,
          %swap3A_227 = arith.constant 0 : index
          %swap3A_228 = tpu.vector_load %arg18[%swap3A_227] {strides = array<i32>} : memref<128xf32, #tpu.memory_space<vmem>>, vector<16xf32>,
          tpu.vector_store %arg18[%swap3A_227], %sub3A_215 {strides = array<i32>} : memref<128xf32, #tpu.memory_space<vmem>>, vector<16xf32>,
          %swap3A_229 = arith.constant 0 : index
          %swap3A_230 = tpu.vector_load %arg19[%swap3A_229] {strides = array<i32>} : memref<128xf32, #tpu.memory_space<vmem>>, vector<16xf32>,
          tpu.vector_store %arg19[%swap3A_229], %sub3A_217 {strides = array<i32>} : memref<128xf32, #tpu.memory_space<vmem>>, vector<16xf32>,
          %swap3A_231 = arith.constant 0 : index
          %swap3A_232 = tpu.vector_load %arg20[%swap3A_231] {strides = array<i32>} : memref<128xf32, #tpu.memory_space<vmem>>, vector<16xf32>,
          tpu.vector_store %arg20[%swap3A_231], %mul3A_218 {strides = array<i32>} : memref<128xf32, #tpu.memory_space<vmem>>, vector<16xf32>,
          %swap3A_233 = arith.constant 0 : index
          %swap3A_234 = tpu.vector_load %arg21[%swap3A_233] {strides = array<i32>} : memref<128xf32, #tpu.memory_space<vmem>>, vector<16xf32>,
          tpu.vector_store %arg21[%swap3A_233], %mul3A_219 {strides = array<i32>} : memref<128xf32, #tpu.memory_space<vmem>>, vector<16xf32>,
          %mul3A_235 = arith.constant 128 : i32
          %mul3A_236 = arith.muli %add3A_142, %mul3A_235 : i32
          %add3A_237 = arith.constant 16 : i32
          %add3A_238 = arith.addi %mul3A_236, %add3A_237 : i32
          %add3A_239 = arith.addi %min3A_90, %add3A_238 : i32
          %add3A_240 = vector.broadcast %add3A_239 : i32 to vector<16xi32>
          %add3A_241 = arith.addi %add3A_240, %iota3A : vector<16xi32>
          %ge3A_242 = vector.broadcast %mul3A_88 : i32 to vector<16xi32>
          %ge3A_243 = arith.cmpi sge, %add3A_241, %ge3A_242 : vector<16xi32>
          %get3A_244 = arith.index_cast %add3A_238 : i32 to index
          %get3A_245 = tpu.vector_load %arg6[%get3A_244] {strides = array<i32>} : memref<2048xf32, #tpu.memory_space<vmem>>, vector<16xf32>,
          %mul3A_246 = arith.constant 5.120000e+02 : f32
          %mul3A_247 = vector.broadcast %mul3A_246 : f32 to vector<16xf32>
          %mul3A_248 = arith.mulf %get3A_245, %mul3A_247 : vector<16xf32>
          %sub3A_249 = arith.constant 5.000000e-01 : f32
          %sub3A_250 = vector.broadcast %sub3A_249 : f32 to vector<16xf32>
          %sub3A_251 = arith.subf %mul3A_248, %sub3A_250 : vector<16xf32>
          %get3A_252 = arith.index_cast %add3A_238 : i32 to index
          %get3A_253 = tpu.vector_load %arg7[%get3A_252] {strides = array<i32>} : memref<2048xf32, #tpu.memory_space<vmem>>, vector<16xf32>,
          %mul3A_254 = arith.constant 5.120000e+02 : f32
          %mul3A_255 = vector.broadcast %mul3A_254 : f32 to vector<16xf32>
          %mul3A_256 = arith.mulf %get3A_253, %mul3A_255 : vector<16xf32>
          %sub3A_257 = arith.constant 5.000000e-01 : f32
          %sub3A_258 = vector.broadcast %sub3A_257 : f32 to vector<16xf32>
          %sub3A_259 = arith.subf %mul3A_256, %sub3A_258 : vector<16xf32>
          %convert_element_type3A_260 = arith.fptosi %sub3A_251 : vector<16xf32> to vector<16xi32>
          %convert_element_type3A_261 = arith.fptosi %sub3A_259 : vector<16xf32> to vector<16xi32>
          %convert_element_type3A_262 = arith.sitofp %convert_element_type3A_260 : vector<16xi32> to vector<16xf32>
          %sub3A_263 = arith.subf %sub3A_251, %convert_element_type3A_262 : vector<16xf32>
          %jit3A_264 = arith.constant 0.000000e+00 : f32
          %jit3A_265 = arith.constant 1.000000e+00 : f32
          %max3A_266 = vector.broadcast %jit3A_264 : f32 to vector<16xf32>
          %max3A_267 = arith.maximumf %max3A_266, %sub3A_263 : vector<16xf32>
          %min3A_268 = vector.broadcast %jit3A_265 : f32 to vector<16xf32>
          %min3A_269 = arith.minimumf %min3A_268, %max3A_267 : vector<16xf32>
          %convert_element_type3A_270 = arith.sitofp %convert_element_type3A_261 : vector<16xi32> to vector<16xf32>
          %sub3A_271 = arith.subf %sub3A_259, %convert_element_type3A_270 : vector<16xf32>
          %jit3A_272 = arith.constant 0.000000e+00 : f32
          %jit3A_273 = arith.constant 1.000000e+00 : f32
          %max3A_274 = vector.broadcast %jit3A_272 : f32 to vector<16xf32>
          %max3A_275 = arith.maximumf %max3A_274, %sub3A_271 : vector<16xf32>
          %min3A_276 = vector.broadcast %jit3A_273 : f32 to vector<16xf32>
          %min3A_277 = arith.minimumf %min3A_276, %max3A_275 : vector<16xf32>
          %get3A_278 = arith.index_cast %add3A_238 : i32 to index
          %get3A_279 = tpu.vector_load %arg8[%get3A_278] {strides = array<i32>} : memref<2048xf32, #tpu.memory_space<vmem>>, vector<16xf32>,
          %get3A_280 = arith.index_cast %add3A_238 : i32 to index
          %get3A_281 = tpu.vector_load %arg9[%get3A_280] {strides = array<i32>} : memref<2048xf32, #tpu.memory_space<vmem>>, vector<16xf32>,
          %mul3A_282 = arith.mulf %get3A_279, %get3A_281 : vector<16xf32>
          %jit3A_283 = arith.constant 0.000000e+00 : f32
          %broadcast_in_dim3A_284 = vector.broadcast %jit3A_283 : f32 to vector<16xf32>
          %select_n3A_285 = arith.select %ge3A_243, %mul3A_282, %broadcast_in_dim3A_284 : vector<16xi1>, vector<16xf32>
          %min3A_286 = arith.constant 511 : i32
          %min3A_287 = vector.broadcast %min3A_286 : i32 to vector<16xi32>
          %min3A_288 = arith.minsi %convert_element_type3A_261, %min3A_287 : vector<16xi32>
          %add3A_289 = arith.constant 1 : i32
          %add3A_290 = vector.broadcast %add3A_289 : i32 to vector<16xi32>
          %add3A_291 = arith.addi %convert_element_type3A_261, %add3A_290 : vector<16xi32>
          %min3A_292 = arith.constant 511 : i32
          %min3A_293 = vector.broadcast %min3A_292 : i32 to vector<16xi32>
          %min3A_294 = arith.minsi %add3A_291, %min3A_293 : vector<16xi32>
          %mul3A_295 = arith.constant 512 : i32
          %mul3A_296 = vector.broadcast %mul3A_295 : i32 to vector<16xi32>
          %mul3A_297 = arith.muli %convert_element_type3A_260, %mul3A_296 : vector<16xi32>
          %add3A_298 = arith.constant 1 : i32
          %add3A_299 = vector.broadcast %add3A_298 : i32 to vector<16xi32>
          %add3A_300 = arith.addi %convert_element_type3A_260, %add3A_299 : vector<16xi32>
          %min3A_301 = arith.constant 511 : i32
          %min3A_302 = vector.broadcast %min3A_301 : i32 to vector<16xi32>
          %min3A_303 = arith.minsi %add3A_300, %min3A_302 : vector<16xi32>
          %mul3A_304 = arith.constant 512 : i32
          %mul3A_305 = vector.broadcast %mul3A_304 : i32 to vector<16xi32>
          %mul3A_306 = arith.muli %min3A_303, %mul3A_305 : vector<16xi32>
          %mul3A_307 = arith.mulf %min3A_269, %select_n3A_285 : vector<16xf32>
          %sub3A_308 = arith.subf %select_n3A_285, %mul3A_307 : vector<16xf32>
          %add3A_309 = arith.addi %mul3A_297, %min3A_288 : vector<16xi32>
          %add3A_310 = arith.addi %mul3A_306, %min3A_288 : vector<16xi32>
          %add3A_311 = arith.addi %mul3A_297, %min3A_294 : vector<16xi32>
          %add3A_312 = arith.addi %mul3A_306, %min3A_294 : vector<16xi32>
          %mul3A_313 = arith.mulf %sub3A_308, %min3A_277 : vector<16xf32>
          %sub3A_314 = arith.subf %sub3A_308, %mul3A_313 : vector<16xf32>
          %mul3A_315 = arith.mulf %mul3A_307, %min3A_277 : vector<16xf32>
          %sub3A_316 = arith.subf %mul3A_307, %mul3A_315 : vector<16xf32>
          %mul3A_317 = arith.mulf %sub3A_308, %min3A_277 : vector<16xf32>
          %mul3A_318 = arith.mulf %mul3A_307, %min3A_277 : vector<16xf32>
          %swap3A_319 = arith.constant 16 : index
          %swap3A_320 = tpu.vector_load %arg14[%swap3A_319] {strides = array<i32>} : memref<128xi32, #tpu.memory_space<vmem>>, vector<16xi32>,
          tpu.vector_store %arg14[%swap3A_319], %add3A_309 {strides = array<i32>} : memref<128xi32, #tpu.memory_space<vmem>>, vector<16xi32>,
          %swap3A_321 = arith.constant 16 : index
          %swap3A_322 = tpu.vector_load %arg15[%swap3A_321] {strides = array<i32>} : memref<128xi32, #tpu.memory_space<vmem>>, vector<16xi32>,
          tpu.vector_store %arg15[%swap3A_321], %add3A_310 {strides = array<i32>} : memref<128xi32, #tpu.memory_space<vmem>>, vector<16xi32>,
          %swap3A_323 = arith.constant 16 : index
          %swap3A_324 = tpu.vector_load %arg16[%swap3A_323] {strides = array<i32>} : memref<128xi32, #tpu.memory_space<vmem>>, vector<16xi32>,
          tpu.vector_store %arg16[%swap3A_323], %add3A_311 {strides = array<i32>} : memref<128xi32, #tpu.memory_space<vmem>>, vector<16xi32>,
          %swap3A_325 = arith.constant 16 : index
          %swap3A_326 = tpu.vector_load %arg17[%swap3A_325] {strides = array<i32>} : memref<128xi32, #tpu.memory_space<vmem>>, vector<16xi32>,
          tpu.vector_store %arg17[%swap3A_325], %add3A_312 {strides = array<i32>} : memref<128xi32, #tpu.memory_space<vmem>>, vector<16xi32>,
          %swap3A_327 = arith.constant 16 : index
          %swap3A_328 = tpu.vector_load %arg18[%swap3A_327] {strides = array<i32>} : memref<128xf32, #tpu.memory_space<vmem>>, vector<16xf32>,
          tpu.vector_store %arg18[%swap3A_327], %sub3A_314 {strides = array<i32>} : memref<128xf32, #tpu.memory_space<vmem>>, vector<16xf32>,
          %swap3A_329 = arith.constant 16 : index
          %swap3A_330 = tpu.vector_load %arg19[%swap3A_329] {strides = array<i32>} : memref<128xf32, #tpu.memory_space<vmem>>, vector<16xf32>,
          tpu.vector_store %arg19[%swap3A_329], %sub3A_316 {strides = array<i32>} : memref<128xf32, #tpu.memory_space<vmem>>, vector<16xf32>,
          %swap3A_331 = arith.constant 16 : index
          %swap3A_332 = tpu.vector_load %arg20[%swap3A_331] {strides = array<i32>} : memref<128xf32, #tpu.memory_space<vmem>>, vector<16xf32>,
          tpu.vector_store %arg20[%swap3A_331], %mul3A_317 {strides = array<i32>} : memref<128xf32, #tpu.memory_space<vmem>>, vector<16xf32>,
          %swap3A_333 = arith.constant 16 : index
          %swap3A_334 = tpu.vector_load %arg21[%swap3A_333] {strides = array<i32>} : memref<128xf32, #tpu.memory_space<vmem>>, vector<16xf32>,
          tpu.vector_store %arg21[%swap3A_333], %mul3A_318 {strides = array<i32>} : memref<128xf32, #tpu.memory_space<vmem>>, vector<16xf32>,
          %mul3A_335 = arith.constant 128 : i32
          %mul3A_336 = arith.muli %add3A_142, %mul3A_335 : i32
          %add3A_337 = arith.constant 32 : i32
          %add3A_338 = arith.addi %mul3A_336, %add3A_337 : i32
          %add3A_339 = arith.addi %min3A_90, %add3A_338 : i32
          %add3A_340 = vector.broadcast %add3A_339 : i32 to vector<16xi32>
          %add3A_341 = arith.addi %add3A_340, %iota3A : vector<16xi32>
          %ge3A_342 = vector.broadcast %mul3A_88 : i32 to vector<16xi32>
          %ge3A_343 = arith.cmpi sge, %add3A_341, %ge3A_342 : vector<16xi32>
          %get3A_344 = arith.index_cast %add3A_338 : i32 to index
          %get3A_345 = tpu.vector_load %arg6[%get3A_344] {strides = array<i32>} : memref<2048xf32, #tpu.memory_space<vmem>>, vector<16xf32>,
          %mul3A_346 = arith.constant 5.120000e+02 : f32
          %mul3A_347 = vector.broadcast %mul3A_346 : f32 to vector<16xf32>
          %mul3A_348 = arith.mulf %get3A_345, %mul3A_347 : vector<16xf32>
          %sub3A_349 = arith.constant 5.000000e-01 : f32
          %sub3A_350 = vector.broadcast %sub3A_349 : f32 to vector<16xf32>
          %sub3A_351 = arith.subf %mul3A_348, %sub3A_350 : vector<16xf32>
          %get3A_352 = arith.index_cast %add3A_338 : i32 to index
          %get3A_353 = tpu.vector_load %arg7[%get3A_352] {strides = array<i32>} : memref<2048xf32, #tpu.memory_space<vmem>>, vector<16xf32>,
          %mul3A_354 = arith.constant 5.120000e+02 : f32
          %mul3A_355 = vector.broadcast %mul3A_354 : f32 to vector<16xf32>
          %mul3A_356 = arith.mulf %get3A_353, %mul3A_355 : vector<16xf32>
          %sub3A_357 = arith.constant 5.000000e-01 : f32
          %sub3A_358 = vector.broadcast %sub3A_357 : f32 to vector<16xf32>
          %sub3A_359 = arith.subf %mul3A_356, %sub3A_358 : vector<16xf32>
          %convert_element_type3A_360 = arith.fptosi %sub3A_351 : vector<16xf32> to vector<16xi32>
          %convert_element_type3A_361 = arith.fptosi %sub3A_359 : vector<16xf32> to vector<16xi32>
          %convert_element_type3A_362 = arith.sitofp %convert_element_type3A_360 : vector<16xi32> to vector<16xf32>
          %sub3A_363 = arith.subf %sub3A_351, %convert_element_type3A_362 : vector<16xf32>
          %jit3A_364 = arith.constant 0.000000e+00 : f32
          %jit3A_365 = arith.constant 1.000000e+00 : f32
          %max3A_366 = vector.broadcast %jit3A_364 : f32 to vector<16xf32>
          %max3A_367 = arith.maximumf %max3A_366, %sub3A_363 : vector<16xf32>
          %min3A_368 = vector.broadcast %jit3A_365 : f32 to vector<16xf32>
          %min3A_369 = arith.minimumf %min3A_368, %max3A_367 : vector<16xf32>
          %convert_element_type3A_370 = arith.sitofp %convert_element_type3A_361 : vector<16xi32> to vector<16xf32>
          %sub3A_371 = arith.subf %sub3A_359, %convert_element_type3A_370 : vector<16xf32>
          %jit3A_372 = arith.constant 0.000000e+00 : f32
          %jit3A_373 = arith.constant 1.000000e+00 : f32
          %max3A_374 = vector.broadcast %jit3A_372 : f32 to vector<16xf32>
          %max3A_375 = arith.maximumf %max3A_374, %sub3A_371 : vector<16xf32>
          %min3A_376 = vector.broadcast %jit3A_373 : f32 to vector<16xf32>
          %min3A_377 = arith.minimumf %min3A_376, %max3A_375 : vector<16xf32>
          %get3A_378 = arith.index_cast %add3A_338 : i32 to index
          %get3A_379 = tpu.vector_load %arg8[%get3A_378] {strides = array<i32>} : memref<2048xf32, #tpu.memory_space<vmem>>, vector<16xf32>,
          %get3A_380 = arith.index_cast %add3A_338 : i32 to index
          %get3A_381 = tpu.vector_load %arg9[%get3A_380] {strides = array<i32>} : memref<2048xf32, #tpu.memory_space<vmem>>, vector<16xf32>,
          %mul3A_382 = arith.mulf %get3A_379, %get3A_381 : vector<16xf32>
          %jit3A_383 = arith.constant 0.000000e+00 : f32
          %broadcast_in_dim3A_384 = vector.broadcast %jit3A_383 : f32 to vector<16xf32>
          %select_n3A_385 = arith.select %ge3A_343, %mul3A_382, %broadcast_in_dim3A_384 : vector<16xi1>, vector<16xf32>
          %min3A_386 = arith.constant 511 : i32
          %min3A_387 = vector.broadcast %min3A_386 : i32 to vector<16xi32>
          %min3A_388 = arith.minsi %convert_element_type3A_361, %min3A_387 : vector<16xi32>
          %add3A_389 = arith.constant 1 : i32
          %add3A_390 = vector.broadcast %add3A_389 : i32 to vector<16xi32>
          %add3A_391 = arith.addi %convert_element_type3A_361, %add3A_390 : vector<16xi32>
          %min3A_392 = arith.constant 511 : i32
          %min3A_393 = vector.broadcast %min3A_392 : i32 to vector<16xi32>
          %min3A_394 = arith.minsi %add3A_391, %min3A_393 : vector<16xi32>
          %mul3A_395 = arith.constant 512 : i32
          %mul3A_396 = vector.broadcast %mul3A_395 : i32 to vector<16xi32>
          %mul3A_397 = arith.muli %convert_element_type3A_360, %mul3A_396 : vector<16xi32>
          %add3A_398 = arith.constant 1 : i32
          %add3A_399 = vector.broadcast %add3A_398 : i32 to vector<16xi32>
          %add3A_400 = arith.addi %convert_element_type3A_360, %add3A_399 : vector<16xi32>
          %min3A_401 = arith.constant 511 : i32
          %min3A_402 = vector.broadcast %min3A_401 : i32 to vector<16xi32>
          %min3A_403 = arith.minsi %add3A_400, %min3A_402 : vector<16xi32>
          %mul3A_404 = arith.constant 512 : i32
          %mul3A_405 = vector.broadcast %mul3A_404 : i32 to vector<16xi32>
          %mul3A_406 = arith.muli %min3A_403, %mul3A_405 : vector<16xi32>
          %mul3A_407 = arith.mulf %min3A_369, %select_n3A_385 : vector<16xf32>
          %sub3A_408 = arith.subf %select_n3A_385, %mul3A_407 : vector<16xf32>
          %add3A_409 = arith.addi %mul3A_397, %min3A_388 : vector<16xi32>
          %add3A_410 = arith.addi %mul3A_406, %min3A_388 : vector<16xi32>
          %add3A_411 = arith.addi %mul3A_397, %min3A_394 : vector<16xi32>
          %add3A_412 = arith.addi %mul3A_406, %min3A_394 : vector<16xi32>
          %mul3A_413 = arith.mulf %sub3A_408, %min3A_377 : vector<16xf32>
          %sub3A_414 = arith.subf %sub3A_408, %mul3A_413 : vector<16xf32>
          %mul3A_415 = arith.mulf %mul3A_407, %min3A_377 : vector<16xf32>
          %sub3A_416 = arith.subf %mul3A_407, %mul3A_415 : vector<16xf32>
          %mul3A_417 = arith.mulf %sub3A_408, %min3A_377 : vector<16xf32>
          %mul3A_418 = arith.mulf %mul3A_407, %min3A_377 : vector<16xf32>
          %swap3A_419 = arith.constant 32 : index
          %swap3A_420 = tpu.vector_load %arg14[%swap3A_419] {strides = array<i32>} : memref<128xi32, #tpu.memory_space<vmem>>, vector<16xi32>,
          tpu.vector_store %arg14[%swap3A_419], %add3A_409 {strides = array<i32>} : memref<128xi32, #tpu.memory_space<vmem>>, vector<16xi32>,
          %swap3A_421 = arith.constant 32 : index
          %swap3A_422 = tpu.vector_load %arg15[%swap3A_421] {strides = array<i32>} : memref<128xi32, #tpu.memory_space<vmem>>, vector<16xi32>,
          tpu.vector_store %arg15[%swap3A_421], %add3A_410 {strides = array<i32>} : memref<128xi32, #tpu.memory_space<vmem>>, vector<16xi32>,
          %swap3A_423 = arith.constant 32 : index
          %swap3A_424 = tpu.vector_load %arg16[%swap3A_423] {strides = array<i32>} : memref<128xi32, #tpu.memory_space<vmem>>, vector<16xi32>,
          tpu.vector_store %arg16[%swap3A_423], %add3A_411 {strides = array<i32>} : memref<128xi32, #tpu.memory_space<vmem>>, vector<16xi32>,
          %swap3A_425 = arith.constant 32 : index
          %swap3A_426 = tpu.vector_load %arg17[%swap3A_425] {strides = array<i32>} : memref<128xi32, #tpu.memory_space<vmem>>, vector<16xi32>,
          tpu.vector_store %arg17[%swap3A_425], %add3A_412 {strides = array<i32>} : memref<128xi32, #tpu.memory_space<vmem>>, vector<16xi32>,
          %swap3A_427 = arith.constant 32 : index
          %swap3A_428 = tpu.vector_load %arg18[%swap3A_427] {strides = array<i32>} : memref<128xf32, #tpu.memory_space<vmem>>, vector<16xf32>,
          tpu.vector_store %arg18[%swap3A_427], %sub3A_414 {strides = array<i32>} : memref<128xf32, #tpu.memory_space<vmem>>, vector<16xf32>,
          %swap3A_429 = arith.constant 32 : index
          %swap3A_430 = tpu.vector_load %arg19[%swap3A_429] {strides = array<i32>} : memref<128xf32, #tpu.memory_space<vmem>>, vector<16xf32>,
          tpu.vector_store %arg19[%swap3A_429], %sub3A_416 {strides = array<i32>} : memref<128xf32, #tpu.memory_space<vmem>>, vector<16xf32>,
          %swap3A_431 = arith.constant 32 : index
          %swap3A_432 = tpu.vector_load %arg20[%swap3A_431] {strides = array<i32>} : memref<128xf32, #tpu.memory_space<vmem>>, vector<16xf32>,
          tpu.vector_store %arg20[%swap3A_431], %mul3A_417 {strides = array<i32>} : memref<128xf32, #tpu.memory_space<vmem>>, vector<16xf32>,
          %swap3A_433 = arith.constant 32 : index
          %swap3A_434 = tpu.vector_load %arg21[%swap3A_433] {strides = array<i32>} : memref<128xf32, #tpu.memory_space<vmem>>, vector<16xf32>,
          tpu.vector_store %arg21[%swap3A_433], %mul3A_418 {strides = array<i32>} : memref<128xf32, #tpu.memory_space<vmem>>, vector<16xf32>,
          %mul3A_435 = arith.constant 128 : i32
          %mul3A_436 = arith.muli %add3A_142, %mul3A_435 : i32
          %add3A_437 = arith.constant 48 : i32
          %add3A_438 = arith.addi %mul3A_436, %add3A_437 : i32
          %add3A_439 = arith.addi %min3A_90, %add3A_438 : i32
          %add3A_440 = vector.broadcast %add3A_439 : i32 to vector<16xi32>
          %add3A_441 = arith.addi %add3A_440, %iota3A : vector<16xi32>
          %ge3A_442 = vector.broadcast %mul3A_88 : i32 to vector<16xi32>
          %ge3A_443 = arith.cmpi sge, %add3A_441, %ge3A_442 : vector<16xi32>
          %get3A_444 = arith.index_cast %add3A_438 : i32 to index
          %get3A_445 = tpu.vector_load %arg6[%get3A_444] {strides = array<i32>} : memref<2048xf32, #tpu.memory_space<vmem>>, vector<16xf32>,
          %mul3A_446 = arith.constant 5.120000e+02 : f32
          %mul3A_447 = vector.broadcast %mul3A_446 : f32 to vector<16xf32>
          %mul3A_448 = arith.mulf %get3A_445, %mul3A_447 : vector<16xf32>
          %sub3A_449 = arith.constant 5.000000e-01 : f32
          %sub3A_450 = vector.broadcast %sub3A_449 : f32 to vector<16xf32>
          %sub3A_451 = arith.subf %mul3A_448, %sub3A_450 : vector<16xf32>
          %get3A_452 = arith.index_cast %add3A_438 : i32 to index
          %get3A_453 = tpu.vector_load %arg7[%get3A_452] {strides = array<i32>} : memref<2048xf32, #tpu.memory_space<vmem>>, vector<16xf32>,
          %mul3A_454 = arith.constant 5.120000e+02 : f32
          %mul3A_455 = vector.broadcast %mul3A_454 : f32 to vector<16xf32>
          %mul3A_456 = arith.mulf %get3A_453, %mul3A_455 : vector<16xf32>
          %sub3A_457 = arith.constant 5.000000e-01 : f32
          %sub3A_458 = vector.broadcast %sub3A_457 : f32 to vector<16xf32>
          %sub3A_459 = arith.subf %mul3A_456, %sub3A_458 : vector<16xf32>
          %convert_element_type3A_460 = arith.fptosi %sub3A_451 : vector<16xf32> to vector<16xi32>
          %convert_element_type3A_461 = arith.fptosi %sub3A_459 : vector<16xf32> to vector<16xi32>
          %convert_element_type3A_462 = arith.sitofp %convert_element_type3A_460 : vector<16xi32> to vector<16xf32>
          %sub3A_463 = arith.subf %sub3A_451, %convert_element_type3A_462 : vector<16xf32>
          %jit3A_464 = arith.constant 0.000000e+00 : f32
          %jit3A_465 = arith.constant 1.000000e+00 : f32
          %max3A_466 = vector.broadcast %jit3A_464 : f32 to vector<16xf32>
          %max3A_467 = arith.maximumf %max3A_466, %sub3A_463 : vector<16xf32>
          %min3A_468 = vector.broadcast %jit3A_465 : f32 to vector<16xf32>
          %min3A_469 = arith.minimumf %min3A_468, %max3A_467 : vector<16xf32>
          %convert_element_type3A_470 = arith.sitofp %convert_element_type3A_461 : vector<16xi32> to vector<16xf32>
          %sub3A_471 = arith.subf %sub3A_459, %convert_element_type3A_470 : vector<16xf32>
          %jit3A_472 = arith.constant 0.000000e+00 : f32
          %jit3A_473 = arith.constant 1.000000e+00 : f32
          %max3A_474 = vector.broadcast %jit3A_472 : f32 to vector<16xf32>
          %max3A_475 = arith.maximumf %max3A_474, %sub3A_471 : vector<16xf32>
          %min3A_476 = vector.broadcast %jit3A_473 : f32 to vector<16xf32>
          %min3A_477 = arith.minimumf %min3A_476, %max3A_475 : vector<16xf32>
          %get3A_478 = arith.index_cast %add3A_438 : i32 to index
          %get3A_479 = tpu.vector_load %arg8[%get3A_478] {strides = array<i32>} : memref<2048xf32, #tpu.memory_space<vmem>>, vector<16xf32>,
          %get3A_480 = arith.index_cast %add3A_438 : i32 to index
          %get3A_481 = tpu.vector_load %arg9[%get3A_480] {strides = array<i32>} : memref<2048xf32, #tpu.memory_space<vmem>>, vector<16xf32>,
          %mul3A_482 = arith.mulf %get3A_479, %get3A_481 : vector<16xf32>
          %jit3A_483 = arith.constant 0.000000e+00 : f32
          %broadcast_in_dim3A_484 = vector.broadcast %jit3A_483 : f32 to vector<16xf32>
          %select_n3A_485 = arith.select %ge3A_443, %mul3A_482, %broadcast_in_dim3A_484 : vector<16xi1>, vector<16xf32>
          %min3A_486 = arith.constant 511 : i32
          %min3A_487 = vector.broadcast %min3A_486 : i32 to vector<16xi32>
          %min3A_488 = arith.minsi %convert_element_type3A_461, %min3A_487 : vector<16xi32>
          %add3A_489 = arith.constant 1 : i32
          %add3A_490 = vector.broadcast %add3A_489 : i32 to vector<16xi32>
          %add3A_491 = arith.addi %convert_element_type3A_461, %add3A_490 : vector<16xi32>
          %min3A_492 = arith.constant 511 : i32
          %min3A_493 = vector.broadcast %min3A_492 : i32 to vector<16xi32>
          %min3A_494 = arith.minsi %add3A_491, %min3A_493 : vector<16xi32>
          %mul3A_495 = arith.constant 512 : i32
          %mul3A_496 = vector.broadcast %mul3A_495 : i32 to vector<16xi32>
          %mul3A_497 = arith.muli %convert_element_type3A_460, %mul3A_496 : vector<16xi32>
          %add3A_498 = arith.constant 1 : i32
          %add3A_499 = vector.broadcast %add3A_498 : i32 to vector<16xi32>
          %add3A_500 = arith.addi %convert_element_type3A_460, %add3A_499 : vector<16xi32>
          %min3A_501 = arith.constant 511 : i32
          %min3A_502 = vector.broadcast %min3A_501 : i32 to vector<16xi32>
          %min3A_503 = arith.minsi %add3A_500, %min3A_502 : vector<16xi32>
          %mul3A_504 = arith.constant 512 : i32
          %mul3A_505 = vector.broadcast %mul3A_504 : i32 to vector<16xi32>
          %mul3A_506 = arith.muli %min3A_503, %mul3A_505 : vector<16xi32>
          %mul3A_507 = arith.mulf %min3A_469, %select_n3A_485 : vector<16xf32>
          %sub3A_508 = arith.subf %select_n3A_485, %mul3A_507 : vector<16xf32>
          %add3A_509 = arith.addi %mul3A_497, %min3A_488 : vector<16xi32>
          %add3A_510 = arith.addi %mul3A_506, %min3A_488 : vector<16xi32>
          %add3A_511 = arith.addi %mul3A_497, %min3A_494 : vector<16xi32>
          %add3A_512 = arith.addi %mul3A_506, %min3A_494 : vector<16xi32>
          %mul3A_513 = arith.mulf %sub3A_508, %min3A_477 : vector<16xf32>
          %sub3A_514 = arith.subf %sub3A_508, %mul3A_513 : vector<16xf32>
          %mul3A_515 = arith.mulf %mul3A_507, %min3A_477 : vector<16xf32>
          %sub3A_516 = arith.subf %mul3A_507, %mul3A_515 : vector<16xf32>
          %mul3A_517 = arith.mulf %sub3A_508, %min3A_477 : vector<16xf32>
          %mul3A_518 = arith.mulf %mul3A_507, %min3A_477 : vector<16xf32>
          %swap3A_519 = arith.constant 48 : index
          %swap3A_520 = tpu.vector_load %arg14[%swap3A_519] {strides = array<i32>} : memref<128xi32, #tpu.memory_space<vmem>>, vector<16xi32>,
          tpu.vector_store %arg14[%swap3A_519], %add3A_509 {strides = array<i32>} : memref<128xi32, #tpu.memory_space<vmem>>, vector<16xi32>,
          %swap3A_521 = arith.constant 48 : index
          %swap3A_522 = tpu.vector_load %arg15[%swap3A_521] {strides = array<i32>} : memref<128xi32, #tpu.memory_space<vmem>>, vector<16xi32>,
          tpu.vector_store %arg15[%swap3A_521], %add3A_510 {strides = array<i32>} : memref<128xi32, #tpu.memory_space<vmem>>, vector<16xi32>,
          %swap3A_523 = arith.constant 48 : index
          %swap3A_524 = tpu.vector_load %arg16[%swap3A_523] {strides = array<i32>} : memref<128xi32, #tpu.memory_space<vmem>>, vector<16xi32>,
          tpu.vector_store %arg16[%swap3A_523], %add3A_511 {strides = array<i32>} : memref<128xi32, #tpu.memory_space<vmem>>, vector<16xi32>,
          %swap3A_525 = arith.constant 48 : index
          %swap3A_526 = tpu.vector_load %arg17[%swap3A_525] {strides = array<i32>} : memref<128xi32, #tpu.memory_space<vmem>>, vector<16xi32>,
          tpu.vector_store %arg17[%swap3A_525], %add3A_512 {strides = array<i32>} : memref<128xi32, #tpu.memory_space<vmem>>, vector<16xi32>,
          %swap3A_527 = arith.constant 48 : index
          %swap3A_528 = tpu.vector_load %arg18[%swap3A_527] {strides = array<i32>} : memref<128xf32, #tpu.memory_space<vmem>>, vector<16xf32>,
          tpu.vector_store %arg18[%swap3A_527], %sub3A_514 {strides = array<i32>} : memref<128xf32, #tpu.memory_space<vmem>>, vector<16xf32>,
          %swap3A_529 = arith.constant 48 : index
          %swap3A_530 = tpu.vector_load %arg19[%swap3A_529] {strides = array<i32>} : memref<128xf32, #tpu.memory_space<vmem>>, vector<16xf32>,
          tpu.vector_store %arg19[%swap3A_529], %sub3A_516 {strides = array<i32>} : memref<128xf32, #tpu.memory_space<vmem>>, vector<16xf32>,
          %swap3A_531 = arith.constant 48 : index
          %swap3A_532 = tpu.vector_load %arg20[%swap3A_531] {strides = array<i32>} : memref<128xf32, #tpu.memory_space<vmem>>, vector<16xf32>,
          tpu.vector_store %arg20[%swap3A_531], %mul3A_517 {strides = array<i32>} : memref<128xf32, #tpu.memory_space<vmem>>, vector<16xf32>,
          %swap3A_533 = arith.constant 48 : index
          %swap3A_534 = tpu.vector_load %arg21[%swap3A_533] {strides = array<i32>} : memref<128xf32, #tpu.memory_space<vmem>>, vector<16xf32>,
          tpu.vector_store %arg21[%swap3A_533], %mul3A_518 {strides = array<i32>} : memref<128xf32, #tpu.memory_space<vmem>>, vector<16xf32>,
          %mul3A_535 = arith.constant 128 : i32
          %mul3A_536 = arith.muli %add3A_142, %mul3A_535 : i32
          %add3A_537 = arith.constant 64 : i32
          %add3A_538 = arith.addi %mul3A_536, %add3A_537 : i32
          %add3A_539 = arith.addi %min3A_90, %add3A_538 : i32
          %add3A_540 = vector.broadcast %add3A_539 : i32 to vector<16xi32>
          %add3A_541 = arith.addi %add3A_540, %iota3A : vector<16xi32>
          %ge3A_542 = vector.broadcast %mul3A_88 : i32 to vector<16xi32>
          %ge3A_543 = arith.cmpi sge, %add3A_541, %ge3A_542 : vector<16xi32>
          %get3A_544 = arith.index_cast %add3A_538 : i32 to index
          %get3A_545 = tpu.vector_load %arg6[%get3A_544] {strides = array<i32>} : memref<2048xf32, #tpu.memory_space<vmem>>, vector<16xf32>,
          %mul3A_546 = arith.constant 5.120000e+02 : f32
          %mul3A_547 = vector.broadcast %mul3A_546 : f32 to vector<16xf32>
          %mul3A_548 = arith.mulf %get3A_545, %mul3A_547 : vector<16xf32>
          %sub3A_549 = arith.constant 5.000000e-01 : f32
          %sub3A_550 = vector.broadcast %sub3A_549 : f32 to vector<16xf32>
          %sub3A_551 = arith.subf %mul3A_548, %sub3A_550 : vector<16xf32>
          %get3A_552 = arith.index_cast %add3A_538 : i32 to index
          %get3A_553 = tpu.vector_load %arg7[%get3A_552] {strides = array<i32>} : memref<2048xf32, #tpu.memory_space<vmem>>, vector<16xf32>,
          %mul3A_554 = arith.constant 5.120000e+02 : f32
          %mul3A_555 = vector.broadcast %mul3A_554 : f32 to vector<16xf32>
          %mul3A_556 = arith.mulf %get3A_553, %mul3A_555 : vector<16xf32>
          %sub3A_557 = arith.constant 5.000000e-01 : f32
          %sub3A_558 = vector.broadcast %sub3A_557 : f32 to vector<16xf32>
          %sub3A_559 = arith.subf %mul3A_556, %sub3A_558 : vector<16xf32>
          %convert_element_type3A_560 = arith.fptosi %sub3A_551 : vector<16xf32> to vector<16xi32>
          %convert_element_type3A_561 = arith.fptosi %sub3A_559 : vector<16xf32> to vector<16xi32>
          %convert_element_type3A_562 = arith.sitofp %convert_element_type3A_560 : vector<16xi32> to vector<16xf32>
          %sub3A_563 = arith.subf %sub3A_551, %convert_element_type3A_562 : vector<16xf32>
          %jit3A_564 = arith.constant 0.000000e+00 : f32
          %jit3A_565 = arith.constant 1.000000e+00 : f32
          %max3A_566 = vector.broadcast %jit3A_564 : f32 to vector<16xf32>
          %max3A_567 = arith.maximumf %max3A_566, %sub3A_563 : vector<16xf32>
          %min3A_568 = vector.broadcast %jit3A_565 : f32 to vector<16xf32>
          %min3A_569 = arith.minimumf %min3A_568, %max3A_567 : vector<16xf32>
          %convert_element_type3A_570 = arith.sitofp %convert_element_type3A_561 : vector<16xi32> to vector<16xf32>
          %sub3A_571 = arith.subf %sub3A_559, %convert_element_type3A_570 : vector<16xf32>
          %jit3A_572 = arith.constant 0.000000e+00 : f32
          %jit3A_573 = arith.constant 1.000000e+00 : f32
          %max3A_574 = vector.broadcast %jit3A_572 : f32 to vector<16xf32>
          %max3A_575 = arith.maximumf %max3A_574, %sub3A_571 : vector<16xf32>
          %min3A_576 = vector.broadcast %jit3A_573 : f32 to vector<16xf32>
          %min3A_577 = arith.minimumf %min3A_576, %max3A_575 : vector<16xf32>
          %get3A_578 = arith.index_cast %add3A_538 : i32 to index
          %get3A_579 = tpu.vector_load %arg8[%get3A_578] {strides = array<i32>} : memref<2048xf32, #tpu.memory_space<vmem>>, vector<16xf32>,
          %get3A_580 = arith.index_cast %add3A_538 : i32 to index
          %get3A_581 = tpu.vector_load %arg9[%get3A_580] {strides = array<i32>} : memref<2048xf32, #tpu.memory_space<vmem>>, vector<16xf32>,
          %mul3A_582 = arith.mulf %get3A_579, %get3A_581 : vector<16xf32>
          %jit3A_583 = arith.constant 0.000000e+00 : f32
          %broadcast_in_dim3A_584 = vector.broadcast %jit3A_583 : f32 to vector<16xf32>
          %select_n3A_585 = arith.select %ge3A_543, %mul3A_582, %broadcast_in_dim3A_584 : vector<16xi1>, vector<16xf32>
          %min3A_586 = arith.constant 511 : i32
          %min3A_587 = vector.broadcast %min3A_586 : i32 to vector<16xi32>
          %min3A_588 = arith.minsi %convert_element_type3A_561, %min3A_587 : vector<16xi32>
          %add3A_589 = arith.constant 1 : i32
          %add3A_590 = vector.broadcast %add3A_589 : i32 to vector<16xi32>
          %add3A_591 = arith.addi %convert_element_type3A_561, %add3A_590 : vector<16xi32>
          %min3A_592 = arith.constant 511 : i32
          %min3A_593 = vector.broadcast %min3A_592 : i32 to vector<16xi32>
          %min3A_594 = arith.minsi %add3A_591, %min3A_593 : vector<16xi32>
          %mul3A_595 = arith.constant 512 : i32
          %mul3A_596 = vector.broadcast %mul3A_595 : i32 to vector<16xi32>
          %mul3A_597 = arith.muli %convert_element_type3A_560, %mul3A_596 : vector<16xi32>
          %add3A_598 = arith.constant 1 : i32
          %add3A_599 = vector.broadcast %add3A_598 : i32 to vector<16xi32>
          %add3A_600 = arith.addi %convert_element_type3A_560, %add3A_599 : vector<16xi32>
          %min3A_601 = arith.constant 511 : i32
          %min3A_602 = vector.broadcast %min3A_601 : i32 to vector<16xi32>
          %min3A_603 = arith.minsi %add3A_600, %min3A_602 : vector<16xi32>
          %mul3A_604 = arith.constant 512 : i32
          %mul3A_605 = vector.broadcast %mul3A_604 : i32 to vector<16xi32>
          %mul3A_606 = arith.muli %min3A_603, %mul3A_605 : vector<16xi32>
          %mul3A_607 = arith.mulf %min3A_569, %select_n3A_585 : vector<16xf32>
          %sub3A_608 = arith.subf %select_n3A_585, %mul3A_607 : vector<16xf32>
          %add3A_609 = arith.addi %mul3A_597, %min3A_588 : vector<16xi32>
          %add3A_610 = arith.addi %mul3A_606, %min3A_588 : vector<16xi32>
          %add3A_611 = arith.addi %mul3A_597, %min3A_594 : vector<16xi32>
          %add3A_612 = arith.addi %mul3A_606, %min3A_594 : vector<16xi32>
          %mul3A_613 = arith.mulf %sub3A_608, %min3A_577 : vector<16xf32>
          %sub3A_614 = arith.subf %sub3A_608, %mul3A_613 : vector<16xf32>
          %mul3A_615 = arith.mulf %mul3A_607, %min3A_577 : vector<16xf32>
          %sub3A_616 = arith.subf %mul3A_607, %mul3A_615 : vector<16xf32>
          %mul3A_617 = arith.mulf %sub3A_608, %min3A_577 : vector<16xf32>
          %mul3A_618 = arith.mulf %mul3A_607, %min3A_577 : vector<16xf32>
          %swap3A_619 = arith.constant 64 : index
          %swap3A_620 = tpu.vector_load %arg14[%swap3A_619] {strides = array<i32>} : memref<128xi32, #tpu.memory_space<vmem>>, vector<16xi32>,
          tpu.vector_store %arg14[%swap3A_619], %add3A_609 {strides = array<i32>} : memref<128xi32, #tpu.memory_space<vmem>>, vector<16xi32>,
          %swap3A_621 = arith.constant 64 : index
          %swap3A_622 = tpu.vector_load %arg15[%swap3A_621] {strides = array<i32>} : memref<128xi32, #tpu.memory_space<vmem>>, vector<16xi32>,
          tpu.vector_store %arg15[%swap3A_621], %add3A_610 {strides = array<i32>} : memref<128xi32, #tpu.memory_space<vmem>>, vector<16xi32>,
          %swap3A_623 = arith.constant 64 : index
          %swap3A_624 = tpu.vector_load %arg16[%swap3A_623] {strides = array<i32>} : memref<128xi32, #tpu.memory_space<vmem>>, vector<16xi32>,
          tpu.vector_store %arg16[%swap3A_623], %add3A_611 {strides = array<i32>} : memref<128xi32, #tpu.memory_space<vmem>>, vector<16xi32>,
          %swap3A_625 = arith.constant 64 : index
          %swap3A_626 = tpu.vector_load %arg17[%swap3A_625] {strides = array<i32>} : memref<128xi32, #tpu.memory_space<vmem>>, vector<16xi32>,
          tpu.vector_store %arg17[%swap3A_625], %add3A_612 {strides = array<i32>} : memref<128xi32, #tpu.memory_space<vmem>>, vector<16xi32>,
          %swap3A_627 = arith.constant 64 : index
          %swap3A_628 = tpu.vector_load %arg18[%swap3A_627] {strides = array<i32>} : memref<128xf32, #tpu.memory_space<vmem>>, vector<16xf32>,
          tpu.vector_store %arg18[%swap3A_627], %sub3A_614 {strides = array<i32>} : memref<128xf32, #tpu.memory_space<vmem>>, vector<16xf32>,
          %swap3A_629 = arith.constant 64 : index
          %swap3A_630 = tpu.vector_load %arg19[%swap3A_629] {strides = array<i32>} : memref<128xf32, #tpu.memory_space<vmem>>, vector<16xf32>,
          tpu.vector_store %arg19[%swap3A_629], %sub3A_616 {strides = array<i32>} : memref<128xf32, #tpu.memory_space<vmem>>, vector<16xf32>,
          %swap3A_631 = arith.constant 64 : index
          %swap3A_632 = tpu.vector_load %arg20[%swap3A_631] {strides = array<i32>} : memref<128xf32, #tpu.memory_space<vmem>>, vector<16xf32>,
          tpu.vector_store %arg20[%swap3A_631], %mul3A_617 {strides = array<i32>} : memref<128xf32, #tpu.memory_space<vmem>>, vector<16xf32>,
          %swap3A_633 = arith.constant 64 : index
          %swap3A_634 = tpu.vector_load %arg21[%swap3A_633] {strides = array<i32>} : memref<128xf32, #tpu.memory_space<vmem>>, vector<16xf32>,
          tpu.vector_store %arg21[%swap3A_633], %mul3A_618 {strides = array<i32>} : memref<128xf32, #tpu.memory_space<vmem>>, vector<16xf32>,
          %mul3A_635 = arith.constant 128 : i32
          %mul3A_636 = arith.muli %add3A_142, %mul3A_635 : i32
          %add3A_637 = arith.constant 80 : i32
          %add3A_638 = arith.addi %mul3A_636, %add3A_637 : i32
          %add3A_639 = arith.addi %min3A_90, %add3A_638 : i32
          %add3A_640 = vector.broadcast %add3A_639 : i32 to vector<16xi32>
          %add3A_641 = arith.addi %add3A_640, %iota3A : vector<16xi32>
          %ge3A_642 = vector.broadcast %mul3A_88 : i32 to vector<16xi32>
          %ge3A_643 = arith.cmpi sge, %add3A_641, %ge3A_642 : vector<16xi32>
          %get3A_644 = arith.index_cast %add3A_638 : i32 to index
          %get3A_645 = tpu.vector_load %arg6[%get3A_644] {strides = array<i32>} : memref<2048xf32, #tpu.memory_space<vmem>>, vector<16xf32>,
          %mul3A_646 = arith.constant 5.120000e+02 : f32
          %mul3A_647 = vector.broadcast %mul3A_646 : f32 to vector<16xf32>
          %mul3A_648 = arith.mulf %get3A_645, %mul3A_647 : vector<16xf32>
          %sub3A_649 = arith.constant 5.000000e-01 : f32
          %sub3A_650 = vector.broadcast %sub3A_649 : f32 to vector<16xf32>
          %sub3A_651 = arith.subf %mul3A_648, %sub3A_650 : vector<16xf32>
          %get3A_652 = arith.index_cast %add3A_638 : i32 to index
          %get3A_653 = tpu.vector_load %arg7[%get3A_652] {strides = array<i32>} : memref<2048xf32, #tpu.memory_space<vmem>>, vector<16xf32>,
          %mul3A_654 = arith.constant 5.120000e+02 : f32
          %mul3A_655 = vector.broadcast %mul3A_654 : f32 to vector<16xf32>
          %mul3A_656 = arith.mulf %get3A_653, %mul3A_655 : vector<16xf32>
          %sub3A_657 = arith.constant 5.000000e-01 : f32
          %sub3A_658 = vector.broadcast %sub3A_657 : f32 to vector<16xf32>
          %sub3A_659 = arith.subf %mul3A_656, %sub3A_658 : vector<16xf32>
          %convert_element_type3A_660 = arith.fptosi %sub3A_651 : vector<16xf32> to vector<16xi32>
          %convert_element_type3A_661 = arith.fptosi %sub3A_659 : vector<16xf32> to vector<16xi32>
          %convert_element_type3A_662 = arith.sitofp %convert_element_type3A_660 : vector<16xi32> to vector<16xf32>
          %sub3A_663 = arith.subf %sub3A_651, %convert_element_type3A_662 : vector<16xf32>
          %jit3A_664 = arith.constant 0.000000e+00 : f32
          %jit3A_665 = arith.constant 1.000000e+00 : f32
          %max3A_666 = vector.broadcast %jit3A_664 : f32 to vector<16xf32>
          %max3A_667 = arith.maximumf %max3A_666, %sub3A_663 : vector<16xf32>
          %min3A_668 = vector.broadcast %jit3A_665 : f32 to vector<16xf32>
          %min3A_669 = arith.minimumf %min3A_668, %max3A_667 : vector<16xf32>
          %convert_element_type3A_670 = arith.sitofp %convert_element_type3A_661 : vector<16xi32> to vector<16xf32>
          %sub3A_671 = arith.subf %sub3A_659, %convert_element_type3A_670 : vector<16xf32>
          %jit3A_672 = arith.constant 0.000000e+00 : f32
          %jit3A_673 = arith.constant 1.000000e+00 : f32
          %max3A_674 = vector.broadcast %jit3A_672 : f32 to vector<16xf32>
          %max3A_675 = arith.maximumf %max3A_674, %sub3A_671 : vector<16xf32>
          %min3A_676 = vector.broadcast %jit3A_673 : f32 to vector<16xf32>
          %min3A_677 = arith.minimumf %min3A_676, %max3A_675 : vector<16xf32>
          %get3A_678 = arith.index_cast %add3A_638 : i32 to index
          %get3A_679 = tpu.vector_load %arg8[%get3A_678] {strides = array<i32>} : memref<2048xf32, #tpu.memory_space<vmem>>, vector<16xf32>,
          %get3A_680 = arith.index_cast %add3A_638 : i32 to index
          %get3A_681 = tpu.vector_load %arg9[%get3A_680] {strides = array<i32>} : memref<2048xf32, #tpu.memory_space<vmem>>, vector<16xf32>,
          %mul3A_682 = arith.mulf %get3A_679, %get3A_681 : vector<16xf32>
          %jit3A_683 = arith.constant 0.000000e+00 : f32
          %broadcast_in_dim3A_684 = vector.broadcast %jit3A_683 : f32 to vector<16xf32>
          %select_n3A_685 = arith.select %ge3A_643, %mul3A_682, %broadcast_in_dim3A_684 : vector<16xi1>, vector<16xf32>
          %min3A_686 = arith.constant 511 : i32
          %min3A_687 = vector.broadcast %min3A_686 : i32 to vector<16xi32>
          %min3A_688 = arith.minsi %convert_element_type3A_661, %min3A_687 : vector<16xi32>
          %add3A_689 = arith.constant 1 : i32
          %add3A_690 = vector.broadcast %add3A_689 : i32 to vector<16xi32>
          %add3A_691 = arith.addi %convert_element_type3A_661, %add3A_690 : vector<16xi32>
          %min3A_692 = arith.constant 511 : i32
          %min3A_693 = vector.broadcast %min3A_692 : i32 to vector<16xi32>
          %min3A_694 = arith.minsi %add3A_691, %min3A_693 : vector<16xi32>
          %mul3A_695 = arith.constant 512 : i32
          %mul3A_696 = vector.broadcast %mul3A_695 : i32 to vector<16xi32>
          %mul3A_697 = arith.muli %convert_element_type3A_660, %mul3A_696 : vector<16xi32>
          %add3A_698 = arith.constant 1 : i32
          %add3A_699 = vector.broadcast %add3A_698 : i32 to vector<16xi32>
          %add3A_700 = arith.addi %convert_element_type3A_660, %add3A_699 : vector<16xi32>
          %min3A_701 = arith.constant 511 : i32
          %min3A_702 = vector.broadcast %min3A_701 : i32 to vector<16xi32>
          %min3A_703 = arith.minsi %add3A_700, %min3A_702 : vector<16xi32>
          %mul3A_704 = arith.constant 512 : i32
          %mul3A_705 = vector.broadcast %mul3A_704 : i32 to vector<16xi32>
          %mul3A_706 = arith.muli %min3A_703, %mul3A_705 : vector<16xi32>
          %mul3A_707 = arith.mulf %min3A_669, %select_n3A_685 : vector<16xf32>
          %sub3A_708 = arith.subf %select_n3A_685, %mul3A_707 : vector<16xf32>
          %add3A_709 = arith.addi %mul3A_697, %min3A_688 : vector<16xi32>
          %add3A_710 = arith.addi %mul3A_706, %min3A_688 : vector<16xi32>
          %add3A_711 = arith.addi %mul3A_697, %min3A_694 : vector<16xi32>
          %add3A_712 = arith.addi %mul3A_706, %min3A_694 : vector<16xi32>
          %mul3A_713 = arith.mulf %sub3A_708, %min3A_677 : vector<16xf32>
          %sub3A_714 = arith.subf %sub3A_708, %mul3A_713 : vector<16xf32>
          %mul3A_715 = arith.mulf %mul3A_707, %min3A_677 : vector<16xf32>
          %sub3A_716 = arith.subf %mul3A_707, %mul3A_715 : vector<16xf32>
          %mul3A_717 = arith.mulf %sub3A_708, %min3A_677 : vector<16xf32>
          %mul3A_718 = arith.mulf %mul3A_707, %min3A_677 : vector<16xf32>
          %swap3A_719 = arith.constant 80 : index
          %swap3A_720 = tpu.vector_load %arg14[%swap3A_719] {strides = array<i32>} : memref<128xi32, #tpu.memory_space<vmem>>, vector<16xi32>,
          tpu.vector_store %arg14[%swap3A_719], %add3A_709 {strides = array<i32>} : memref<128xi32, #tpu.memory_space<vmem>>, vector<16xi32>,
          %swap3A_721 = arith.constant 80 : index
          %swap3A_722 = tpu.vector_load %arg15[%swap3A_721] {strides = array<i32>} : memref<128xi32, #tpu.memory_space<vmem>>, vector<16xi32>,
          tpu.vector_store %arg15[%swap3A_721], %add3A_710 {strides = array<i32>} : memref<128xi32, #tpu.memory_space<vmem>>, vector<16xi32>,
          %swap3A_723 = arith.constant 80 : index
          %swap3A_724 = tpu.vector_load %arg16[%swap3A_723] {strides = array<i32>} : memref<128xi32, #tpu.memory_space<vmem>>, vector<16xi32>,
          tpu.vector_store %arg16[%swap3A_723], %add3A_711 {strides = array<i32>} : memref<128xi32, #tpu.memory_space<vmem>>, vector<16xi32>,
          %swap3A_725 = arith.constant 80 : index
          %swap3A_726 = tpu.vector_load %arg17[%swap3A_725] {strides = array<i32>} : memref<128xi32, #tpu.memory_space<vmem>>, vector<16xi32>,
          tpu.vector_store %arg17[%swap3A_725], %add3A_712 {strides = array<i32>} : memref<128xi32, #tpu.memory_space<vmem>>, vector<16xi32>,
          %swap3A_727 = arith.constant 80 : index
          %swap3A_728 = tpu.vector_load %arg18[%swap3A_727] {strides = array<i32>} : memref<128xf32, #tpu.memory_space<vmem>>, vector<16xf32>,
          tpu.vector_store %arg18[%swap3A_727], %sub3A_714 {strides = array<i32>} : memref<128xf32, #tpu.memory_space<vmem>>, vector<16xf32>,
          %swap3A_729 = arith.constant 80 : index
          %swap3A_730 = tpu.vector_load %arg19[%swap3A_729] {strides = array<i32>} : memref<128xf32, #tpu.memory_space<vmem>>, vector<16xf32>,
          tpu.vector_store %arg19[%swap3A_729], %sub3A_716 {strides = array<i32>} : memref<128xf32, #tpu.memory_space<vmem>>, vector<16xf32>,
          %swap3A_731 = arith.constant 80 : index
          %swap3A_732 = tpu.vector_load %arg20[%swap3A_731] {strides = array<i32>} : memref<128xf32, #tpu.memory_space<vmem>>, vector<16xf32>,
          tpu.vector_store %arg20[%swap3A_731], %mul3A_717 {strides = array<i32>} : memref<128xf32, #tpu.memory_space<vmem>>, vector<16xf32>,
          %swap3A_733 = arith.constant 80 : index
          %swap3A_734 = tpu.vector_load %arg21[%swap3A_733] {strides = array<i32>} : memref<128xf32, #tpu.memory_space<vmem>>, vector<16xf32>,
          tpu.vector_store %arg21[%swap3A_733], %mul3A_718 {strides = array<i32>} : memref<128xf32, #tpu.memory_space<vmem>>, vector<16xf32>,
          %mul3A_735 = arith.constant 128 : i32
          %mul3A_736 = arith.muli %add3A_142, %mul3A_735 : i32
          %add3A_737 = arith.constant 96 : i32
          %add3A_738 = arith.addi %mul3A_736, %add3A_737 : i32
          %add3A_739 = arith.addi %min3A_90, %add3A_738 : i32
          %add3A_740 = vector.broadcast %add3A_739 : i32 to vector<16xi32>
          %add3A_741 = arith.addi %add3A_740, %iota3A : vector<16xi32>
          %ge3A_742 = vector.broadcast %mul3A_88 : i32 to vector<16xi32>
          %ge3A_743 = arith.cmpi sge, %add3A_741, %ge3A_742 : vector<16xi32>
          %get3A_744 = arith.index_cast %add3A_738 : i32 to index
          %get3A_745 = tpu.vector_load %arg6[%get3A_744] {strides = array<i32>} : memref<2048xf32, #tpu.memory_space<vmem>>, vector<16xf32>,
          %mul3A_746 = arith.constant 5.120000e+02 : f32
          %mul3A_747 = vector.broadcast %mul3A_746 : f32 to vector<16xf32>
          %mul3A_748 = arith.mulf %get3A_745, %mul3A_747 : vector<16xf32>
          %sub3A_749 = arith.constant 5.000000e-01 : f32
          %sub3A_750 = vector.broadcast %sub3A_749 : f32 to vector<16xf32>
          %sub3A_751 = arith.subf %mul3A_748, %sub3A_750 : vector<16xf32>
          %get3A_752 = arith.index_cast %add3A_738 : i32 to index
          %get3A_753 = tpu.vector_load %arg7[%get3A_752] {strides = array<i32>} : memref<2048xf32, #tpu.memory_space<vmem>>, vector<16xf32>,
          %mul3A_754 = arith.constant 5.120000e+02 : f32
          %mul3A_755 = vector.broadcast %mul3A_754 : f32 to vector<16xf32>
          %mul3A_756 = arith.mulf %get3A_753, %mul3A_755 : vector<16xf32>
          %sub3A_757 = arith.constant 5.000000e-01 : f32
          %sub3A_758 = vector.broadcast %sub3A_757 : f32 to vector<16xf32>
          %sub3A_759 = arith.subf %mul3A_756, %sub3A_758 : vector<16xf32>
          %convert_element_type3A_760 = arith.fptosi %sub3A_751 : vector<16xf32> to vector<16xi32>
          %convert_element_type3A_761 = arith.fptosi %sub3A_759 : vector<16xf32> to vector<16xi32>
          %convert_element_type3A_762 = arith.sitofp %convert_element_type3A_760 : vector<16xi32> to vector<16xf32>
          %sub3A_763 = arith.subf %sub3A_751, %convert_element_type3A_762 : vector<16xf32>
          %jit3A_764 = arith.constant 0.000000e+00 : f32
          %jit3A_765 = arith.constant 1.000000e+00 : f32
          %max3A_766 = vector.broadcast %jit3A_764 : f32 to vector<16xf32>
          %max3A_767 = arith.maximumf %max3A_766, %sub3A_763 : vector<16xf32>
          %min3A_768 = vector.broadcast %jit3A_765 : f32 to vector<16xf32>
          %min3A_769 = arith.minimumf %min3A_768, %max3A_767 : vector<16xf32>
          %convert_element_type3A_770 = arith.sitofp %convert_element_type3A_761 : vector<16xi32> to vector<16xf32>
          %sub3A_771 = arith.subf %sub3A_759, %convert_element_type3A_770 : vector<16xf32>
          %jit3A_772 = arith.constant 0.000000e+00 : f32
          %jit3A_773 = arith.constant 1.000000e+00 : f32
          %max3A_774 = vector.broadcast %jit3A_772 : f32 to vector<16xf32>
          %max3A_775 = arith.maximumf %max3A_774, %sub3A_771 : vector<16xf32>
          %min3A_776 = vector.broadcast %jit3A_773 : f32 to vector<16xf32>
          %min3A_777 = arith.minimumf %min3A_776, %max3A_775 : vector<16xf32>
          %get3A_778 = arith.index_cast %add3A_738 : i32 to index
          %get3A_779 = tpu.vector_load %arg8[%get3A_778] {strides = array<i32>} : memref<2048xf32, #tpu.memory_space<vmem>>, vector<16xf32>,
          %get3A_780 = arith.index_cast %add3A_738 : i32 to index
          %get3A_781 = tpu.vector_load %arg9[%get3A_780] {strides = array<i32>} : memref<2048xf32, #tpu.memory_space<vmem>>, vector<16xf32>,
          %mul3A_782 = arith.mulf %get3A_779, %get3A_781 : vector<16xf32>
          %jit3A_783 = arith.constant 0.000000e+00 : f32
          %broadcast_in_dim3A_784 = vector.broadcast %jit3A_783 : f32 to vector<16xf32>
          %select_n3A_785 = arith.select %ge3A_743, %mul3A_782, %broadcast_in_dim3A_784 : vector<16xi1>, vector<16xf32>
          %min3A_786 = arith.constant 511 : i32
          %min3A_787 = vector.broadcast %min3A_786 : i32 to vector<16xi32>
          %min3A_788 = arith.minsi %convert_element_type3A_761, %min3A_787 : vector<16xi32>
          %add3A_789 = arith.constant 1 : i32
          %add3A_790 = vector.broadcast %add3A_789 : i32 to vector<16xi32>
          %add3A_791 = arith.addi %convert_element_type3A_761, %add3A_790 : vector<16xi32>
          %min3A_792 = arith.constant 511 : i32
          %min3A_793 = vector.broadcast %min3A_792 : i32 to vector<16xi32>
          %min3A_794 = arith.minsi %add3A_791, %min3A_793 : vector<16xi32>
          %mul3A_795 = arith.constant 512 : i32
          %mul3A_796 = vector.broadcast %mul3A_795 : i32 to vector<16xi32>
          %mul3A_797 = arith.muli %convert_element_type3A_760, %mul3A_796 : vector<16xi32>
          %add3A_798 = arith.constant 1 : i32
          %add3A_799 = vector.broadcast %add3A_798 : i32 to vector<16xi32>
          %add3A_800 = arith.addi %convert_element_type3A_760, %add3A_799 : vector<16xi32>
          %min3A_801 = arith.constant 511 : i32
          %min3A_802 = vector.broadcast %min3A_801 : i32 to vector<16xi32>
          %min3A_803 = arith.minsi %add3A_800, %min3A_802 : vector<16xi32>
          %mul3A_804 = arith.constant 512 : i32
          %mul3A_805 = vector.broadcast %mul3A_804 : i32 to vector<16xi32>
          %mul3A_806 = arith.muli %min3A_803, %mul3A_805 : vector<16xi32>
          %mul3A_807 = arith.mulf %min3A_769, %select_n3A_785 : vector<16xf32>
          %sub3A_808 = arith.subf %select_n3A_785, %mul3A_807 : vector<16xf32>
          %add3A_809 = arith.addi %mul3A_797, %min3A_788 : vector<16xi32>
          %add3A_810 = arith.addi %mul3A_806, %min3A_788 : vector<16xi32>
          %add3A_811 = arith.addi %mul3A_797, %min3A_794 : vector<16xi32>
          %add3A_812 = arith.addi %mul3A_806, %min3A_794 : vector<16xi32>
          %mul3A_813 = arith.mulf %sub3A_808, %min3A_777 : vector<16xf32>
          %sub3A_814 = arith.subf %sub3A_808, %mul3A_813 : vector<16xf32>
          %mul3A_815 = arith.mulf %mul3A_807, %min3A_777 : vector<16xf32>
          %sub3A_816 = arith.subf %mul3A_807, %mul3A_815 : vector<16xf32>
          %mul3A_817 = arith.mulf %sub3A_808, %min3A_777 : vector<16xf32>
          %mul3A_818 = arith.mulf %mul3A_807, %min3A_777 : vector<16xf32>
          %swap3A_819 = arith.constant 96 : index
          %swap3A_820 = tpu.vector_load %arg14[%swap3A_819] {strides = array<i32>} : memref<128xi32, #tpu.memory_space<vmem>>, vector<16xi32>,
          tpu.vector_store %arg14[%swap3A_819], %add3A_809 {strides = array<i32>} : memref<128xi32, #tpu.memory_space<vmem>>, vector<16xi32>,
          %swap3A_821 = arith.constant 96 : index
          %swap3A_822 = tpu.vector_load %arg15[%swap3A_821] {strides = array<i32>} : memref<128xi32, #tpu.memory_space<vmem>>, vector<16xi32>,
          tpu.vector_store %arg15[%swap3A_821], %add3A_810 {strides = array<i32>} : memref<128xi32, #tpu.memory_space<vmem>>, vector<16xi32>,
          %swap3A_823 = arith.constant 96 : index
          %swap3A_824 = tpu.vector_load %arg16[%swap3A_823] {strides = array<i32>} : memref<128xi32, #tpu.memory_space<vmem>>, vector<16xi32>,
          tpu.vector_store %arg16[%swap3A_823], %add3A_811 {strides = array<i32>} : memref<128xi32, #tpu.memory_space<vmem>>, vector<16xi32>,
          %swap3A_825 = arith.constant 96 : index
          %swap3A_826 = tpu.vector_load %arg17[%swap3A_825] {strides = array<i32>} : memref<128xi32, #tpu.memory_space<vmem>>, vector<16xi32>,
          tpu.vector_store %arg17[%swap3A_825], %add3A_812 {strides = array<i32>} : memref<128xi32, #tpu.memory_space<vmem>>, vector<16xi32>,
          %swap3A_827 = arith.constant 96 : index
          %swap3A_828 = tpu.vector_load %arg18[%swap3A_827] {strides = array<i32>} : memref<128xf32, #tpu.memory_space<vmem>>, vector<16xf32>,
          tpu.vector_store %arg18[%swap3A_827], %sub3A_814 {strides = array<i32>} : memref<128xf32, #tpu.memory_space<vmem>>, vector<16xf32>,
          %swap3A_829 = arith.constant 96 : index
          %swap3A_830 = tpu.vector_load %arg19[%swap3A_829] {strides = array<i32>} : memref<128xf32, #tpu.memory_space<vmem>>, vector<16xf32>,
          tpu.vector_store %arg19[%swap3A_829], %sub3A_816 {strides = array<i32>} : memref<128xf32, #tpu.memory_space<vmem>>, vector<16xf32>,
          %swap3A_831 = arith.constant 96 : index
          %swap3A_832 = tpu.vector_load %arg20[%swap3A_831] {strides = array<i32>} : memref<128xf32, #tpu.memory_space<vmem>>, vector<16xf32>,
          tpu.vector_store %arg20[%swap3A_831], %mul3A_817 {strides = array<i32>} : memref<128xf32, #tpu.memory_space<vmem>>, vector<16xf32>,
          %swap3A_833 = arith.constant 96 : index
          %swap3A_834 = tpu.vector_load %arg21[%swap3A_833] {strides = array<i32>} : memref<128xf32, #tpu.memory_space<vmem>>, vector<16xf32>,
          tpu.vector_store %arg21[%swap3A_833], %mul3A_818 {strides = array<i32>} : memref<128xf32, #tpu.memory_space<vmem>>, vector<16xf32>,
          %mul3A_835 = arith.constant 128 : i32
          %mul3A_836 = arith.muli %add3A_142, %mul3A_835 : i32
          %add3A_837 = arith.constant 112 : i32
          %add3A_838 = arith.addi %mul3A_836, %add3A_837 : i32
          %add3A_839 = arith.addi %min3A_90, %add3A_838 : i32
          %add3A_840 = vector.broadcast %add3A_839 : i32 to vector<16xi32>
          %add3A_841 = arith.addi %add3A_840, %iota3A : vector<16xi32>
          %ge3A_842 = vector.broadcast %mul3A_88 : i32 to vector<16xi32>
          %ge3A_843 = arith.cmpi sge, %add3A_841, %ge3A_842 : vector<16xi32>
          %get3A_844 = arith.index_cast %add3A_838 : i32 to index
          %get3A_845 = tpu.vector_load %arg6[%get3A_844] {strides = array<i32>} : memref<2048xf32, #tpu.memory_space<vmem>>, vector<16xf32>,
          %mul3A_846 = arith.constant 5.120000e+02 : f32
          %mul3A_847 = vector.broadcast %mul3A_846 : f32 to vector<16xf32>
          %mul3A_848 = arith.mulf %get3A_845, %mul3A_847 : vector<16xf32>
          %sub3A_849 = arith.constant 5.000000e-01 : f32
          %sub3A_850 = vector.broadcast %sub3A_849 : f32 to vector<16xf32>
          %sub3A_851 = arith.subf %mul3A_848, %sub3A_850 : vector<16xf32>
          %get3A_852 = arith.index_cast %add3A_838 : i32 to index
          %get3A_853 = tpu.vector_load %arg7[%get3A_852] {strides = array<i32>} : memref<2048xf32, #tpu.memory_space<vmem>>, vector<16xf32>,
          %mul3A_854 = arith.constant 5.120000e+02 : f32
          %mul3A_855 = vector.broadcast %mul3A_854 : f32 to vector<16xf32>
          %mul3A_856 = arith.mulf %get3A_853, %mul3A_855 : vector<16xf32>
          %sub3A_857 = arith.constant 5.000000e-01 : f32
          %sub3A_858 = vector.broadcast %sub3A_857 : f32 to vector<16xf32>
          %sub3A_859 = arith.subf %mul3A_856, %sub3A_858 : vector<16xf32>
          %convert_element_type3A_860 = arith.fptosi %sub3A_851 : vector<16xf32> to vector<16xi32>
          %convert_element_type3A_861 = arith.fptosi %sub3A_859 : vector<16xf32> to vector<16xi32>
          %convert_element_type3A_862 = arith.sitofp %convert_element_type3A_860 : vector<16xi32> to vector<16xf32>
          %sub3A_863 = arith.subf %sub3A_851, %convert_element_type3A_862 : vector<16xf32>
          %jit3A_864 = arith.constant 0.000000e+00 : f32
          %jit3A_865 = arith.constant 1.000000e+00 : f32
          %max3A_866 = vector.broadcast %jit3A_864 : f32 to vector<16xf32>
          %max3A_867 = arith.maximumf %max3A_866, %sub3A_863 : vector<16xf32>
          %min3A_868 = vector.broadcast %jit3A_865 : f32 to vector<16xf32>
          %min3A_869 = arith.minimumf %min3A_868, %max3A_867 : vector<16xf32>
          %convert_element_type3A_870 = arith.sitofp %convert_element_type3A_861 : vector<16xi32> to vector<16xf32>
          %sub3A_871 = arith.subf %sub3A_859, %convert_element_type3A_870 : vector<16xf32>
          %jit3A_872 = arith.constant 0.000000e+00 : f32
          %jit3A_873 = arith.constant 1.000000e+00 : f32
          %max3A_874 = vector.broadcast %jit3A_872 : f32 to vector<16xf32>
          %max3A_875 = arith.maximumf %max3A_874, %sub3A_871 : vector<16xf32>
          %min3A_876 = vector.broadcast %jit3A_873 : f32 to vector<16xf32>
          %min3A_877 = arith.minimumf %min3A_876, %max3A_875 : vector<16xf32>
          %get3A_878 = arith.index_cast %add3A_838 : i32 to index
          %get3A_879 = tpu.vector_load %arg8[%get3A_878] {strides = array<i32>} : memref<2048xf32, #tpu.memory_space<vmem>>, vector<16xf32>,
          %get3A_880 = arith.index_cast %add3A_838 : i32 to index
          %get3A_881 = tpu.vector_load %arg9[%get3A_880] {strides = array<i32>} : memref<2048xf32, #tpu.memory_space<vmem>>, vector<16xf32>,
          %mul3A_882 = arith.mulf %get3A_879, %get3A_881 : vector<16xf32>
          %jit3A_883 = arith.constant 0.000000e+00 : f32
          %broadcast_in_dim3A_884 = vector.broadcast %jit3A_883 : f32 to vector<16xf32>
          %select_n3A_885 = arith.select %ge3A_843, %mul3A_882, %broadcast_in_dim3A_884 : vector<16xi1>, vector<16xf32>
          %min3A_886 = arith.constant 511 : i32
          %min3A_887 = vector.broadcast %min3A_886 : i32 to vector<16xi32>
          %min3A_888 = arith.minsi %convert_element_type3A_861, %min3A_887 : vector<16xi32>
          %add3A_889 = arith.constant 1 : i32
          %add3A_890 = vector.broadcast %add3A_889 : i32 to vector<16xi32>
          %add3A_891 = arith.addi %convert_element_type3A_861, %add3A_890 : vector<16xi32>
          %min3A_892 = arith.constant 511 : i32
          %min3A_893 = vector.broadcast %min3A_892 : i32 to vector<16xi32>
          %min3A_894 = arith.minsi %add3A_891, %min3A_893 : vector<16xi32>
          %mul3A_895 = arith.constant 512 : i32
          %mul3A_896 = vector.broadcast %mul3A_895 : i32 to vector<16xi32>
          %mul3A_897 = arith.muli %convert_element_type3A_860, %mul3A_896 : vector<16xi32>
          %add3A_898 = arith.constant 1 : i32
          %add3A_899 = vector.broadcast %add3A_898 : i32 to vector<16xi32>
          %add3A_900 = arith.addi %convert_element_type3A_860, %add3A_899 : vector<16xi32>
          %min3A_901 = arith.constant 511 : i32
          %min3A_902 = vector.broadcast %min3A_901 : i32 to vector<16xi32>
          %min3A_903 = arith.minsi %add3A_900, %min3A_902 : vector<16xi32>
          %mul3A_904 = arith.constant 512 : i32
          %mul3A_905 = vector.broadcast %mul3A_904 : i32 to vector<16xi32>
          %mul3A_906 = arith.muli %min3A_903, %mul3A_905 : vector<16xi32>
          %mul3A_907 = arith.mulf %min3A_869, %select_n3A_885 : vector<16xf32>
          %sub3A_908 = arith.subf %select_n3A_885, %mul3A_907 : vector<16xf32>
          %add3A_909 = arith.addi %mul3A_897, %min3A_888 : vector<16xi32>
          %add3A_910 = arith.addi %mul3A_906, %min3A_888 : vector<16xi32>
          %add3A_911 = arith.addi %mul3A_897, %min3A_894 : vector<16xi32>
          %add3A_912 = arith.addi %mul3A_906, %min3A_894 : vector<16xi32>
          %mul3A_913 = arith.mulf %sub3A_908, %min3A_877 : vector<16xf32>
          %sub3A_914 = arith.subf %sub3A_908, %mul3A_913 : vector<16xf32>
          %mul3A_915 = arith.mulf %mul3A_907, %min3A_877 : vector<16xf32>
          %sub3A_916 = arith.subf %mul3A_907, %mul3A_915 : vector<16xf32>
          %mul3A_917 = arith.mulf %sub3A_908, %min3A_877 : vector<16xf32>
          %mul3A_918 = arith.mulf %mul3A_907, %min3A_877 : vector<16xf32>
          %swap3A_919 = arith.constant 112 : index
          %swap3A_920 = tpu.vector_load %arg14[%swap3A_919] {strides = array<i32>} : memref<128xi32, #tpu.memory_space<vmem>>, vector<16xi32>,
          tpu.vector_store %arg14[%swap3A_919], %add3A_909 {strides = array<i32>} : memref<128xi32, #tpu.memory_space<vmem>>, vector<16xi32>,
          %swap3A_921 = arith.constant 112 : index
          %swap3A_922 = tpu.vector_load %arg15[%swap3A_921] {strides = array<i32>} : memref<128xi32, #tpu.memory_space<vmem>>, vector<16xi32>,
          tpu.vector_store %arg15[%swap3A_921], %add3A_910 {strides = array<i32>} : memref<128xi32, #tpu.memory_space<vmem>>, vector<16xi32>,
          %swap3A_923 = arith.constant 112 : index
          %swap3A_924 = tpu.vector_load %arg16[%swap3A_923] {strides = array<i32>} : memref<128xi32, #tpu.memory_space<vmem>>, vector<16xi32>,
          tpu.vector_store %arg16[%swap3A_923], %add3A_911 {strides = array<i32>} : memref<128xi32, #tpu.memory_space<vmem>>, vector<16xi32>,
          %swap3A_925 = arith.constant 112 : index
          %swap3A_926 = tpu.vector_load %arg17[%swap3A_925] {strides = array<i32>} : memref<128xi32, #tpu.memory_space<vmem>>, vector<16xi32>,
          tpu.vector_store %arg17[%swap3A_925], %add3A_912 {strides = array<i32>} : memref<128xi32, #tpu.memory_space<vmem>>, vector<16xi32>,
          %swap3A_927 = arith.constant 112 : index
          %swap3A_928 = tpu.vector_load %arg18[%swap3A_927] {strides = array<i32>} : memref<128xf32, #tpu.memory_space<vmem>>, vector<16xf32>,
          tpu.vector_store %arg18[%swap3A_927], %sub3A_914 {strides = array<i32>} : memref<128xf32, #tpu.memory_space<vmem>>, vector<16xf32>,
          %swap3A_929 = arith.constant 112 : index
          %swap3A_930 = tpu.vector_load %arg19[%swap3A_929] {strides = array<i32>} : memref<128xf32, #tpu.memory_space<vmem>>, vector<16xf32>,
          tpu.vector_store %arg19[%swap3A_929], %sub3A_916 {strides = array<i32>} : memref<128xf32, #tpu.memory_space<vmem>>, vector<16xf32>,
          %swap3A_931 = arith.constant 112 : index
          %swap3A_932 = tpu.vector_load %arg20[%swap3A_931] {strides = array<i32>} : memref<128xf32, #tpu.memory_space<vmem>>, vector<16xf32>,
          tpu.vector_store %arg20[%swap3A_931], %mul3A_917 {strides = array<i32>} : memref<128xf32, #tpu.memory_space<vmem>>, vector<16xf32>,
          %swap3A_933 = arith.constant 112 : index
          %swap3A_934 = tpu.vector_load %arg21[%swap3A_933] {strides = array<i32>} : memref<128xf32, #tpu.memory_space<vmem>>, vector<16xf32>,
          tpu.vector_store %arg21[%swap3A_933], %mul3A_918 {strides = array<i32>} : memref<128xf32, #tpu.memory_space<vmem>>, vector<16xf32>,
          %dma_start3A_935 = arith.constant 0 : i32
          %dma_start3A_936 = tpu.memref_slice %arg23[%dma_start3A_935] : memref<262144xf32, #tpu.memory_space<vmem_shared>> -> memref<262144xf32, #tpu.memory_space<vmem_shared>>
          tpu.enqueue_indirect_dma source(%arg18 : memref<128xf32, #tpu.memory_space<vmem>>) target(%dma_start3A_936 : memref<262144xf32, #tpu.memory_space<vmem_shared>>) offsets(%arg14 : memref<128xi32, #tpu.memory_space<vmem>>) semaphore(%arg25 : memref<!tpu.dma_semaphore, #tpu.memory_space<semaphore_mem>>) {add = true}
          %dma_start3A_937 = arith.constant 0 : i32
          %dma_start3A_938 = tpu.memref_slice %arg23[%dma_start3A_937] : memref<262144xf32, #tpu.memory_space<vmem_shared>> -> memref<262144xf32, #tpu.memory_space<vmem_shared>>
          tpu.enqueue_indirect_dma source(%arg19 : memref<128xf32, #tpu.memory_space<vmem>>) target(%dma_start3A_938 : memref<262144xf32, #tpu.memory_space<vmem_shared>>) offsets(%arg15 : memref<128xi32, #tpu.memory_space<vmem>>) semaphore(%arg25 : memref<!tpu.dma_semaphore, #tpu.memory_space<semaphore_mem>>) {add = true}
          %dma_start3A_939 = arith.constant 0 : i32
          %dma_start3A_940 = tpu.memref_slice %arg23[%dma_start3A_939] : memref<262144xf32, #tpu.memory_space<vmem_shared>> -> memref<262144xf32, #tpu.memory_space<vmem_shared>>
          tpu.enqueue_indirect_dma source(%arg20 : memref<128xf32, #tpu.memory_space<vmem>>) target(%dma_start3A_940 : memref<262144xf32, #tpu.memory_space<vmem_shared>>) offsets(%arg16 : memref<128xi32, #tpu.memory_space<vmem>>) semaphore(%arg25 : memref<!tpu.dma_semaphore, #tpu.memory_space<semaphore_mem>>) {add = true}
          %dma_start3A_941 = arith.constant 0 : i32
          %dma_start3A_942 = tpu.memref_slice %arg23[%dma_start3A_941] : memref<262144xf32, #tpu.memory_space<vmem_shared>> -> memref<262144xf32, #tpu.memory_space<vmem_shared>>
          tpu.enqueue_indirect_dma source(%arg21 : memref<128xf32, #tpu.memory_space<vmem>>) target(%dma_start3A_942 : memref<262144xf32, #tpu.memory_space<vmem_shared>>) offsets(%arg17 : memref<128xi32, #tpu.memory_space<vmem>>) semaphore(%arg25 : memref<!tpu.dma_semaphore, #tpu.memory_space<semaphore_mem>>) {add = true}
          %dma_wait3A_943 = arith.constant 0 : i32
          %dma_wait3A_944 = tpu.memref_slice %arg23[%dma_wait3A_943] : memref<262144xf32, #tpu.memory_space<vmem_shared>> -> memref<262144xf32, #tpu.memory_space<vmem_shared>>
          tpu.wait_indirect_dma semaphore(%arg25 : memref<!tpu.dma_semaphore, #tpu.memory_space<semaphore_mem>>) src(%arg18 : memref<128xf32, #tpu.memory_space<vmem>>) dst(%dma_wait3A_944 : memref<262144xf32, #tpu.memory_space<vmem_shared>>)
          %dma_wait3A_945 = arith.constant 0 : i32
          %dma_wait3A_946 = tpu.memref_slice %arg23[%dma_wait3A_945] : memref<262144xf32, #tpu.memory_space<vmem_shared>> -> memref<262144xf32, #tpu.memory_space<vmem_shared>>
          tpu.wait_indirect_dma semaphore(%arg25 : memref<!tpu.dma_semaphore, #tpu.memory_space<semaphore_mem>>) src(%arg19 : memref<128xf32, #tpu.memory_space<vmem>>) dst(%dma_wait3A_946 : memref<262144xf32, #tpu.memory_space<vmem_shared>>)
          %dma_wait3A_947 = arith.constant 0 : i32
          %dma_wait3A_948 = tpu.memref_slice %arg23[%dma_wait3A_947] : memref<262144xf32, #tpu.memory_space<vmem_shared>> -> memref<262144xf32, #tpu.memory_space<vmem_shared>>
          tpu.wait_indirect_dma semaphore(%arg25 : memref<!tpu.dma_semaphore, #tpu.memory_space<semaphore_mem>>) src(%arg20 : memref<128xf32, #tpu.memory_space<vmem>>) dst(%dma_wait3A_948 : memref<262144xf32, #tpu.memory_space<vmem_shared>>)
          %dma_wait3A_949 = arith.constant 0 : i32
          %dma_wait3A_950 = tpu.memref_slice %arg23[%dma_wait3A_949] : memref<262144xf32, #tpu.memory_space<vmem_shared>> -> memref<262144xf32, #tpu.memory_space<vmem_shared>>
          tpu.wait_indirect_dma semaphore(%arg25 : memref<!tpu.dma_semaphore, #tpu.memory_space<semaphore_mem>>) src(%arg21 : memref<128xf32, #tpu.memory_space<vmem>>) dst(%dma_wait3A_950 : memref<262144xf32, #tpu.memory_space<vmem_shared>>)
        }
        %scan3A_137 = arith.constant 16 : i32
      } else {
      }
      %add3A_93 = arith.constant 1 : i32
      %add3A_94 = arith.addi %mul3A_48, %add3A_93 : i32
      %mul3A_95 = arith.constant 32 : i32
      %mul3A_96 = arith.muli %add3A_94, %mul3A_95 : i32
      %add3A_97 = arith.addi %mul3A_96, %add3A_8 : i32
      %mul3A_98 = arith.constant 2048 : i32
      %mul3A_99 = arith.muli %add3A_97, %mul3A_98 : i32
      %min3A_100 = arith.constant 997952 : i32
      %min3A_101 = arith.minsi %mul3A_99, %min3A_100 : i32
      %add3A_102 = arith.constant 1000000 : i32
      %add3A_103 = arith.addi %add3A_102, %min3A_101 : i32
      %dma_wait3A_104 = tpu.memref_slice %arg2[%min3A_101] : memref<2000000xf32, #tpu.memory_space<hbm>> -> memref<2048xf32, #tpu.memory_space<hbm>>
      %dma_wait3A_105 = tpu.memref_slice %arg2[%min3A_101] : memref<2000000xf32, #tpu.memory_space<hbm>> -> memref<2048xf32, #tpu.memory_space<hbm>>
      tpu.wait_dma2 semaphore(%arg24 : memref<!tpu.dma_semaphore, #tpu.memory_space<semaphore_mem>>) src(%dma_wait3A_105 : memref<2048xf32, #tpu.memory_space<hbm>>) dst(%arg10 : memref<2048xf32, #tpu.memory_space<vmem>>)
      %dma_wait3A_106 = tpu.memref_slice %arg2[%add3A_103] : memref<2000000xf32, #tpu.memory_space<hbm>> -> memref<2048xf32, #tpu.memory_space<hbm>>
      %dma_wait3A_107 = tpu.memref_slice %arg2[%add3A_103] : memref<2000000xf32, #tpu.memory_space<hbm>> -> memref<2048xf32, #tpu.memory_space<hbm>>
      tpu.wait_dma2 semaphore(%arg24 : memref<!tpu.dma_semaphore, #tpu.memory_space<semaphore_mem>>) src(%dma_wait3A_107 : memref<2048xf32, #tpu.memory_space<hbm>>) dst(%arg11 : memref<2048xf32, #tpu.memory_space<vmem>>)
      %dma_wait3A_108 = tpu.memref_slice %arg3[%min3A_101] : memref<1000000xf32, #tpu.memory_space<hbm>> -> memref<2048xf32, #tpu.memory_space<hbm>>
      %dma_wait3A_109 = tpu.memref_slice %arg3[%min3A_101] : memref<1000000xf32, #tpu.memory_space<hbm>> -> memref<2048xf32, #tpu.memory_space<hbm>>
      tpu.wait_dma2 semaphore(%arg24 : memref<!tpu.dma_semaphore, #tpu.memory_space<semaphore_mem>>) src(%dma_wait3A_109 : memref<2048xf32, #tpu.memory_space<hbm>>) dst(%arg12 : memref<2048xf32, #tpu.memory_space<vmem>>)
      %dma_wait3A_110 = tpu.memref_slice %arg4[%min3A_101] : memref<1000000xf32, #tpu.memory_space<hbm>> -> memref<2048xf32, #tpu.memory_space<hbm>>
      %dma_wait3A_111 = tpu.memref_slice %arg4[%min3A_101] : memref<1000000xf32, #tpu.memory_space<hbm>> -> memref<2048xf32, #tpu.memory_space<hbm>>
      tpu.wait_dma2 semaphore(%arg24 : memref<!tpu.dma_semaphore, #tpu.memory_space<semaphore_mem>>) src(%dma_wait3A_111 : memref<2048xf32, #tpu.memory_space<hbm>>) dst(%arg13 : memref<2048xf32, #tpu.memory_space<vmem>>)
      %add3A_112 = arith.constant 2 : i32
      %add3A_113 = arith.addi %mul3A_48, %add3A_112 : i32
      %lt3A_114 = arith.constant 16 : i32
      %lt3A_115 = arith.cmpi slt, %add3A_113, %lt3A_114 : i32
      %convert_element_type3A_116 = arith.extui %lt3A_115 : i1 to i32
      %cond3A_117 = arith.constant 0 : i32
      %cond3A_118 = arith.cmpi ne, %convert_element_type3A_116, %cond3A_117 : i32
      scf.if %cond3A_118 {
        %add3A_133 = arith.constant 2 : i32
        %add3A_134 = arith.addi %mul3A_48, %add3A_133 : i32
        %mul3A_135 = arith.constant 32 : i32
        %mul3A_136 = arith.muli %add3A_134, %mul3A_135 : i32
        %add3A_137 = arith.addi %mul3A_136, %add3A_8 : i32
        %mul3A_138 = arith.constant 2048 : i32
        %mul3A_139 = arith.muli %add3A_137, %mul3A_138 : i32
        %min3A_140 = arith.constant 997952 : i32
        %min3A_141 = arith.minsi %mul3A_139, %min3A_140 : i32
        %add3A_142 = arith.constant 1000000 : i32
        %add3A_143 = arith.addi %add3A_142, %min3A_141 : i32
        %dma_start3A_144 = tpu.memref_slice %arg2[%min3A_141] : memref<2000000xf32, #tpu.memory_space<hbm>> -> memref<2048xf32, #tpu.memory_space<hbm>>
        %dma_start3A_145 = tpu.memref_slice %arg2[%min3A_141] : memref<2000000xf32, #tpu.memory_space<hbm>> -> memref<2048xf32, #tpu.memory_space<hbm>>
        tpu.enqueue_dma source(%dma_start3A_145 : memref<2048xf32, #tpu.memory_space<hbm>>) target(%arg6 : memref<2048xf32, #tpu.memory_space<vmem>>) target_semaphore(%arg24 : memref<!tpu.dma_semaphore, #tpu.memory_space<semaphore_mem>>)
        %dma_start3A_146 = tpu.memref_slice %arg2[%add3A_143] : memref<2000000xf32, #tpu.memory_space<hbm>> -> memref<2048xf32, #tpu.memory_space<hbm>>
        %dma_start3A_147 = tpu.memref_slice %arg2[%add3A_143] : memref<2000000xf32, #tpu.memory_space<hbm>> -> memref<2048xf32, #tpu.memory_space<hbm>>
        tpu.enqueue_dma source(%dma_start3A_147 : memref<2048xf32, #tpu.memory_space<hbm>>) target(%arg7 : memref<2048xf32, #tpu.memory_space<vmem>>) target_semaphore(%arg24 : memref<!tpu.dma_semaphore, #tpu.memory_space<semaphore_mem>>)
        %dma_start3A_148 = tpu.memref_slice %arg3[%min3A_141] : memref<1000000xf32, #tpu.memory_space<hbm>> -> memref<2048xf32, #tpu.memory_space<hbm>>
        %dma_start3A_149 = tpu.memref_slice %arg3[%min3A_141] : memref<1000000xf32, #tpu.memory_space<hbm>> -> memref<2048xf32, #tpu.memory_space<hbm>>
        tpu.enqueue_dma source(%dma_start3A_149 : memref<2048xf32, #tpu.memory_space<hbm>>) target(%arg8 : memref<2048xf32, #tpu.memory_space<vmem>>) target_semaphore(%arg24 : memref<!tpu.dma_semaphore, #tpu.memory_space<semaphore_mem>>)
        %dma_start3A_150 = tpu.memref_slice %arg4[%min3A_141] : memref<1000000xf32, #tpu.memory_space<hbm>> -> memref<2048xf32, #tpu.memory_space<hbm>>
        %dma_start3A_151 = tpu.memref_slice %arg4[%min3A_141] : memref<1000000xf32, #tpu.memory_space<hbm>> -> memref<2048xf32, #tpu.memory_space<hbm>>
        tpu.enqueue_dma source(%dma_start3A_151 : memref<2048xf32, #tpu.memory_space<hbm>>) target(%arg9 : memref<2048xf32, #tpu.memory_space<vmem>>) target_semaphore(%arg24 : memref<!tpu.dma_semaphore, #tpu.memory_space<semaphore_mem>>)
      } else {
      }
      %add3A_119 = arith.constant 1 : i32
      %add3A_120 = arith.addi %mul3A_48, %add3A_119 : i32
      %mul3A_121 = arith.constant 32 : i32
      %mul3A_122 = arith.muli %add3A_120, %mul3A_121 : i32
      %add3A_123 = arith.addi %mul3A_122, %add3A_8 : i32
      %mul3A_124 = arith.constant 2048 : i32
      %mul3A_125 = arith.muli %add3A_123, %mul3A_124 : i32
      %min3A_126 = arith.constant 997952 : i32
      %min3A_127 = arith.minsi %mul3A_125, %min3A_126 : i32
      %lt3A_128 = arith.constant 1000000 : i32
      %lt3A_129 = arith.cmpi slt, %mul3A_125, %lt3A_128 : i32
      %convert_element_type3A_130 = arith.extui %lt3A_129 : i1 to i32
      %cond3A_131 = arith.constant 0 : i32
      %cond3A_132 = arith.cmpi ne, %convert_element_type3A_130, %cond3A_131 : i32
      scf.if %cond3A_132 {
        %scan3A_133 = arith.constant 0 : i32
        %scan3A_134 = arith.constant 16 : i32
        %scan3A_135 = arith.addi %scan3A_133, %scan3A_134 : i32
        %scan3A_136 = arith.constant 1 : i32
        scf.for %scan3A_138 = %scan3A_133 to %scan3A_135 step %scan3A_136  : i32 {
          %mul3A_139 = arith.constant 1 : i32
          %mul3A_140 = arith.muli %scan3A_138, %mul3A_139 : i32
          %add3A_141 = arith.constant 0 : i32
          %add3A_142 = arith.addi %add3A_141, %mul3A_140 : i32
          %mul3A_143 = arith.constant 128 : i32
          %mul3A_144 = arith.muli %add3A_142, %mul3A_143 : i32
          %add3A_145 = arith.constant 0 : i32
          %add3A_146 = arith.addi %mul3A_144, %add3A_145 : i32
          %add3A_147 = arith.addi %min3A_127, %add3A_146 : i32
          %add3A_148 = vector.broadcast %add3A_147 : i32 to vector<16xi32>
          %add3A_149 = arith.addi %add3A_148, %iota3A : vector<16xi32>
          %ge3A = vector.broadcast %mul3A_125 : i32 to vector<16xi32>
          %ge3A_150 = arith.cmpi sge, %add3A_149, %ge3A : vector<16xi32>
          %get3A = arith.index_cast %add3A_146 : i32 to index
          %get3A_151 = tpu.vector_load %arg10[%get3A] {strides = array<i32>} : memref<2048xf32, #tpu.memory_space<vmem>>, vector<16xf32>,
          %mul3A_152 = arith.constant 5.120000e+02 : f32
          %mul3A_153 = vector.broadcast %mul3A_152 : f32 to vector<16xf32>
          %mul3A_154 = arith.mulf %get3A_151, %mul3A_153 : vector<16xf32>
          %sub3A = arith.constant 5.000000e-01 : f32
          %sub3A_155 = vector.broadcast %sub3A : f32 to vector<16xf32>
          %sub3A_156 = arith.subf %mul3A_154, %sub3A_155 : vector<16xf32>
          %get3A_157 = arith.index_cast %add3A_146 : i32 to index
          %get3A_158 = tpu.vector_load %arg11[%get3A_157] {strides = array<i32>} : memref<2048xf32, #tpu.memory_space<vmem>>, vector<16xf32>,
          %mul3A_159 = arith.constant 5.120000e+02 : f32
          %mul3A_160 = vector.broadcast %mul3A_159 : f32 to vector<16xf32>
          %mul3A_161 = arith.mulf %get3A_158, %mul3A_160 : vector<16xf32>
          %sub3A_162 = arith.constant 5.000000e-01 : f32
          %sub3A_163 = vector.broadcast %sub3A_162 : f32 to vector<16xf32>
          %sub3A_164 = arith.subf %mul3A_161, %sub3A_163 : vector<16xf32>
          %convert_element_type3A_165 = arith.fptosi %sub3A_156 : vector<16xf32> to vector<16xi32>
          %convert_element_type3A_166 = arith.fptosi %sub3A_164 : vector<16xf32> to vector<16xi32>
          %convert_element_type3A_167 = arith.sitofp %convert_element_type3A_165 : vector<16xi32> to vector<16xf32>
          %sub3A_168 = arith.subf %sub3A_156, %convert_element_type3A_167 : vector<16xf32>
          %jit3A = arith.constant 0.000000e+00 : f32
          %jit3A_169 = arith.constant 1.000000e+00 : f32
          %max3A = vector.broadcast %jit3A : f32 to vector<16xf32>
          %max3A_170 = arith.maximumf %max3A, %sub3A_168 : vector<16xf32>
          %min3A_171 = vector.broadcast %jit3A_169 : f32 to vector<16xf32>
          %min3A_172 = arith.minimumf %min3A_171, %max3A_170 : vector<16xf32>
          %convert_element_type3A_173 = arith.sitofp %convert_element_type3A_166 : vector<16xi32> to vector<16xf32>
          %sub3A_174 = arith.subf %sub3A_164, %convert_element_type3A_173 : vector<16xf32>
          %jit3A_175 = arith.constant 0.000000e+00 : f32
          %jit3A_176 = arith.constant 1.000000e+00 : f32
          %max3A_177 = vector.broadcast %jit3A_175 : f32 to vector<16xf32>
          %max3A_178 = arith.maximumf %max3A_177, %sub3A_174 : vector<16xf32>
          %min3A_179 = vector.broadcast %jit3A_176 : f32 to vector<16xf32>
          %min3A_180 = arith.minimumf %min3A_179, %max3A_178 : vector<16xf32>
          %get3A_181 = arith.index_cast %add3A_146 : i32 to index
          %get3A_182 = tpu.vector_load %arg12[%get3A_181] {strides = array<i32>} : memref<2048xf32, #tpu.memory_space<vmem>>, vector<16xf32>,
          %get3A_183 = arith.index_cast %add3A_146 : i32 to index
          %get3A_184 = tpu.vector_load %arg13[%get3A_183] {strides = array<i32>} : memref<2048xf32, #tpu.memory_space<vmem>>, vector<16xf32>,
          %mul3A_185 = arith.mulf %get3A_182, %get3A_184 : vector<16xf32>
          %jit3A_186 = arith.constant 0.000000e+00 : f32
          %broadcast_in_dim3A = vector.broadcast %jit3A_186 : f32 to vector<16xf32>
          %select_n3A = arith.select %ge3A_150, %mul3A_185, %broadcast_in_dim3A : vector<16xi1>, vector<16xf32>
          %min3A_187 = arith.constant 511 : i32
          %min3A_188 = vector.broadcast %min3A_187 : i32 to vector<16xi32>
          %min3A_189 = arith.minsi %convert_element_type3A_166, %min3A_188 : vector<16xi32>
          %add3A_190 = arith.constant 1 : i32
          %add3A_191 = vector.broadcast %add3A_190 : i32 to vector<16xi32>
          %add3A_192 = arith.addi %convert_element_type3A_166, %add3A_191 : vector<16xi32>
          %min3A_193 = arith.constant 511 : i32
          %min3A_194 = vector.broadcast %min3A_193 : i32 to vector<16xi32>
          %min3A_195 = arith.minsi %add3A_192, %min3A_194 : vector<16xi32>
          %mul3A_196 = arith.constant 512 : i32
          %mul3A_197 = vector.broadcast %mul3A_196 : i32 to vector<16xi32>
          %mul3A_198 = arith.muli %convert_element_type3A_165, %mul3A_197 : vector<16xi32>
          %add3A_199 = arith.constant 1 : i32
          %add3A_200 = vector.broadcast %add3A_199 : i32 to vector<16xi32>
          %add3A_201 = arith.addi %convert_element_type3A_165, %add3A_200 : vector<16xi32>
          %min3A_202 = arith.constant 511 : i32
          %min3A_203 = vector.broadcast %min3A_202 : i32 to vector<16xi32>
          %min3A_204 = arith.minsi %add3A_201, %min3A_203 : vector<16xi32>
          %mul3A_205 = arith.constant 512 : i32
          %mul3A_206 = vector.broadcast %mul3A_205 : i32 to vector<16xi32>
          %mul3A_207 = arith.muli %min3A_204, %mul3A_206 : vector<16xi32>
          %mul3A_208 = arith.mulf %min3A_172, %select_n3A : vector<16xf32>
          %sub3A_209 = arith.subf %select_n3A, %mul3A_208 : vector<16xf32>
          %add3A_210 = arith.addi %mul3A_198, %min3A_189 : vector<16xi32>
          %add3A_211 = arith.addi %mul3A_207, %min3A_189 : vector<16xi32>
          %add3A_212 = arith.addi %mul3A_198, %min3A_195 : vector<16xi32>
          %add3A_213 = arith.addi %mul3A_207, %min3A_195 : vector<16xi32>
          %mul3A_214 = arith.mulf %sub3A_209, %min3A_180 : vector<16xf32>
          %sub3A_215 = arith.subf %sub3A_209, %mul3A_214 : vector<16xf32>
          %mul3A_216 = arith.mulf %mul3A_208, %min3A_180 : vector<16xf32>
          %sub3A_217 = arith.subf %mul3A_208, %mul3A_216 : vector<16xf32>
          %mul3A_218 = arith.mulf %sub3A_209, %min3A_180 : vector<16xf32>
          %mul3A_219 = arith.mulf %mul3A_208, %min3A_180 : vector<16xf32>
          %swap3A = arith.constant 0 : index
          %swap3A_220 = tpu.vector_load %arg14[%swap3A] {strides = array<i32>} : memref<128xi32, #tpu.memory_space<vmem>>, vector<16xi32>,
          tpu.vector_store %arg14[%swap3A], %add3A_210 {strides = array<i32>} : memref<128xi32, #tpu.memory_space<vmem>>, vector<16xi32>,
          %swap3A_221 = arith.constant 0 : index
          %swap3A_222 = tpu.vector_load %arg15[%swap3A_221] {strides = array<i32>} : memref<128xi32, #tpu.memory_space<vmem>>, vector<16xi32>,
          tpu.vector_store %arg15[%swap3A_221], %add3A_211 {strides = array<i32>} : memref<128xi32, #tpu.memory_space<vmem>>, vector<16xi32>,
          %swap3A_223 = arith.constant 0 : index
          %swap3A_224 = tpu.vector_load %arg16[%swap3A_223] {strides = array<i32>} : memref<128xi32, #tpu.memory_space<vmem>>, vector<16xi32>,
          tpu.vector_store %arg16[%swap3A_223], %add3A_212 {strides = array<i32>} : memref<128xi32, #tpu.memory_space<vmem>>, vector<16xi32>,
          %swap3A_225 = arith.constant 0 : index
          %swap3A_226 = tpu.vector_load %arg17[%swap3A_225] {strides = array<i32>} : memref<128xi32, #tpu.memory_space<vmem>>, vector<16xi32>,
          tpu.vector_store %arg17[%swap3A_225], %add3A_213 {strides = array<i32>} : memref<128xi32, #tpu.memory_space<vmem>>, vector<16xi32>,
          %swap3A_227 = arith.constant 0 : index
          %swap3A_228 = tpu.vector_load %arg18[%swap3A_227] {strides = array<i32>} : memref<128xf32, #tpu.memory_space<vmem>>, vector<16xf32>,
          tpu.vector_store %arg18[%swap3A_227], %sub3A_215 {strides = array<i32>} : memref<128xf32, #tpu.memory_space<vmem>>, vector<16xf32>,
          %swap3A_229 = arith.constant 0 : index
          %swap3A_230 = tpu.vector_load %arg19[%swap3A_229] {strides = array<i32>} : memref<128xf32, #tpu.memory_space<vmem>>, vector<16xf32>,
          tpu.vector_store %arg19[%swap3A_229], %sub3A_217 {strides = array<i32>} : memref<128xf32, #tpu.memory_space<vmem>>, vector<16xf32>,
          %swap3A_231 = arith.constant 0 : index
          %swap3A_232 = tpu.vector_load %arg20[%swap3A_231] {strides = array<i32>} : memref<128xf32, #tpu.memory_space<vmem>>, vector<16xf32>,
          tpu.vector_store %arg20[%swap3A_231], %mul3A_218 {strides = array<i32>} : memref<128xf32, #tpu.memory_space<vmem>>, vector<16xf32>,
          %swap3A_233 = arith.constant 0 : index
          %swap3A_234 = tpu.vector_load %arg21[%swap3A_233] {strides = array<i32>} : memref<128xf32, #tpu.memory_space<vmem>>, vector<16xf32>,
          tpu.vector_store %arg21[%swap3A_233], %mul3A_219 {strides = array<i32>} : memref<128xf32, #tpu.memory_space<vmem>>, vector<16xf32>,
          %mul3A_235 = arith.constant 128 : i32
          %mul3A_236 = arith.muli %add3A_142, %mul3A_235 : i32
          %add3A_237 = arith.constant 16 : i32
          %add3A_238 = arith.addi %mul3A_236, %add3A_237 : i32
          %add3A_239 = arith.addi %min3A_127, %add3A_238 : i32
          %add3A_240 = vector.broadcast %add3A_239 : i32 to vector<16xi32>
          %add3A_241 = arith.addi %add3A_240, %iota3A : vector<16xi32>
          %ge3A_242 = vector.broadcast %mul3A_125 : i32 to vector<16xi32>
          %ge3A_243 = arith.cmpi sge, %add3A_241, %ge3A_242 : vector<16xi32>
          %get3A_244 = arith.index_cast %add3A_238 : i32 to index
          %get3A_245 = tpu.vector_load %arg10[%get3A_244] {strides = array<i32>} : memref<2048xf32, #tpu.memory_space<vmem>>, vector<16xf32>,
          %mul3A_246 = arith.constant 5.120000e+02 : f32
          %mul3A_247 = vector.broadcast %mul3A_246 : f32 to vector<16xf32>
          %mul3A_248 = arith.mulf %get3A_245, %mul3A_247 : vector<16xf32>
          %sub3A_249 = arith.constant 5.000000e-01 : f32
          %sub3A_250 = vector.broadcast %sub3A_249 : f32 to vector<16xf32>
          %sub3A_251 = arith.subf %mul3A_248, %sub3A_250 : vector<16xf32>
          %get3A_252 = arith.index_cast %add3A_238 : i32 to index
          %get3A_253 = tpu.vector_load %arg11[%get3A_252] {strides = array<i32>} : memref<2048xf32, #tpu.memory_space<vmem>>, vector<16xf32>,
          %mul3A_254 = arith.constant 5.120000e+02 : f32
          %mul3A_255 = vector.broadcast %mul3A_254 : f32 to vector<16xf32>
          %mul3A_256 = arith.mulf %get3A_253, %mul3A_255 : vector<16xf32>
          %sub3A_257 = arith.constant 5.000000e-01 : f32
          %sub3A_258 = vector.broadcast %sub3A_257 : f32 to vector<16xf32>
          %sub3A_259 = arith.subf %mul3A_256, %sub3A_258 : vector<16xf32>
          %convert_element_type3A_260 = arith.fptosi %sub3A_251 : vector<16xf32> to vector<16xi32>
          %convert_element_type3A_261 = arith.fptosi %sub3A_259 : vector<16xf32> to vector<16xi32>
          %convert_element_type3A_262 = arith.sitofp %convert_element_type3A_260 : vector<16xi32> to vector<16xf32>
          %sub3A_263 = arith.subf %sub3A_251, %convert_element_type3A_262 : vector<16xf32>
          %jit3A_264 = arith.constant 0.000000e+00 : f32
          %jit3A_265 = arith.constant 1.000000e+00 : f32
          %max3A_266 = vector.broadcast %jit3A_264 : f32 to vector<16xf32>
          %max3A_267 = arith.maximumf %max3A_266, %sub3A_263 : vector<16xf32>
          %min3A_268 = vector.broadcast %jit3A_265 : f32 to vector<16xf32>
          %min3A_269 = arith.minimumf %min3A_268, %max3A_267 : vector<16xf32>
          %convert_element_type3A_270 = arith.sitofp %convert_element_type3A_261 : vector<16xi32> to vector<16xf32>
          %sub3A_271 = arith.subf %sub3A_259, %convert_element_type3A_270 : vector<16xf32>
          %jit3A_272 = arith.constant 0.000000e+00 : f32
          %jit3A_273 = arith.constant 1.000000e+00 : f32
          %max3A_274 = vector.broadcast %jit3A_272 : f32 to vector<16xf32>
          %max3A_275 = arith.maximumf %max3A_274, %sub3A_271 : vector<16xf32>
          %min3A_276 = vector.broadcast %jit3A_273 : f32 to vector<16xf32>
          %min3A_277 = arith.minimumf %min3A_276, %max3A_275 : vector<16xf32>
          %get3A_278 = arith.index_cast %add3A_238 : i32 to index
          %get3A_279 = tpu.vector_load %arg12[%get3A_278] {strides = array<i32>} : memref<2048xf32, #tpu.memory_space<vmem>>, vector<16xf32>,
          %get3A_280 = arith.index_cast %add3A_238 : i32 to index
          %get3A_281 = tpu.vector_load %arg13[%get3A_280] {strides = array<i32>} : memref<2048xf32, #tpu.memory_space<vmem>>, vector<16xf32>,
          %mul3A_282 = arith.mulf %get3A_279, %get3A_281 : vector<16xf32>
          %jit3A_283 = arith.constant 0.000000e+00 : f32
          %broadcast_in_dim3A_284 = vector.broadcast %jit3A_283 : f32 to vector<16xf32>
          %select_n3A_285 = arith.select %ge3A_243, %mul3A_282, %broadcast_in_dim3A_284 : vector<16xi1>, vector<16xf32>
          %min3A_286 = arith.constant 511 : i32
          %min3A_287 = vector.broadcast %min3A_286 : i32 to vector<16xi32>
          %min3A_288 = arith.minsi %convert_element_type3A_261, %min3A_287 : vector<16xi32>
          %add3A_289 = arith.constant 1 : i32
          %add3A_290 = vector.broadcast %add3A_289 : i32 to vector<16xi32>
          %add3A_291 = arith.addi %convert_element_type3A_261, %add3A_290 : vector<16xi32>
          %min3A_292 = arith.constant 511 : i32
          %min3A_293 = vector.broadcast %min3A_292 : i32 to vector<16xi32>
          %min3A_294 = arith.minsi %add3A_291, %min3A_293 : vector<16xi32>
          %mul3A_295 = arith.constant 512 : i32
          %mul3A_296 = vector.broadcast %mul3A_295 : i32 to vector<16xi32>
          %mul3A_297 = arith.muli %convert_element_type3A_260, %mul3A_296 : vector<16xi32>
          %add3A_298 = arith.constant 1 : i32
          %add3A_299 = vector.broadcast %add3A_298 : i32 to vector<16xi32>
          %add3A_300 = arith.addi %convert_element_type3A_260, %add3A_299 : vector<16xi32>
          %min3A_301 = arith.constant 511 : i32
          %min3A_302 = vector.broadcast %min3A_301 : i32 to vector<16xi32>
          %min3A_303 = arith.minsi %add3A_300, %min3A_302 : vector<16xi32>
          %mul3A_304 = arith.constant 512 : i32
          %mul3A_305 = vector.broadcast %mul3A_304 : i32 to vector<16xi32>
          %mul3A_306 = arith.muli %min3A_303, %mul3A_305 : vector<16xi32>
          %mul3A_307 = arith.mulf %min3A_269, %select_n3A_285 : vector<16xf32>
          %sub3A_308 = arith.subf %select_n3A_285, %mul3A_307 : vector<16xf32>
          %add3A_309 = arith.addi %mul3A_297, %min3A_288 : vector<16xi32>
          %add3A_310 = arith.addi %mul3A_306, %min3A_288 : vector<16xi32>
          %add3A_311 = arith.addi %mul3A_297, %min3A_294 : vector<16xi32>
          %add3A_312 = arith.addi %mul3A_306, %min3A_294 : vector<16xi32>
          %mul3A_313 = arith.mulf %sub3A_308, %min3A_277 : vector<16xf32>
          %sub3A_314 = arith.subf %sub3A_308, %mul3A_313 : vector<16xf32>
          %mul3A_315 = arith.mulf %mul3A_307, %min3A_277 : vector<16xf32>
          %sub3A_316 = arith.subf %mul3A_307, %mul3A_315 : vector<16xf32>
          %mul3A_317 = arith.mulf %sub3A_308, %min3A_277 : vector<16xf32>
          %mul3A_318 = arith.mulf %mul3A_307, %min3A_277 : vector<16xf32>
          %swap3A_319 = arith.constant 16 : index
          %swap3A_320 = tpu.vector_load %arg14[%swap3A_319] {strides = array<i32>} : memref<128xi32, #tpu.memory_space<vmem>>, vector<16xi32>,
          tpu.vector_store %arg14[%swap3A_319], %add3A_309 {strides = array<i32>} : memref<128xi32, #tpu.memory_space<vmem>>, vector<16xi32>,
          %swap3A_321 = arith.constant 16 : index
          %swap3A_322 = tpu.vector_load %arg15[%swap3A_321] {strides = array<i32>} : memref<128xi32, #tpu.memory_space<vmem>>, vector<16xi32>,
          tpu.vector_store %arg15[%swap3A_321], %add3A_310 {strides = array<i32>} : memref<128xi32, #tpu.memory_space<vmem>>, vector<16xi32>,
          %swap3A_323 = arith.constant 16 : index
          %swap3A_324 = tpu.vector_load %arg16[%swap3A_323] {strides = array<i32>} : memref<128xi32, #tpu.memory_space<vmem>>, vector<16xi32>,
          tpu.vector_store %arg16[%swap3A_323], %add3A_311 {strides = array<i32>} : memref<128xi32, #tpu.memory_space<vmem>>, vector<16xi32>,
          %swap3A_325 = arith.constant 16 : index
          %swap3A_326 = tpu.vector_load %arg17[%swap3A_325] {strides = array<i32>} : memref<128xi32, #tpu.memory_space<vmem>>, vector<16xi32>,
          tpu.vector_store %arg17[%swap3A_325], %add3A_312 {strides = array<i32>} : memref<128xi32, #tpu.memory_space<vmem>>, vector<16xi32>,
          %swap3A_327 = arith.constant 16 : index
          %swap3A_328 = tpu.vector_load %arg18[%swap3A_327] {strides = array<i32>} : memref<128xf32, #tpu.memory_space<vmem>>, vector<16xf32>,
          tpu.vector_store %arg18[%swap3A_327], %sub3A_314 {strides = array<i32>} : memref<128xf32, #tpu.memory_space<vmem>>, vector<16xf32>,
          %swap3A_329 = arith.constant 16 : index
          %swap3A_330 = tpu.vector_load %arg19[%swap3A_329] {strides = array<i32>} : memref<128xf32, #tpu.memory_space<vmem>>, vector<16xf32>,
          tpu.vector_store %arg19[%swap3A_329], %sub3A_316 {strides = array<i32>} : memref<128xf32, #tpu.memory_space<vmem>>, vector<16xf32>,
          %swap3A_331 = arith.constant 16 : index
          %swap3A_332 = tpu.vector_load %arg20[%swap3A_331] {strides = array<i32>} : memref<128xf32, #tpu.memory_space<vmem>>, vector<16xf32>,
          tpu.vector_store %arg20[%swap3A_331], %mul3A_317 {strides = array<i32>} : memref<128xf32, #tpu.memory_space<vmem>>, vector<16xf32>,
          %swap3A_333 = arith.constant 16 : index
          %swap3A_334 = tpu.vector_load %arg21[%swap3A_333] {strides = array<i32>} : memref<128xf32, #tpu.memory_space<vmem>>, vector<16xf32>,
          tpu.vector_store %arg21[%swap3A_333], %mul3A_318 {strides = array<i32>} : memref<128xf32, #tpu.memory_space<vmem>>, vector<16xf32>,
          %mul3A_335 = arith.constant 128 : i32
          %mul3A_336 = arith.muli %add3A_142, %mul3A_335 : i32
          %add3A_337 = arith.constant 32 : i32
          %add3A_338 = arith.addi %mul3A_336, %add3A_337 : i32
          %add3A_339 = arith.addi %min3A_127, %add3A_338 : i32
          %add3A_340 = vector.broadcast %add3A_339 : i32 to vector<16xi32>
          %add3A_341 = arith.addi %add3A_340, %iota3A : vector<16xi32>
          %ge3A_342 = vector.broadcast %mul3A_125 : i32 to vector<16xi32>
          %ge3A_343 = arith.cmpi sge, %add3A_341, %ge3A_342 : vector<16xi32>
          %get3A_344 = arith.index_cast %add3A_338 : i32 to index
          %get3A_345 = tpu.vector_load %arg10[%get3A_344] {strides = array<i32>} : memref<2048xf32, #tpu.memory_space<vmem>>, vector<16xf32>,
          %mul3A_346 = arith.constant 5.120000e+02 : f32
          %mul3A_347 = vector.broadcast %mul3A_346 : f32 to vector<16xf32>
          %mul3A_348 = arith.mulf %get3A_345, %mul3A_347 : vector<16xf32>
          %sub3A_349 = arith.constant 5.000000e-01 : f32
          %sub3A_350 = vector.broadcast %sub3A_349 : f32 to vector<16xf32>
          %sub3A_351 = arith.subf %mul3A_348, %sub3A_350 : vector<16xf32>
          %get3A_352 = arith.index_cast %add3A_338 : i32 to index
          %get3A_353 = tpu.vector_load %arg11[%get3A_352] {strides = array<i32>} : memref<2048xf32, #tpu.memory_space<vmem>>, vector<16xf32>,
          %mul3A_354 = arith.constant 5.120000e+02 : f32
          %mul3A_355 = vector.broadcast %mul3A_354 : f32 to vector<16xf32>
          %mul3A_356 = arith.mulf %get3A_353, %mul3A_355 : vector<16xf32>
          %sub3A_357 = arith.constant 5.000000e-01 : f32
          %sub3A_358 = vector.broadcast %sub3A_357 : f32 to vector<16xf32>
          %sub3A_359 = arith.subf %mul3A_356, %sub3A_358 : vector<16xf32>
          %convert_element_type3A_360 = arith.fptosi %sub3A_351 : vector<16xf32> to vector<16xi32>
          %convert_element_type3A_361 = arith.fptosi %sub3A_359 : vector<16xf32> to vector<16xi32>
          %convert_element_type3A_362 = arith.sitofp %convert_element_type3A_360 : vector<16xi32> to vector<16xf32>
          %sub3A_363 = arith.subf %sub3A_351, %convert_element_type3A_362 : vector<16xf32>
          %jit3A_364 = arith.constant 0.000000e+00 : f32
          %jit3A_365 = arith.constant 1.000000e+00 : f32
          %max3A_366 = vector.broadcast %jit3A_364 : f32 to vector<16xf32>
          %max3A_367 = arith.maximumf %max3A_366, %sub3A_363 : vector<16xf32>
          %min3A_368 = vector.broadcast %jit3A_365 : f32 to vector<16xf32>
          %min3A_369 = arith.minimumf %min3A_368, %max3A_367 : vector<16xf32>
          %convert_element_type3A_370 = arith.sitofp %convert_element_type3A_361 : vector<16xi32> to vector<16xf32>
          %sub3A_371 = arith.subf %sub3A_359, %convert_element_type3A_370 : vector<16xf32>
          %jit3A_372 = arith.constant 0.000000e+00 : f32
          %jit3A_373 = arith.constant 1.000000e+00 : f32
          %max3A_374 = vector.broadcast %jit3A_372 : f32 to vector<16xf32>
          %max3A_375 = arith.maximumf %max3A_374, %sub3A_371 : vector<16xf32>
          %min3A_376 = vector.broadcast %jit3A_373 : f32 to vector<16xf32>
          %min3A_377 = arith.minimumf %min3A_376, %max3A_375 : vector<16xf32>
          %get3A_378 = arith.index_cast %add3A_338 : i32 to index
          %get3A_379 = tpu.vector_load %arg12[%get3A_378] {strides = array<i32>} : memref<2048xf32, #tpu.memory_space<vmem>>, vector<16xf32>,
          %get3A_380 = arith.index_cast %add3A_338 : i32 to index
          %get3A_381 = tpu.vector_load %arg13[%get3A_380] {strides = array<i32>} : memref<2048xf32, #tpu.memory_space<vmem>>, vector<16xf32>,
          %mul3A_382 = arith.mulf %get3A_379, %get3A_381 : vector<16xf32>
          %jit3A_383 = arith.constant 0.000000e+00 : f32
          %broadcast_in_dim3A_384 = vector.broadcast %jit3A_383 : f32 to vector<16xf32>
          %select_n3A_385 = arith.select %ge3A_343, %mul3A_382, %broadcast_in_dim3A_384 : vector<16xi1>, vector<16xf32>
          %min3A_386 = arith.constant 511 : i32
          %min3A_387 = vector.broadcast %min3A_386 : i32 to vector<16xi32>
          %min3A_388 = arith.minsi %convert_element_type3A_361, %min3A_387 : vector<16xi32>
          %add3A_389 = arith.constant 1 : i32
          %add3A_390 = vector.broadcast %add3A_389 : i32 to vector<16xi32>
          %add3A_391 = arith.addi %convert_element_type3A_361, %add3A_390 : vector<16xi32>
          %min3A_392 = arith.constant 511 : i32
          %min3A_393 = vector.broadcast %min3A_392 : i32 to vector<16xi32>
          %min3A_394 = arith.minsi %add3A_391, %min3A_393 : vector<16xi32>
          %mul3A_395 = arith.constant 512 : i32
          %mul3A_396 = vector.broadcast %mul3A_395 : i32 to vector<16xi32>
          %mul3A_397 = arith.muli %convert_element_type3A_360, %mul3A_396 : vector<16xi32>
          %add3A_398 = arith.constant 1 : i32
          %add3A_399 = vector.broadcast %add3A_398 : i32 to vector<16xi32>
          %add3A_400 = arith.addi %convert_element_type3A_360, %add3A_399 : vector<16xi32>
          %min3A_401 = arith.constant 511 : i32
          %min3A_402 = vector.broadcast %min3A_401 : i32 to vector<16xi32>
          %min3A_403 = arith.minsi %add3A_400, %min3A_402 : vector<16xi32>
          %mul3A_404 = arith.constant 512 : i32
          %mul3A_405 = vector.broadcast %mul3A_404 : i32 to vector<16xi32>
          %mul3A_406 = arith.muli %min3A_403, %mul3A_405 : vector<16xi32>
          %mul3A_407 = arith.mulf %min3A_369, %select_n3A_385 : vector<16xf32>
          %sub3A_408 = arith.subf %select_n3A_385, %mul3A_407 : vector<16xf32>
          %add3A_409 = arith.addi %mul3A_397, %min3A_388 : vector<16xi32>
          %add3A_410 = arith.addi %mul3A_406, %min3A_388 : vector<16xi32>
          %add3A_411 = arith.addi %mul3A_397, %min3A_394 : vector<16xi32>
          %add3A_412 = arith.addi %mul3A_406, %min3A_394 : vector<16xi32>
          %mul3A_413 = arith.mulf %sub3A_408, %min3A_377 : vector<16xf32>
          %sub3A_414 = arith.subf %sub3A_408, %mul3A_413 : vector<16xf32>
          %mul3A_415 = arith.mulf %mul3A_407, %min3A_377 : vector<16xf32>
          %sub3A_416 = arith.subf %mul3A_407, %mul3A_415 : vector<16xf32>
          %mul3A_417 = arith.mulf %sub3A_408, %min3A_377 : vector<16xf32>
          %mul3A_418 = arith.mulf %mul3A_407, %min3A_377 : vector<16xf32>
          %swap3A_419 = arith.constant 32 : index
          %swap3A_420 = tpu.vector_load %arg14[%swap3A_419] {strides = array<i32>} : memref<128xi32, #tpu.memory_space<vmem>>, vector<16xi32>,
          tpu.vector_store %arg14[%swap3A_419], %add3A_409 {strides = array<i32>} : memref<128xi32, #tpu.memory_space<vmem>>, vector<16xi32>,
          %swap3A_421 = arith.constant 32 : index
          %swap3A_422 = tpu.vector_load %arg15[%swap3A_421] {strides = array<i32>} : memref<128xi32, #tpu.memory_space<vmem>>, vector<16xi32>,
          tpu.vector_store %arg15[%swap3A_421], %add3A_410 {strides = array<i32>} : memref<128xi32, #tpu.memory_space<vmem>>, vector<16xi32>,
          %swap3A_423 = arith.constant 32 : index
          %swap3A_424 = tpu.vector_load %arg16[%swap3A_423] {strides = array<i32>} : memref<128xi32, #tpu.memory_space<vmem>>, vector<16xi32>,
          tpu.vector_store %arg16[%swap3A_423], %add3A_411 {strides = array<i32>} : memref<128xi32, #tpu.memory_space<vmem>>, vector<16xi32>,
          %swap3A_425 = arith.constant 32 : index
          %swap3A_426 = tpu.vector_load %arg17[%swap3A_425] {strides = array<i32>} : memref<128xi32, #tpu.memory_space<vmem>>, vector<16xi32>,
          tpu.vector_store %arg17[%swap3A_425], %add3A_412 {strides = array<i32>} : memref<128xi32, #tpu.memory_space<vmem>>, vector<16xi32>,
          %swap3A_427 = arith.constant 32 : index
          %swap3A_428 = tpu.vector_load %arg18[%swap3A_427] {strides = array<i32>} : memref<128xf32, #tpu.memory_space<vmem>>, vector<16xf32>,
          tpu.vector_store %arg18[%swap3A_427], %sub3A_414 {strides = array<i32>} : memref<128xf32, #tpu.memory_space<vmem>>, vector<16xf32>,
          %swap3A_429 = arith.constant 32 : index
          %swap3A_430 = tpu.vector_load %arg19[%swap3A_429] {strides = array<i32>} : memref<128xf32, #tpu.memory_space<vmem>>, vector<16xf32>,
          tpu.vector_store %arg19[%swap3A_429], %sub3A_416 {strides = array<i32>} : memref<128xf32, #tpu.memory_space<vmem>>, vector<16xf32>,
          %swap3A_431 = arith.constant 32 : index
          %swap3A_432 = tpu.vector_load %arg20[%swap3A_431] {strides = array<i32>} : memref<128xf32, #tpu.memory_space<vmem>>, vector<16xf32>,
          tpu.vector_store %arg20[%swap3A_431], %mul3A_417 {strides = array<i32>} : memref<128xf32, #tpu.memory_space<vmem>>, vector<16xf32>,
          %swap3A_433 = arith.constant 32 : index
          %swap3A_434 = tpu.vector_load %arg21[%swap3A_433] {strides = array<i32>} : memref<128xf32, #tpu.memory_space<vmem>>, vector<16xf32>,
          tpu.vector_store %arg21[%swap3A_433], %mul3A_418 {strides = array<i32>} : memref<128xf32, #tpu.memory_space<vmem>>, vector<16xf32>,
          %mul3A_435 = arith.constant 128 : i32
          %mul3A_436 = arith.muli %add3A_142, %mul3A_435 : i32
          %add3A_437 = arith.constant 48 : i32
          %add3A_438 = arith.addi %mul3A_436, %add3A_437 : i32
          %add3A_439 = arith.addi %min3A_127, %add3A_438 : i32
          %add3A_440 = vector.broadcast %add3A_439 : i32 to vector<16xi32>
          %add3A_441 = arith.addi %add3A_440, %iota3A : vector<16xi32>
          %ge3A_442 = vector.broadcast %mul3A_125 : i32 to vector<16xi32>
          %ge3A_443 = arith.cmpi sge, %add3A_441, %ge3A_442 : vector<16xi32>
          %get3A_444 = arith.index_cast %add3A_438 : i32 to index
          %get3A_445 = tpu.vector_load %arg10[%get3A_444] {strides = array<i32>} : memref<2048xf32, #tpu.memory_space<vmem>>, vector<16xf32>,
          %mul3A_446 = arith.constant 5.120000e+02 : f32
          %mul3A_447 = vector.broadcast %mul3A_446 : f32 to vector<16xf32>
          %mul3A_448 = arith.mulf %get3A_445, %mul3A_447 : vector<16xf32>
          %sub3A_449 = arith.constant 5.000000e-01 : f32
          %sub3A_450 = vector.broadcast %sub3A_449 : f32 to vector<16xf32>
          %sub3A_451 = arith.subf %mul3A_448, %sub3A_450 : vector<16xf32>
          %get3A_452 = arith.index_cast %add3A_438 : i32 to index
          %get3A_453 = tpu.vector_load %arg11[%get3A_452] {strides = array<i32>} : memref<2048xf32, #tpu.memory_space<vmem>>, vector<16xf32>,
          %mul3A_454 = arith.constant 5.120000e+02 : f32
          %mul3A_455 = vector.broadcast %mul3A_454 : f32 to vector<16xf32>
          %mul3A_456 = arith.mulf %get3A_453, %mul3A_455 : vector<16xf32>
          %sub3A_457 = arith.constant 5.000000e-01 : f32
          %sub3A_458 = vector.broadcast %sub3A_457 : f32 to vector<16xf32>
          %sub3A_459 = arith.subf %mul3A_456, %sub3A_458 : vector<16xf32>
          %convert_element_type3A_460 = arith.fptosi %sub3A_451 : vector<16xf32> to vector<16xi32>
          %convert_element_type3A_461 = arith.fptosi %sub3A_459 : vector<16xf32> to vector<16xi32>
          %convert_element_type3A_462 = arith.sitofp %convert_element_type3A_460 : vector<16xi32> to vector<16xf32>
          %sub3A_463 = arith.subf %sub3A_451, %convert_element_type3A_462 : vector<16xf32>
          %jit3A_464 = arith.constant 0.000000e+00 : f32
          %jit3A_465 = arith.constant 1.000000e+00 : f32
          %max3A_466 = vector.broadcast %jit3A_464 : f32 to vector<16xf32>
          %max3A_467 = arith.maximumf %max3A_466, %sub3A_463 : vector<16xf32>
          %min3A_468 = vector.broadcast %jit3A_465 : f32 to vector<16xf32>
          %min3A_469 = arith.minimumf %min3A_468, %max3A_467 : vector<16xf32>
          %convert_element_type3A_470 = arith.sitofp %convert_element_type3A_461 : vector<16xi32> to vector<16xf32>
          %sub3A_471 = arith.subf %sub3A_459, %convert_element_type3A_470 : vector<16xf32>
          %jit3A_472 = arith.constant 0.000000e+00 : f32
          %jit3A_473 = arith.constant 1.000000e+00 : f32
          %max3A_474 = vector.broadcast %jit3A_472 : f32 to vector<16xf32>
          %max3A_475 = arith.maximumf %max3A_474, %sub3A_471 : vector<16xf32>
          %min3A_476 = vector.broadcast %jit3A_473 : f32 to vector<16xf32>
          %min3A_477 = arith.minimumf %min3A_476, %max3A_475 : vector<16xf32>
          %get3A_478 = arith.index_cast %add3A_438 : i32 to index
          %get3A_479 = tpu.vector_load %arg12[%get3A_478] {strides = array<i32>} : memref<2048xf32, #tpu.memory_space<vmem>>, vector<16xf32>,
          %get3A_480 = arith.index_cast %add3A_438 : i32 to index
          %get3A_481 = tpu.vector_load %arg13[%get3A_480] {strides = array<i32>} : memref<2048xf32, #tpu.memory_space<vmem>>, vector<16xf32>,
          %mul3A_482 = arith.mulf %get3A_479, %get3A_481 : vector<16xf32>
          %jit3A_483 = arith.constant 0.000000e+00 : f32
          %broadcast_in_dim3A_484 = vector.broadcast %jit3A_483 : f32 to vector<16xf32>
          %select_n3A_485 = arith.select %ge3A_443, %mul3A_482, %broadcast_in_dim3A_484 : vector<16xi1>, vector<16xf32>
          %min3A_486 = arith.constant 511 : i32
          %min3A_487 = vector.broadcast %min3A_486 : i32 to vector<16xi32>
          %min3A_488 = arith.minsi %convert_element_type3A_461, %min3A_487 : vector<16xi32>
          %add3A_489 = arith.constant 1 : i32
          %add3A_490 = vector.broadcast %add3A_489 : i32 to vector<16xi32>
          %add3A_491 = arith.addi %convert_element_type3A_461, %add3A_490 : vector<16xi32>
          %min3A_492 = arith.constant 511 : i32
          %min3A_493 = vector.broadcast %min3A_492 : i32 to vector<16xi32>
          %min3A_494 = arith.minsi %add3A_491, %min3A_493 : vector<16xi32>
          %mul3A_495 = arith.constant 512 : i32
          %mul3A_496 = vector.broadcast %mul3A_495 : i32 to vector<16xi32>
          %mul3A_497 = arith.muli %convert_element_type3A_460, %mul3A_496 : vector<16xi32>
          %add3A_498 = arith.constant 1 : i32
          %add3A_499 = vector.broadcast %add3A_498 : i32 to vector<16xi32>
          %add3A_500 = arith.addi %convert_element_type3A_460, %add3A_499 : vector<16xi32>
          %min3A_501 = arith.constant 511 : i32
          %min3A_502 = vector.broadcast %min3A_501 : i32 to vector<16xi32>
          %min3A_503 = arith.minsi %add3A_500, %min3A_502 : vector<16xi32>
          %mul3A_504 = arith.constant 512 : i32
          %mul3A_505 = vector.broadcast %mul3A_504 : i32 to vector<16xi32>
          %mul3A_506 = arith.muli %min3A_503, %mul3A_505 : vector<16xi32>
          %mul3A_507 = arith.mulf %min3A_469, %select_n3A_485 : vector<16xf32>
          %sub3A_508 = arith.subf %select_n3A_485, %mul3A_507 : vector<16xf32>
          %add3A_509 = arith.addi %mul3A_497, %min3A_488 : vector<16xi32>
          %add3A_510 = arith.addi %mul3A_506, %min3A_488 : vector<16xi32>
          %add3A_511 = arith.addi %mul3A_497, %min3A_494 : vector<16xi32>
          %add3A_512 = arith.addi %mul3A_506, %min3A_494 : vector<16xi32>
          %mul3A_513 = arith.mulf %sub3A_508, %min3A_477 : vector<16xf32>
          %sub3A_514 = arith.subf %sub3A_508, %mul3A_513 : vector<16xf32>
          %mul3A_515 = arith.mulf %mul3A_507, %min3A_477 : vector<16xf32>
          %sub3A_516 = arith.subf %mul3A_507, %mul3A_515 : vector<16xf32>
          %mul3A_517 = arith.mulf %sub3A_508, %min3A_477 : vector<16xf32>
          %mul3A_518 = arith.mulf %mul3A_507, %min3A_477 : vector<16xf32>
          %swap3A_519 = arith.constant 48 : index
          %swap3A_520 = tpu.vector_load %arg14[%swap3A_519] {strides = array<i32>} : memref<128xi32, #tpu.memory_space<vmem>>, vector<16xi32>,
          tpu.vector_store %arg14[%swap3A_519], %add3A_509 {strides = array<i32>} : memref<128xi32, #tpu.memory_space<vmem>>, vector<16xi32>,
          %swap3A_521 = arith.constant 48 : index
          %swap3A_522 = tpu.vector_load %arg15[%swap3A_521] {strides = array<i32>} : memref<128xi32, #tpu.memory_space<vmem>>, vector<16xi32>,
          tpu.vector_store %arg15[%swap3A_521], %add3A_510 {strides = array<i32>} : memref<128xi32, #tpu.memory_space<vmem>>, vector<16xi32>,
          %swap3A_523 = arith.constant 48 : index
          %swap3A_524 = tpu.vector_load %arg16[%swap3A_523] {strides = array<i32>} : memref<128xi32, #tpu.memory_space<vmem>>, vector<16xi32>,
          tpu.vector_store %arg16[%swap3A_523], %add3A_511 {strides = array<i32>} : memref<128xi32, #tpu.memory_space<vmem>>, vector<16xi32>,
          %swap3A_525 = arith.constant 48 : index
          %swap3A_526 = tpu.vector_load %arg17[%swap3A_525] {strides = array<i32>} : memref<128xi32, #tpu.memory_space<vmem>>, vector<16xi32>,
          tpu.vector_store %arg17[%swap3A_525], %add3A_512 {strides = array<i32>} : memref<128xi32, #tpu.memory_space<vmem>>, vector<16xi32>,
          %swap3A_527 = arith.constant 48 : index
          %swap3A_528 = tpu.vector_load %arg18[%swap3A_527] {strides = array<i32>} : memref<128xf32, #tpu.memory_space<vmem>>, vector<16xf32>,
          tpu.vector_store %arg18[%swap3A_527], %sub3A_514 {strides = array<i32>} : memref<128xf32, #tpu.memory_space<vmem>>, vector<16xf32>,
          %swap3A_529 = arith.constant 48 : index
          %swap3A_530 = tpu.vector_load %arg19[%swap3A_529] {strides = array<i32>} : memref<128xf32, #tpu.memory_space<vmem>>, vector<16xf32>,
          tpu.vector_store %arg19[%swap3A_529], %sub3A_516 {strides = array<i32>} : memref<128xf32, #tpu.memory_space<vmem>>, vector<16xf32>,
          %swap3A_531 = arith.constant 48 : index
          %swap3A_532 = tpu.vector_load %arg20[%swap3A_531] {strides = array<i32>} : memref<128xf32, #tpu.memory_space<vmem>>, vector<16xf32>,
          tpu.vector_store %arg20[%swap3A_531], %mul3A_517 {strides = array<i32>} : memref<128xf32, #tpu.memory_space<vmem>>, vector<16xf32>,
          %swap3A_533 = arith.constant 48 : index
          %swap3A_534 = tpu.vector_load %arg21[%swap3A_533] {strides = array<i32>} : memref<128xf32, #tpu.memory_space<vmem>>, vector<16xf32>,
          tpu.vector_store %arg21[%swap3A_533], %mul3A_518 {strides = array<i32>} : memref<128xf32, #tpu.memory_space<vmem>>, vector<16xf32>,
          %mul3A_535 = arith.constant 128 : i32
          %mul3A_536 = arith.muli %add3A_142, %mul3A_535 : i32
          %add3A_537 = arith.constant 64 : i32
          %add3A_538 = arith.addi %mul3A_536, %add3A_537 : i32
          %add3A_539 = arith.addi %min3A_127, %add3A_538 : i32
          %add3A_540 = vector.broadcast %add3A_539 : i32 to vector<16xi32>
          %add3A_541 = arith.addi %add3A_540, %iota3A : vector<16xi32>
          %ge3A_542 = vector.broadcast %mul3A_125 : i32 to vector<16xi32>
          %ge3A_543 = arith.cmpi sge, %add3A_541, %ge3A_542 : vector<16xi32>
          %get3A_544 = arith.index_cast %add3A_538 : i32 to index
          %get3A_545 = tpu.vector_load %arg10[%get3A_544] {strides = array<i32>} : memref<2048xf32, #tpu.memory_space<vmem>>, vector<16xf32>,
          %mul3A_546 = arith.constant 5.120000e+02 : f32
          %mul3A_547 = vector.broadcast %mul3A_546 : f32 to vector<16xf32>
          %mul3A_548 = arith.mulf %get3A_545, %mul3A_547 : vector<16xf32>
          %sub3A_549 = arith.constant 5.000000e-01 : f32
          %sub3A_550 = vector.broadcast %sub3A_549 : f32 to vector<16xf32>
          %sub3A_551 = arith.subf %mul3A_548, %sub3A_550 : vector<16xf32>
          %get3A_552 = arith.index_cast %add3A_538 : i32 to index
          %get3A_553 = tpu.vector_load %arg11[%get3A_552] {strides = array<i32>} : memref<2048xf32, #tpu.memory_space<vmem>>, vector<16xf32>,
          %mul3A_554 = arith.constant 5.120000e+02 : f32
          %mul3A_555 = vector.broadcast %mul3A_554 : f32 to vector<16xf32>
          %mul3A_556 = arith.mulf %get3A_553, %mul3A_555 : vector<16xf32>
          %sub3A_557 = arith.constant 5.000000e-01 : f32
          %sub3A_558 = vector.broadcast %sub3A_557 : f32 to vector<16xf32>
          %sub3A_559 = arith.subf %mul3A_556, %sub3A_558 : vector<16xf32>
          %convert_element_type3A_560 = arith.fptosi %sub3A_551 : vector<16xf32> to vector<16xi32>
          %convert_element_type3A_561 = arith.fptosi %sub3A_559 : vector<16xf32> to vector<16xi32>
          %convert_element_type3A_562 = arith.sitofp %convert_element_type3A_560 : vector<16xi32> to vector<16xf32>
          %sub3A_563 = arith.subf %sub3A_551, %convert_element_type3A_562 : vector<16xf32>
          %jit3A_564 = arith.constant 0.000000e+00 : f32
          %jit3A_565 = arith.constant 1.000000e+00 : f32
          %max3A_566 = vector.broadcast %jit3A_564 : f32 to vector<16xf32>
          %max3A_567 = arith.maximumf %max3A_566, %sub3A_563 : vector<16xf32>
          %min3A_568 = vector.broadcast %jit3A_565 : f32 to vector<16xf32>
          %min3A_569 = arith.minimumf %min3A_568, %max3A_567 : vector<16xf32>
          %convert_element_type3A_570 = arith.sitofp %convert_element_type3A_561 : vector<16xi32> to vector<16xf32>
          %sub3A_571 = arith.subf %sub3A_559, %convert_element_type3A_570 : vector<16xf32>
          %jit3A_572 = arith.constant 0.000000e+00 : f32
          %jit3A_573 = arith.constant 1.000000e+00 : f32
          %max3A_574 = vector.broadcast %jit3A_572 : f32 to vector<16xf32>
          %max3A_575 = arith.maximumf %max3A_574, %sub3A_571 : vector<16xf32>
          %min3A_576 = vector.broadcast %jit3A_573 : f32 to vector<16xf32>
          %min3A_577 = arith.minimumf %min3A_576, %max3A_575 : vector<16xf32>
          %get3A_578 = arith.index_cast %add3A_538 : i32 to index
          %get3A_579 = tpu.vector_load %arg12[%get3A_578] {strides = array<i32>} : memref<2048xf32, #tpu.memory_space<vmem>>, vector<16xf32>,
          %get3A_580 = arith.index_cast %add3A_538 : i32 to index
          %get3A_581 = tpu.vector_load %arg13[%get3A_580] {strides = array<i32>} : memref<2048xf32, #tpu.memory_space<vmem>>, vector<16xf32>,
          %mul3A_582 = arith.mulf %get3A_579, %get3A_581 : vector<16xf32>
          %jit3A_583 = arith.constant 0.000000e+00 : f32
          %broadcast_in_dim3A_584 = vector.broadcast %jit3A_583 : f32 to vector<16xf32>
          %select_n3A_585 = arith.select %ge3A_543, %mul3A_582, %broadcast_in_dim3A_584 : vector<16xi1>, vector<16xf32>
          %min3A_586 = arith.constant 511 : i32
          %min3A_587 = vector.broadcast %min3A_586 : i32 to vector<16xi32>
          %min3A_588 = arith.minsi %convert_element_type3A_561, %min3A_587 : vector<16xi32>
          %add3A_589 = arith.constant 1 : i32
          %add3A_590 = vector.broadcast %add3A_589 : i32 to vector<16xi32>
          %add3A_591 = arith.addi %convert_element_type3A_561, %add3A_590 : vector<16xi32>
          %min3A_592 = arith.constant 511 : i32
          %min3A_593 = vector.broadcast %min3A_592 : i32 to vector<16xi32>
          %min3A_594 = arith.minsi %add3A_591, %min3A_593 : vector<16xi32>
          %mul3A_595 = arith.constant 512 : i32
          %mul3A_596 = vector.broadcast %mul3A_595 : i32 to vector<16xi32>
          %mul3A_597 = arith.muli %convert_element_type3A_560, %mul3A_596 : vector<16xi32>
          %add3A_598 = arith.constant 1 : i32
          %add3A_599 = vector.broadcast %add3A_598 : i32 to vector<16xi32>
          %add3A_600 = arith.addi %convert_element_type3A_560, %add3A_599 : vector<16xi32>
          %min3A_601 = arith.constant 511 : i32
          %min3A_602 = vector.broadcast %min3A_601 : i32 to vector<16xi32>
          %min3A_603 = arith.minsi %add3A_600, %min3A_602 : vector<16xi32>
          %mul3A_604 = arith.constant 512 : i32
          %mul3A_605 = vector.broadcast %mul3A_604 : i32 to vector<16xi32>
          %mul3A_606 = arith.muli %min3A_603, %mul3A_605 : vector<16xi32>
          %mul3A_607 = arith.mulf %min3A_569, %select_n3A_585 : vector<16xf32>
          %sub3A_608 = arith.subf %select_n3A_585, %mul3A_607 : vector<16xf32>
          %add3A_609 = arith.addi %mul3A_597, %min3A_588 : vector<16xi32>
          %add3A_610 = arith.addi %mul3A_606, %min3A_588 : vector<16xi32>
          %add3A_611 = arith.addi %mul3A_597, %min3A_594 : vector<16xi32>
          %add3A_612 = arith.addi %mul3A_606, %min3A_594 : vector<16xi32>
          %mul3A_613 = arith.mulf %sub3A_608, %min3A_577 : vector<16xf32>
          %sub3A_614 = arith.subf %sub3A_608, %mul3A_613 : vector<16xf32>
          %mul3A_615 = arith.mulf %mul3A_607, %min3A_577 : vector<16xf32>
          %sub3A_616 = arith.subf %mul3A_607, %mul3A_615 : vector<16xf32>
          %mul3A_617 = arith.mulf %sub3A_608, %min3A_577 : vector<16xf32>
          %mul3A_618 = arith.mulf %mul3A_607, %min3A_577 : vector<16xf32>
          %swap3A_619 = arith.constant 64 : index
          %swap3A_620 = tpu.vector_load %arg14[%swap3A_619] {strides = array<i32>} : memref<128xi32, #tpu.memory_space<vmem>>, vector<16xi32>,
          tpu.vector_store %arg14[%swap3A_619], %add3A_609 {strides = array<i32>} : memref<128xi32, #tpu.memory_space<vmem>>, vector<16xi32>,
          %swap3A_621 = arith.constant 64 : index
          %swap3A_622 = tpu.vector_load %arg15[%swap3A_621] {strides = array<i32>} : memref<128xi32, #tpu.memory_space<vmem>>, vector<16xi32>,
          tpu.vector_store %arg15[%swap3A_621], %add3A_610 {strides = array<i32>} : memref<128xi32, #tpu.memory_space<vmem>>, vector<16xi32>,
          %swap3A_623 = arith.constant 64 : index
          %swap3A_624 = tpu.vector_load %arg16[%swap3A_623] {strides = array<i32>} : memref<128xi32, #tpu.memory_space<vmem>>, vector<16xi32>,
          tpu.vector_store %arg16[%swap3A_623], %add3A_611 {strides = array<i32>} : memref<128xi32, #tpu.memory_space<vmem>>, vector<16xi32>,
          %swap3A_625 = arith.constant 64 : index
          %swap3A_626 = tpu.vector_load %arg17[%swap3A_625] {strides = array<i32>} : memref<128xi32, #tpu.memory_space<vmem>>, vector<16xi32>,
          tpu.vector_store %arg17[%swap3A_625], %add3A_612 {strides = array<i32>} : memref<128xi32, #tpu.memory_space<vmem>>, vector<16xi32>,
          %swap3A_627 = arith.constant 64 : index
          %swap3A_628 = tpu.vector_load %arg18[%swap3A_627] {strides = array<i32>} : memref<128xf32, #tpu.memory_space<vmem>>, vector<16xf32>,
          tpu.vector_store %arg18[%swap3A_627], %sub3A_614 {strides = array<i32>} : memref<128xf32, #tpu.memory_space<vmem>>, vector<16xf32>,
          %swap3A_629 = arith.constant 64 : index
          %swap3A_630 = tpu.vector_load %arg19[%swap3A_629] {strides = array<i32>} : memref<128xf32, #tpu.memory_space<vmem>>, vector<16xf32>,
          tpu.vector_store %arg19[%swap3A_629], %sub3A_616 {strides = array<i32>} : memref<128xf32, #tpu.memory_space<vmem>>, vector<16xf32>,
          %swap3A_631 = arith.constant 64 : index
          %swap3A_632 = tpu.vector_load %arg20[%swap3A_631] {strides = array<i32>} : memref<128xf32, #tpu.memory_space<vmem>>, vector<16xf32>,
          tpu.vector_store %arg20[%swap3A_631], %mul3A_617 {strides = array<i32>} : memref<128xf32, #tpu.memory_space<vmem>>, vector<16xf32>,
          %swap3A_633 = arith.constant 64 : index
          %swap3A_634 = tpu.vector_load %arg21[%swap3A_633] {strides = array<i32>} : memref<128xf32, #tpu.memory_space<vmem>>, vector<16xf32>,
          tpu.vector_store %arg21[%swap3A_633], %mul3A_618 {strides = array<i32>} : memref<128xf32, #tpu.memory_space<vmem>>, vector<16xf32>,
          %mul3A_635 = arith.constant 128 : i32
          %mul3A_636 = arith.muli %add3A_142, %mul3A_635 : i32
          %add3A_637 = arith.constant 80 : i32
          %add3A_638 = arith.addi %mul3A_636, %add3A_637 : i32
          %add3A_639 = arith.addi %min3A_127, %add3A_638 : i32
          %add3A_640 = vector.broadcast %add3A_639 : i32 to vector<16xi32>
          %add3A_641 = arith.addi %add3A_640, %iota3A : vector<16xi32>
          %ge3A_642 = vector.broadcast %mul3A_125 : i32 to vector<16xi32>
          %ge3A_643 = arith.cmpi sge, %add3A_641, %ge3A_642 : vector<16xi32>
          %get3A_644 = arith.index_cast %add3A_638 : i32 to index
          %get3A_645 = tpu.vector_load %arg10[%get3A_644] {strides = array<i32>} : memref<2048xf32, #tpu.memory_space<vmem>>, vector<16xf32>,
          %mul3A_646 = arith.constant 5.120000e+02 : f32
          %mul3A_647 = vector.broadcast %mul3A_646 : f32 to vector<16xf32>
          %mul3A_648 = arith.mulf %get3A_645, %mul3A_647 : vector<16xf32>
          %sub3A_649 = arith.constant 5.000000e-01 : f32
          %sub3A_650 = vector.broadcast %sub3A_649 : f32 to vector<16xf32>
          %sub3A_651 = arith.subf %mul3A_648, %sub3A_650 : vector<16xf32>
          %get3A_652 = arith.index_cast %add3A_638 : i32 to index
          %get3A_653 = tpu.vector_load %arg11[%get3A_652] {strides = array<i32>} : memref<2048xf32, #tpu.memory_space<vmem>>, vector<16xf32>,
          %mul3A_654 = arith.constant 5.120000e+02 : f32
          %mul3A_655 = vector.broadcast %mul3A_654 : f32 to vector<16xf32>
          %mul3A_656 = arith.mulf %get3A_653, %mul3A_655 : vector<16xf32>
          %sub3A_657 = arith.constant 5.000000e-01 : f32
          %sub3A_658 = vector.broadcast %sub3A_657 : f32 to vector<16xf32>
          %sub3A_659 = arith.subf %mul3A_656, %sub3A_658 : vector<16xf32>
          %convert_element_type3A_660 = arith.fptosi %sub3A_651 : vector<16xf32> to vector<16xi32>
          %convert_element_type3A_661 = arith.fptosi %sub3A_659 : vector<16xf32> to vector<16xi32>
          %convert_element_type3A_662 = arith.sitofp %convert_element_type3A_660 : vector<16xi32> to vector<16xf32>
          %sub3A_663 = arith.subf %sub3A_651, %convert_element_type3A_662 : vector<16xf32>
          %jit3A_664 = arith.constant 0.000000e+00 : f32
          %jit3A_665 = arith.constant 1.000000e+00 : f32
          %max3A_666 = vector.broadcast %jit3A_664 : f32 to vector<16xf32>
          %max3A_667 = arith.maximumf %max3A_666, %sub3A_663 : vector<16xf32>
          %min3A_668 = vector.broadcast %jit3A_665 : f32 to vector<16xf32>
          %min3A_669 = arith.minimumf %min3A_668, %max3A_667 : vector<16xf32>
          %convert_element_type3A_670 = arith.sitofp %convert_element_type3A_661 : vector<16xi32> to vector<16xf32>
          %sub3A_671 = arith.subf %sub3A_659, %convert_element_type3A_670 : vector<16xf32>
          %jit3A_672 = arith.constant 0.000000e+00 : f32
          %jit3A_673 = arith.constant 1.000000e+00 : f32
          %max3A_674 = vector.broadcast %jit3A_672 : f32 to vector<16xf32>
          %max3A_675 = arith.maximumf %max3A_674, %sub3A_671 : vector<16xf32>
          %min3A_676 = vector.broadcast %jit3A_673 : f32 to vector<16xf32>
          %min3A_677 = arith.minimumf %min3A_676, %max3A_675 : vector<16xf32>
          %get3A_678 = arith.index_cast %add3A_638 : i32 to index
          %get3A_679 = tpu.vector_load %arg12[%get3A_678] {strides = array<i32>} : memref<2048xf32, #tpu.memory_space<vmem>>, vector<16xf32>,
          %get3A_680 = arith.index_cast %add3A_638 : i32 to index
          %get3A_681 = tpu.vector_load %arg13[%get3A_680] {strides = array<i32>} : memref<2048xf32, #tpu.memory_space<vmem>>, vector<16xf32>,
          %mul3A_682 = arith.mulf %get3A_679, %get3A_681 : vector<16xf32>
          %jit3A_683 = arith.constant 0.000000e+00 : f32
          %broadcast_in_dim3A_684 = vector.broadcast %jit3A_683 : f32 to vector<16xf32>
          %select_n3A_685 = arith.select %ge3A_643, %mul3A_682, %broadcast_in_dim3A_684 : vector<16xi1>, vector<16xf32>
          %min3A_686 = arith.constant 511 : i32
          %min3A_687 = vector.broadcast %min3A_686 : i32 to vector<16xi32>
          %min3A_688 = arith.minsi %convert_element_type3A_661, %min3A_687 : vector<16xi32>
          %add3A_689 = arith.constant 1 : i32
          %add3A_690 = vector.broadcast %add3A_689 : i32 to vector<16xi32>
          %add3A_691 = arith.addi %convert_element_type3A_661, %add3A_690 : vector<16xi32>
          %min3A_692 = arith.constant 511 : i32
          %min3A_693 = vector.broadcast %min3A_692 : i32 to vector<16xi32>
          %min3A_694 = arith.minsi %add3A_691, %min3A_693 : vector<16xi32>
          %mul3A_695 = arith.constant 512 : i32
          %mul3A_696 = vector.broadcast %mul3A_695 : i32 to vector<16xi32>
          %mul3A_697 = arith.muli %convert_element_type3A_660, %mul3A_696 : vector<16xi32>
          %add3A_698 = arith.constant 1 : i32
          %add3A_699 = vector.broadcast %add3A_698 : i32 to vector<16xi32>
          %add3A_700 = arith.addi %convert_element_type3A_660, %add3A_699 : vector<16xi32>
          %min3A_701 = arith.constant 511 : i32
          %min3A_702 = vector.broadcast %min3A_701 : i32 to vector<16xi32>
          %min3A_703 = arith.minsi %add3A_700, %min3A_702 : vector<16xi32>
          %mul3A_704 = arith.constant 512 : i32
          %mul3A_705 = vector.broadcast %mul3A_704 : i32 to vector<16xi32>
          %mul3A_706 = arith.muli %min3A_703, %mul3A_705 : vector<16xi32>
          %mul3A_707 = arith.mulf %min3A_669, %select_n3A_685 : vector<16xf32>
          %sub3A_708 = arith.subf %select_n3A_685, %mul3A_707 : vector<16xf32>
          %add3A_709 = arith.addi %mul3A_697, %min3A_688 : vector<16xi32>
          %add3A_710 = arith.addi %mul3A_706, %min3A_688 : vector<16xi32>
          %add3A_711 = arith.addi %mul3A_697, %min3A_694 : vector<16xi32>
          %add3A_712 = arith.addi %mul3A_706, %min3A_694 : vector<16xi32>
          %mul3A_713 = arith.mulf %sub3A_708, %min3A_677 : vector<16xf32>
          %sub3A_714 = arith.subf %sub3A_708, %mul3A_713 : vector<16xf32>
          %mul3A_715 = arith.mulf %mul3A_707, %min3A_677 : vector<16xf32>
          %sub3A_716 = arith.subf %mul3A_707, %mul3A_715 : vector<16xf32>
          %mul3A_717 = arith.mulf %sub3A_708, %min3A_677 : vector<16xf32>
          %mul3A_718 = arith.mulf %mul3A_707, %min3A_677 : vector<16xf32>
          %swap3A_719 = arith.constant 80 : index
          %swap3A_720 = tpu.vector_load %arg14[%swap3A_719] {strides = array<i32>} : memref<128xi32, #tpu.memory_space<vmem>>, vector<16xi32>,
          tpu.vector_store %arg14[%swap3A_719], %add3A_709 {strides = array<i32>} : memref<128xi32, #tpu.memory_space<vmem>>, vector<16xi32>,
          %swap3A_721 = arith.constant 80 : index
          %swap3A_722 = tpu.vector_load %arg15[%swap3A_721] {strides = array<i32>} : memref<128xi32, #tpu.memory_space<vmem>>, vector<16xi32>,
          tpu.vector_store %arg15[%swap3A_721], %add3A_710 {strides = array<i32>} : memref<128xi32, #tpu.memory_space<vmem>>, vector<16xi32>,
          %swap3A_723 = arith.constant 80 : index
          %swap3A_724 = tpu.vector_load %arg16[%swap3A_723] {strides = array<i32>} : memref<128xi32, #tpu.memory_space<vmem>>, vector<16xi32>,
          tpu.vector_store %arg16[%swap3A_723], %add3A_711 {strides = array<i32>} : memref<128xi32, #tpu.memory_space<vmem>>, vector<16xi32>,
          %swap3A_725 = arith.constant 80 : index
          %swap3A_726 = tpu.vector_load %arg17[%swap3A_725] {strides = array<i32>} : memref<128xi32, #tpu.memory_space<vmem>>, vector<16xi32>,
          tpu.vector_store %arg17[%swap3A_725], %add3A_712 {strides = array<i32>} : memref<128xi32, #tpu.memory_space<vmem>>, vector<16xi32>,
          %swap3A_727 = arith.constant 80 : index
          %swap3A_728 = tpu.vector_load %arg18[%swap3A_727] {strides = array<i32>} : memref<128xf32, #tpu.memory_space<vmem>>, vector<16xf32>,
          tpu.vector_store %arg18[%swap3A_727], %sub3A_714 {strides = array<i32>} : memref<128xf32, #tpu.memory_space<vmem>>, vector<16xf32>,
          %swap3A_729 = arith.constant 80 : index
          %swap3A_730 = tpu.vector_load %arg19[%swap3A_729] {strides = array<i32>} : memref<128xf32, #tpu.memory_space<vmem>>, vector<16xf32>,
          tpu.vector_store %arg19[%swap3A_729], %sub3A_716 {strides = array<i32>} : memref<128xf32, #tpu.memory_space<vmem>>, vector<16xf32>,
          %swap3A_731 = arith.constant 80 : index
          %swap3A_732 = tpu.vector_load %arg20[%swap3A_731] {strides = array<i32>} : memref<128xf32, #tpu.memory_space<vmem>>, vector<16xf32>,
          tpu.vector_store %arg20[%swap3A_731], %mul3A_717 {strides = array<i32>} : memref<128xf32, #tpu.memory_space<vmem>>, vector<16xf32>,
          %swap3A_733 = arith.constant 80 : index
          %swap3A_734 = tpu.vector_load %arg21[%swap3A_733] {strides = array<i32>} : memref<128xf32, #tpu.memory_space<vmem>>, vector<16xf32>,
          tpu.vector_store %arg21[%swap3A_733], %mul3A_718 {strides = array<i32>} : memref<128xf32, #tpu.memory_space<vmem>>, vector<16xf32>,
          %mul3A_735 = arith.constant 128 : i32
          %mul3A_736 = arith.muli %add3A_142, %mul3A_735 : i32
          %add3A_737 = arith.constant 96 : i32
          %add3A_738 = arith.addi %mul3A_736, %add3A_737 : i32
          %add3A_739 = arith.addi %min3A_127, %add3A_738 : i32
          %add3A_740 = vector.broadcast %add3A_739 : i32 to vector<16xi32>
          %add3A_741 = arith.addi %add3A_740, %iota3A : vector<16xi32>
          %ge3A_742 = vector.broadcast %mul3A_125 : i32 to vector<16xi32>
          %ge3A_743 = arith.cmpi sge, %add3A_741, %ge3A_742 : vector<16xi32>
          %get3A_744 = arith.index_cast %add3A_738 : i32 to index
          %get3A_745 = tpu.vector_load %arg10[%get3A_744] {strides = array<i32>} : memref<2048xf32, #tpu.memory_space<vmem>>, vector<16xf32>,
          %mul3A_746 = arith.constant 5.120000e+02 : f32
          %mul3A_747 = vector.broadcast %mul3A_746 : f32 to vector<16xf32>
          %mul3A_748 = arith.mulf %get3A_745, %mul3A_747 : vector<16xf32>
          %sub3A_749 = arith.constant 5.000000e-01 : f32
          %sub3A_750 = vector.broadcast %sub3A_749 : f32 to vector<16xf32>
          %sub3A_751 = arith.subf %mul3A_748, %sub3A_750 : vector<16xf32>
          %get3A_752 = arith.index_cast %add3A_738 : i32 to index
          %get3A_753 = tpu.vector_load %arg11[%get3A_752] {strides = array<i32>} : memref<2048xf32, #tpu.memory_space<vmem>>, vector<16xf32>,
          %mul3A_754 = arith.constant 5.120000e+02 : f32
          %mul3A_755 = vector.broadcast %mul3A_754 : f32 to vector<16xf32>
          %mul3A_756 = arith.mulf %get3A_753, %mul3A_755 : vector<16xf32>
          %sub3A_757 = arith.constant 5.000000e-01 : f32
          %sub3A_758 = vector.broadcast %sub3A_757 : f32 to vector<16xf32>
          %sub3A_759 = arith.subf %mul3A_756, %sub3A_758 : vector<16xf32>
          %convert_element_type3A_760 = arith.fptosi %sub3A_751 : vector<16xf32> to vector<16xi32>
          %convert_element_type3A_761 = arith.fptosi %sub3A_759 : vector<16xf32> to vector<16xi32>
          %convert_element_type3A_762 = arith.sitofp %convert_element_type3A_760 : vector<16xi32> to vector<16xf32>
          %sub3A_763 = arith.subf %sub3A_751, %convert_element_type3A_762 : vector<16xf32>
          %jit3A_764 = arith.constant 0.000000e+00 : f32
          %jit3A_765 = arith.constant 1.000000e+00 : f32
          %max3A_766 = vector.broadcast %jit3A_764 : f32 to vector<16xf32>
          %max3A_767 = arith.maximumf %max3A_766, %sub3A_763 : vector<16xf32>
          %min3A_768 = vector.broadcast %jit3A_765 : f32 to vector<16xf32>
          %min3A_769 = arith.minimumf %min3A_768, %max3A_767 : vector<16xf32>
          %convert_element_type3A_770 = arith.sitofp %convert_element_type3A_761 : vector<16xi32> to vector<16xf32>
          %sub3A_771 = arith.subf %sub3A_759, %convert_element_type3A_770 : vector<16xf32>
          %jit3A_772 = arith.constant 0.000000e+00 : f32
          %jit3A_773 = arith.constant 1.000000e+00 : f32
          %max3A_774 = vector.broadcast %jit3A_772 : f32 to vector<16xf32>
          %max3A_775 = arith.maximumf %max3A_774, %sub3A_771 : vector<16xf32>
          %min3A_776 = vector.broadcast %jit3A_773 : f32 to vector<16xf32>
          %min3A_777 = arith.minimumf %min3A_776, %max3A_775 : vector<16xf32>
          %get3A_778 = arith.index_cast %add3A_738 : i32 to index
          %get3A_779 = tpu.vector_load %arg12[%get3A_778] {strides = array<i32>} : memref<2048xf32, #tpu.memory_space<vmem>>, vector<16xf32>,
          %get3A_780 = arith.index_cast %add3A_738 : i32 to index
          %get3A_781 = tpu.vector_load %arg13[%get3A_780] {strides = array<i32>} : memref<2048xf32, #tpu.memory_space<vmem>>, vector<16xf32>,
          %mul3A_782 = arith.mulf %get3A_779, %get3A_781 : vector<16xf32>
          %jit3A_783 = arith.constant 0.000000e+00 : f32
          %broadcast_in_dim3A_784 = vector.broadcast %jit3A_783 : f32 to vector<16xf32>
          %select_n3A_785 = arith.select %ge3A_743, %mul3A_782, %broadcast_in_dim3A_784 : vector<16xi1>, vector<16xf32>
          %min3A_786 = arith.constant 511 : i32
          %min3A_787 = vector.broadcast %min3A_786 : i32 to vector<16xi32>
          %min3A_788 = arith.minsi %convert_element_type3A_761, %min3A_787 : vector<16xi32>
          %add3A_789 = arith.constant 1 : i32
          %add3A_790 = vector.broadcast %add3A_789 : i32 to vector<16xi32>
          %add3A_791 = arith.addi %convert_element_type3A_761, %add3A_790 : vector<16xi32>
          %min3A_792 = arith.constant 511 : i32
          %min3A_793 = vector.broadcast %min3A_792 : i32 to vector<16xi32>
          %min3A_794 = arith.minsi %add3A_791, %min3A_793 : vector<16xi32>
          %mul3A_795 = arith.constant 512 : i32
          %mul3A_796 = vector.broadcast %mul3A_795 : i32 to vector<16xi32>
          %mul3A_797 = arith.muli %convert_element_type3A_760, %mul3A_796 : vector<16xi32>
          %add3A_798 = arith.constant 1 : i32
          %add3A_799 = vector.broadcast %add3A_798 : i32 to vector<16xi32>
          %add3A_800 = arith.addi %convert_element_type3A_760, %add3A_799 : vector<16xi32>
          %min3A_801 = arith.constant 511 : i32
          %min3A_802 = vector.broadcast %min3A_801 : i32 to vector<16xi32>
          %min3A_803 = arith.minsi %add3A_800, %min3A_802 : vector<16xi32>
          %mul3A_804 = arith.constant 512 : i32
          %mul3A_805 = vector.broadcast %mul3A_804 : i32 to vector<16xi32>
          %mul3A_806 = arith.muli %min3A_803, %mul3A_805 : vector<16xi32>
          %mul3A_807 = arith.mulf %min3A_769, %select_n3A_785 : vector<16xf32>
          %sub3A_808 = arith.subf %select_n3A_785, %mul3A_807 : vector<16xf32>
          %add3A_809 = arith.addi %mul3A_797, %min3A_788 : vector<16xi32>
          %add3A_810 = arith.addi %mul3A_806, %min3A_788 : vector<16xi32>
          %add3A_811 = arith.addi %mul3A_797, %min3A_794 : vector<16xi32>
          %add3A_812 = arith.addi %mul3A_806, %min3A_794 : vector<16xi32>
          %mul3A_813 = arith.mulf %sub3A_808, %min3A_777 : vector<16xf32>
          %sub3A_814 = arith.subf %sub3A_808, %mul3A_813 : vector<16xf32>
          %mul3A_815 = arith.mulf %mul3A_807, %min3A_777 : vector<16xf32>
          %sub3A_816 = arith.subf %mul3A_807, %mul3A_815 : vector<16xf32>
          %mul3A_817 = arith.mulf %sub3A_808, %min3A_777 : vector<16xf32>
          %mul3A_818 = arith.mulf %mul3A_807, %min3A_777 : vector<16xf32>
          %swap3A_819 = arith.constant 96 : index
          %swap3A_820 = tpu.vector_load %arg14[%swap3A_819] {strides = array<i32>} : memref<128xi32, #tpu.memory_space<vmem>>, vector<16xi32>,
          tpu.vector_store %arg14[%swap3A_819], %add3A_809 {strides = array<i32>} : memref<128xi32, #tpu.memory_space<vmem>>, vector<16xi32>,
          %swap3A_821 = arith.constant 96 : index
          %swap3A_822 = tpu.vector_load %arg15[%swap3A_821] {strides = array<i32>} : memref<128xi32, #tpu.memory_space<vmem>>, vector<16xi32>,
          tpu.vector_store %arg15[%swap3A_821], %add3A_810 {strides = array<i32>} : memref<128xi32, #tpu.memory_space<vmem>>, vector<16xi32>,
          %swap3A_823 = arith.constant 96 : index
          %swap3A_824 = tpu.vector_load %arg16[%swap3A_823] {strides = array<i32>} : memref<128xi32, #tpu.memory_space<vmem>>, vector<16xi32>,
          tpu.vector_store %arg16[%swap3A_823], %add3A_811 {strides = array<i32>} : memref<128xi32, #tpu.memory_space<vmem>>, vector<16xi32>,
          %swap3A_825 = arith.constant 96 : index
          %swap3A_826 = tpu.vector_load %arg17[%swap3A_825] {strides = array<i32>} : memref<128xi32, #tpu.memory_space<vmem>>, vector<16xi32>,
          tpu.vector_store %arg17[%swap3A_825], %add3A_812 {strides = array<i32>} : memref<128xi32, #tpu.memory_space<vmem>>, vector<16xi32>,
          %swap3A_827 = arith.constant 96 : index
          %swap3A_828 = tpu.vector_load %arg18[%swap3A_827] {strides = array<i32>} : memref<128xf32, #tpu.memory_space<vmem>>, vector<16xf32>,
          tpu.vector_store %arg18[%swap3A_827], %sub3A_814 {strides = array<i32>} : memref<128xf32, #tpu.memory_space<vmem>>, vector<16xf32>,
          %swap3A_829 = arith.constant 96 : index
          %swap3A_830 = tpu.vector_load %arg19[%swap3A_829] {strides = array<i32>} : memref<128xf32, #tpu.memory_space<vmem>>, vector<16xf32>,
          tpu.vector_store %arg19[%swap3A_829], %sub3A_816 {strides = array<i32>} : memref<128xf32, #tpu.memory_space<vmem>>, vector<16xf32>,
          %swap3A_831 = arith.constant 96 : index
          %swap3A_832 = tpu.vector_load %arg20[%swap3A_831] {strides = array<i32>} : memref<128xf32, #tpu.memory_space<vmem>>, vector<16xf32>,
          tpu.vector_store %arg20[%swap3A_831], %mul3A_817 {strides = array<i32>} : memref<128xf32, #tpu.memory_space<vmem>>, vector<16xf32>,
          %swap3A_833 = arith.constant 96 : index
          %swap3A_834 = tpu.vector_load %arg21[%swap3A_833] {strides = array<i32>} : memref<128xf32, #tpu.memory_space<vmem>>, vector<16xf32>,
          tpu.vector_store %arg21[%swap3A_833], %mul3A_818 {strides = array<i32>} : memref<128xf32, #tpu.memory_space<vmem>>, vector<16xf32>,
          %mul3A_835 = arith.constant 128 : i32
          %mul3A_836 = arith.muli %add3A_142, %mul3A_835 : i32
          %add3A_837 = arith.constant 112 : i32
          %add3A_838 = arith.addi %mul3A_836, %add3A_837 : i32
          %add3A_839 = arith.addi %min3A_127, %add3A_838 : i32
          %add3A_840 = vector.broadcast %add3A_839 : i32 to vector<16xi32>
          %add3A_841 = arith.addi %add3A_840, %iota3A : vector<16xi32>
          %ge3A_842 = vector.broadcast %mul3A_125 : i32 to vector<16xi32>
          %ge3A_843 = arith.cmpi sge, %add3A_841, %ge3A_842 : vector<16xi32>
          %get3A_844 = arith.index_cast %add3A_838 : i32 to index
          %get3A_845 = tpu.vector_load %arg10[%get3A_844] {strides = array<i32>} : memref<2048xf32, #tpu.memory_space<vmem>>, vector<16xf32>,
          %mul3A_846 = arith.constant 5.120000e+02 : f32
          %mul3A_847 = vector.broadcast %mul3A_846 : f32 to vector<16xf32>
          %mul3A_848 = arith.mulf %get3A_845, %mul3A_847 : vector<16xf32>
          %sub3A_849 = arith.constant 5.000000e-01 : f32
          %sub3A_850 = vector.broadcast %sub3A_849 : f32 to vector<16xf32>
          %sub3A_851 = arith.subf %mul3A_848, %sub3A_850 : vector<16xf32>
          %get3A_852 = arith.index_cast %add3A_838 : i32 to index
          %get3A_853 = tpu.vector_load %arg11[%get3A_852] {strides = array<i32>} : memref<2048xf32, #tpu.memory_space<vmem>>, vector<16xf32>,
          %mul3A_854 = arith.constant 5.120000e+02 : f32
          %mul3A_855 = vector.broadcast %mul3A_854 : f32 to vector<16xf32>
          %mul3A_856 = arith.mulf %get3A_853, %mul3A_855 : vector<16xf32>
          %sub3A_857 = arith.constant 5.000000e-01 : f32
          %sub3A_858 = vector.broadcast %sub3A_857 : f32 to vector<16xf32>
          %sub3A_859 = arith.subf %mul3A_856, %sub3A_858 : vector<16xf32>
          %convert_element_type3A_860 = arith.fptosi %sub3A_851 : vector<16xf32> to vector<16xi32>
          %convert_element_type3A_861 = arith.fptosi %sub3A_859 : vector<16xf32> to vector<16xi32>
          %convert_element_type3A_862 = arith.sitofp %convert_element_type3A_860 : vector<16xi32> to vector<16xf32>
          %sub3A_863 = arith.subf %sub3A_851, %convert_element_type3A_862 : vector<16xf32>
          %jit3A_864 = arith.constant 0.000000e+00 : f32
          %jit3A_865 = arith.constant 1.000000e+00 : f32
          %max3A_866 = vector.broadcast %jit3A_864 : f32 to vector<16xf32>
          %max3A_867 = arith.maximumf %max3A_866, %sub3A_863 : vector<16xf32>
          %min3A_868 = vector.broadcast %jit3A_865 : f32 to vector<16xf32>
          %min3A_869 = arith.minimumf %min3A_868, %max3A_867 : vector<16xf32>
          %convert_element_type3A_870 = arith.sitofp %convert_element_type3A_861 : vector<16xi32> to vector<16xf32>
          %sub3A_871 = arith.subf %sub3A_859, %convert_element_type3A_870 : vector<16xf32>
          %jit3A_872 = arith.constant 0.000000e+00 : f32
          %jit3A_873 = arith.constant 1.000000e+00 : f32
          %max3A_874 = vector.broadcast %jit3A_872 : f32 to vector<16xf32>
          %max3A_875 = arith.maximumf %max3A_874, %sub3A_871 : vector<16xf32>
          %min3A_876 = vector.broadcast %jit3A_873 : f32 to vector<16xf32>
          %min3A_877 = arith.minimumf %min3A_876, %max3A_875 : vector<16xf32>
          %get3A_878 = arith.index_cast %add3A_838 : i32 to index
          %get3A_879 = tpu.vector_load %arg12[%get3A_878] {strides = array<i32>} : memref<2048xf32, #tpu.memory_space<vmem>>, vector<16xf32>,
          %get3A_880 = arith.index_cast %add3A_838 : i32 to index
          %get3A_881 = tpu.vector_load %arg13[%get3A_880] {strides = array<i32>} : memref<2048xf32, #tpu.memory_space<vmem>>, vector<16xf32>,
          %mul3A_882 = arith.mulf %get3A_879, %get3A_881 : vector<16xf32>
          %jit3A_883 = arith.constant 0.000000e+00 : f32
          %broadcast_in_dim3A_884 = vector.broadcast %jit3A_883 : f32 to vector<16xf32>
          %select_n3A_885 = arith.select %ge3A_843, %mul3A_882, %broadcast_in_dim3A_884 : vector<16xi1>, vector<16xf32>
          %min3A_886 = arith.constant 511 : i32
          %min3A_887 = vector.broadcast %min3A_886 : i32 to vector<16xi32>
          %min3A_888 = arith.minsi %convert_element_type3A_861, %min3A_887 : vector<16xi32>
          %add3A_889 = arith.constant 1 : i32
          %add3A_890 = vector.broadcast %add3A_889 : i32 to vector<16xi32>
          %add3A_891 = arith.addi %convert_element_type3A_861, %add3A_890 : vector<16xi32>
          %min3A_892 = arith.constant 511 : i32
          %min3A_893 = vector.broadcast %min3A_892 : i32 to vector<16xi32>
          %min3A_894 = arith.minsi %add3A_891, %min3A_893 : vector<16xi32>
          %mul3A_895 = arith.constant 512 : i32
          %mul3A_896 = vector.broadcast %mul3A_895 : i32 to vector<16xi32>
          %mul3A_897 = arith.muli %convert_element_type3A_860, %mul3A_896 : vector<16xi32>
          %add3A_898 = arith.constant 1 : i32
          %add3A_899 = vector.broadcast %add3A_898 : i32 to vector<16xi32>
          %add3A_900 = arith.addi %convert_element_type3A_860, %add3A_899 : vector<16xi32>
          %min3A_901 = arith.constant 511 : i32
          %min3A_902 = vector.broadcast %min3A_901 : i32 to vector<16xi32>
          %min3A_903 = arith.minsi %add3A_900, %min3A_902 : vector<16xi32>
          %mul3A_904 = arith.constant 512 : i32
          %mul3A_905 = vector.broadcast %mul3A_904 : i32 to vector<16xi32>
          %mul3A_906 = arith.muli %min3A_903, %mul3A_905 : vector<16xi32>
          %mul3A_907 = arith.mulf %min3A_869, %select_n3A_885 : vector<16xf32>
          %sub3A_908 = arith.subf %select_n3A_885, %mul3A_907 : vector<16xf32>
          %add3A_909 = arith.addi %mul3A_897, %min3A_888 : vector<16xi32>
          %add3A_910 = arith.addi %mul3A_906, %min3A_888 : vector<16xi32>
          %add3A_911 = arith.addi %mul3A_897, %min3A_894 : vector<16xi32>
          %add3A_912 = arith.addi %mul3A_906, %min3A_894 : vector<16xi32>
          %mul3A_913 = arith.mulf %sub3A_908, %min3A_877 : vector<16xf32>
          %sub3A_914 = arith.subf %sub3A_908, %mul3A_913 : vector<16xf32>
          %mul3A_915 = arith.mulf %mul3A_907, %min3A_877 : vector<16xf32>
          %sub3A_916 = arith.subf %mul3A_907, %mul3A_915 : vector<16xf32>
          %mul3A_917 = arith.mulf %sub3A_908, %min3A_877 : vector<16xf32>
          %mul3A_918 = arith.mulf %mul3A_907, %min3A_877 : vector<16xf32>
          %swap3A_919 = arith.constant 112 : index
          %swap3A_920 = tpu.vector_load %arg14[%swap3A_919] {strides = array<i32>} : memref<128xi32, #tpu.memory_space<vmem>>, vector<16xi32>,
          tpu.vector_store %arg14[%swap3A_919], %add3A_909 {strides = array<i32>} : memref<128xi32, #tpu.memory_space<vmem>>, vector<16xi32>,
          %swap3A_921 = arith.constant 112 : index
          %swap3A_922 = tpu.vector_load %arg15[%swap3A_921] {strides = array<i32>} : memref<128xi32, #tpu.memory_space<vmem>>, vector<16xi32>,
          tpu.vector_store %arg15[%swap3A_921], %add3A_910 {strides = array<i32>} : memref<128xi32, #tpu.memory_space<vmem>>, vector<16xi32>,
          %swap3A_923 = arith.constant 112 : index
          %swap3A_924 = tpu.vector_load %arg16[%swap3A_923] {strides = array<i32>} : memref<128xi32, #tpu.memory_space<vmem>>, vector<16xi32>,
          tpu.vector_store %arg16[%swap3A_923], %add3A_911 {strides = array<i32>} : memref<128xi32, #tpu.memory_space<vmem>>, vector<16xi32>,
          %swap3A_925 = arith.constant 112 : index
          %swap3A_926 = tpu.vector_load %arg17[%swap3A_925] {strides = array<i32>} : memref<128xi32, #tpu.memory_space<vmem>>, vector<16xi32>,
          tpu.vector_store %arg17[%swap3A_925], %add3A_912 {strides = array<i32>} : memref<128xi32, #tpu.memory_space<vmem>>, vector<16xi32>,
          %swap3A_927 = arith.constant 112 : index
          %swap3A_928 = tpu.vector_load %arg18[%swap3A_927] {strides = array<i32>} : memref<128xf32, #tpu.memory_space<vmem>>, vector<16xf32>,
          tpu.vector_store %arg18[%swap3A_927], %sub3A_914 {strides = array<i32>} : memref<128xf32, #tpu.memory_space<vmem>>, vector<16xf32>,
          %swap3A_929 = arith.constant 112 : index
          %swap3A_930 = tpu.vector_load %arg19[%swap3A_929] {strides = array<i32>} : memref<128xf32, #tpu.memory_space<vmem>>, vector<16xf32>,
          tpu.vector_store %arg19[%swap3A_929], %sub3A_916 {strides = array<i32>} : memref<128xf32, #tpu.memory_space<vmem>>, vector<16xf32>,
          %swap3A_931 = arith.constant 112 : index
          %swap3A_932 = tpu.vector_load %arg20[%swap3A_931] {strides = array<i32>} : memref<128xf32, #tpu.memory_space<vmem>>, vector<16xf32>,
          tpu.vector_store %arg20[%swap3A_931], %mul3A_917 {strides = array<i32>} : memref<128xf32, #tpu.memory_space<vmem>>, vector<16xf32>,
          %swap3A_933 = arith.constant 112 : index
          %swap3A_934 = tpu.vector_load %arg21[%swap3A_933] {strides = array<i32>} : memref<128xf32, #tpu.memory_space<vmem>>, vector<16xf32>,
          tpu.vector_store %arg21[%swap3A_933], %mul3A_918 {strides = array<i32>} : memref<128xf32, #tpu.memory_space<vmem>>, vector<16xf32>,
          %dma_start3A_935 = arith.constant 0 : i32
          %dma_start3A_936 = tpu.memref_slice %arg23[%dma_start3A_935] : memref<262144xf32, #tpu.memory_space<vmem_shared>> -> memref<262144xf32, #tpu.memory_space<vmem_shared>>
          tpu.enqueue_indirect_dma source(%arg18 : memref<128xf32, #tpu.memory_space<vmem>>) target(%dma_start3A_936 : memref<262144xf32, #tpu.memory_space<vmem_shared>>) offsets(%arg14 : memref<128xi32, #tpu.memory_space<vmem>>) semaphore(%arg25 : memref<!tpu.dma_semaphore, #tpu.memory_space<semaphore_mem>>) {add = true}
          %dma_start3A_937 = arith.constant 0 : i32
          %dma_start3A_938 = tpu.memref_slice %arg23[%dma_start3A_937] : memref<262144xf32, #tpu.memory_space<vmem_shared>> -> memref<262144xf32, #tpu.memory_space<vmem_shared>>
          tpu.enqueue_indirect_dma source(%arg19 : memref<128xf32, #tpu.memory_space<vmem>>) target(%dma_start3A_938 : memref<262144xf32, #tpu.memory_space<vmem_shared>>) offsets(%arg15 : memref<128xi32, #tpu.memory_space<vmem>>) semaphore(%arg25 : memref<!tpu.dma_semaphore, #tpu.memory_space<semaphore_mem>>) {add = true}
          %dma_start3A_939 = arith.constant 0 : i32
          %dma_start3A_940 = tpu.memref_slice %arg23[%dma_start3A_939] : memref<262144xf32, #tpu.memory_space<vmem_shared>> -> memref<262144xf32, #tpu.memory_space<vmem_shared>>
          tpu.enqueue_indirect_dma source(%arg20 : memref<128xf32, #tpu.memory_space<vmem>>) target(%dma_start3A_940 : memref<262144xf32, #tpu.memory_space<vmem_shared>>) offsets(%arg16 : memref<128xi32, #tpu.memory_space<vmem>>) semaphore(%arg25 : memref<!tpu.dma_semaphore, #tpu.memory_space<semaphore_mem>>) {add = true}
          %dma_start3A_941 = arith.constant 0 : i32
          %dma_start3A_942 = tpu.memref_slice %arg23[%dma_start3A_941] : memref<262144xf32, #tpu.memory_space<vmem_shared>> -> memref<262144xf32, #tpu.memory_space<vmem_shared>>
          tpu.enqueue_indirect_dma source(%arg21 : memref<128xf32, #tpu.memory_space<vmem>>) target(%dma_start3A_942 : memref<262144xf32, #tpu.memory_space<vmem_shared>>) offsets(%arg17 : memref<128xi32, #tpu.memory_space<vmem>>) semaphore(%arg25 : memref<!tpu.dma_semaphore, #tpu.memory_space<semaphore_mem>>) {add = true}
          %dma_wait3A_943 = arith.constant 0 : i32
          %dma_wait3A_944 = tpu.memref_slice %arg23[%dma_wait3A_943] : memref<262144xf32, #tpu.memory_space<vmem_shared>> -> memref<262144xf32, #tpu.memory_space<vmem_shared>>
          tpu.wait_indirect_dma semaphore(%arg25 : memref<!tpu.dma_semaphore, #tpu.memory_space<semaphore_mem>>) src(%arg18 : memref<128xf32, #tpu.memory_space<vmem>>) dst(%dma_wait3A_944 : memref<262144xf32, #tpu.memory_space<vmem_shared>>)
          %dma_wait3A_945 = arith.constant 0 : i32
          %dma_wait3A_946 = tpu.memref_slice %arg23[%dma_wait3A_945] : memref<262144xf32, #tpu.memory_space<vmem_shared>> -> memref<262144xf32, #tpu.memory_space<vmem_shared>>
          tpu.wait_indirect_dma semaphore(%arg25 : memref<!tpu.dma_semaphore, #tpu.memory_space<semaphore_mem>>) src(%arg19 : memref<128xf32, #tpu.memory_space<vmem>>) dst(%dma_wait3A_946 : memref<262144xf32, #tpu.memory_space<vmem_shared>>)
          %dma_wait3A_947 = arith.constant 0 : i32
          %dma_wait3A_948 = tpu.memref_slice %arg23[%dma_wait3A_947] : memref<262144xf32, #tpu.memory_space<vmem_shared>> -> memref<262144xf32, #tpu.memory_space<vmem_shared>>
          tpu.wait_indirect_dma semaphore(%arg25 : memref<!tpu.dma_semaphore, #tpu.memory_space<semaphore_mem>>) src(%arg20 : memref<128xf32, #tpu.memory_space<vmem>>) dst(%dma_wait3A_948 : memref<262144xf32, #tpu.memory_space<vmem_shared>>)
          %dma_wait3A_949 = arith.constant 0 : i32
          %dma_wait3A_950 = tpu.memref_slice %arg23[%dma_wait3A_949] : memref<262144xf32, #tpu.memory_space<vmem_shared>> -> memref<262144xf32, #tpu.memory_space<vmem_shared>>
          tpu.wait_indirect_dma semaphore(%arg25 : memref<!tpu.dma_semaphore, #tpu.memory_space<semaphore_mem>>) src(%arg21 : memref<128xf32, #tpu.memory_space<vmem>>) dst(%dma_wait3A_950 : memref<262144xf32, #tpu.memory_space<vmem_shared>>)
        }
        %scan3A_137 = arith.constant 16 : i32
      } else {
      }
    }
    %scan3A_27 = arith.constant 8 : i32
    %barrier3A_28 = arith.constant 0 : index
    tpu.barrier barrier_id(%barrier3A_28)
    %mul3A_29 = arith.constant 16384 : i32
    %mul3A_30 = arith.muli %arg1, %mul3A_29 : i32
    %add3A_31 = arith.constant 0 : i32
    %add3A_32 = arith.addi %add3A_31, %mul3A_30 : i32
    %mul3A_33 = arith.constant 1 : i32
    %mul3A_34 = arith.muli %arg0, %mul3A_33 : i32
    %add3A_35 = arith.constant 0 : i32
    %add3A_36 = arith.addi %mul3A_34, %add3A_35 : i32
    %mul3A_37 = arith.constant 262144 : i32
    %mul3A_38 = arith.muli %add3A_36, %mul3A_37 : i32
    %mul3A_39 = arith.constant 16384 : i32
    %mul3A_40 = arith.muli %arg1, %mul3A_39 : i32
    %add3A_41 = arith.addi %mul3A_38, %mul3A_40 : i32
    "tpu.region"() ({
      %run_scoped3A = tpu.sem_alloc : memref<!tpu.dma_semaphore, #tpu.memory_space<semaphore_mem>>
      %dma_start3A_42 = tpu.memref_slice %arg23[%add3A_32] : memref<262144xf32, #tpu.memory_space<vmem_shared>> -> memref<16384xf32, #tpu.memory_space<vmem_shared>>
      %dma_start3A_43 = tpu.memref_slice %arg23[%add3A_32] : memref<262144xf32, #tpu.memory_space<vmem_shared>> -> memref<16384xf32, #tpu.memory_space<vmem_shared>>
      tpu.enqueue_dma source(%dma_start3A_43 : memref<16384xf32, #tpu.memory_space<vmem_shared>>) target(%arg22 : memref<16384xf32, #tpu.memory_space<vmem>>) target_semaphore(%run_scoped3A : memref<!tpu.dma_semaphore, #tpu.memory_space<semaphore_mem>>)
      %dma_wait3A = tpu.memref_slice %arg23[%add3A_32] : memref<262144xf32, #tpu.memory_space<vmem_shared>> -> memref<16384xf32, #tpu.memory_space<vmem_shared>>
      %dma_wait3A_44 = tpu.memref_slice %arg23[%add3A_32] : memref<262144xf32, #tpu.memory_space<vmem_shared>> -> memref<16384xf32, #tpu.memory_space<vmem_shared>>
      tpu.wait_dma2 semaphore(%run_scoped3A : memref<!tpu.dma_semaphore, #tpu.memory_space<semaphore_mem>>) src(%dma_wait3A_44 : memref<16384xf32, #tpu.memory_space<vmem_shared>>) dst(%arg22 : memref<16384xf32, #tpu.memory_space<vmem>>)
      tpu.yield
    }) : () -> ()
    "tpu.region"() ({
      %run_scoped3A = tpu.sem_alloc : memref<!tpu.dma_semaphore, #tpu.memory_space<semaphore_mem>>
      %dma_start3A_42 = tpu.memref_slice %arg5[%add3A_41] : memref<524288xf32, #tpu.memory_space<hbm>> -> memref<16384xf32, #tpu.memory_space<hbm>>
      %dma_start3A_43 = tpu.memref_slice %arg5[%add3A_41] : memref<524288xf32, #tpu.memory_space<hbm>> -> memref<16384xf32, #tpu.memory_space<hbm>>
      tpu.enqueue_dma source(%arg22 : memref<16384xf32, #tpu.memory_space<vmem>>) target(%dma_start3A_43 : memref<16384xf32, #tpu.memory_space<hbm>>) target_semaphore(%run_scoped3A : memref<!tpu.dma_semaphore, #tpu.memory_space<semaphore_mem>>)
      %dma_wait3A = tpu.memref_slice %arg5[%add3A_41] : memref<524288xf32, #tpu.memory_space<hbm>> -> memref<16384xf32, #tpu.memory_space<hbm>>
      %dma_wait3A_44 = tpu.memref_slice %arg5[%add3A_41] : memref<524288xf32, #tpu.memory_space<hbm>> -> memref<16384xf32, #tpu.memory_space<hbm>>
      tpu.wait_dma2 semaphore(%run_scoped3A : memref<!tpu.dma_semaphore, #tpu.memory_space<semaphore_mem>>) src(%arg22 : memref<16384xf32, #tpu.memory_space<vmem>>) dst(%dma_wait3A_44 : memref<16384xf32, #tpu.memory_space<hbm>>)
      tpu.yield
    }) : () -> ()
    return
  }
}

module attributes {stable_mosaic.version = 14 : i64} {
  func.func @_dense_body(%arg0: memref<2x512x512xf32, #tpu.memory_space<vmem>>, %arg1: memref<1x1xf32, #tpu.memory_space<vmem>>) attributes {dimension_semantics = [], scalar_prefetch = 0 : i64, scratch_operands = 0 : i64, tpu.core_type = #tpu.core_type<tc>} {
    %get3A = arith.constant 0 : index
    %get3A_0 = arith.constant 0 : index
    %get3A_1 = arith.constant 0 : index
    %get3A_2 = vector.load %arg0[%get3A, %get3A_0, %get3A_1] : memref<2x512x512xf32, #tpu.memory_space<vmem>>, vector<1x512x512xf32>
    %get3A_3 = vector.shape_cast %get3A_2 : vector<1x512x512xf32> to vector<512x512xf32>
    %get3A_4 = arith.constant 1 : index
    %get3A_5 = arith.constant 0 : index
    %get3A_6 = arith.constant 0 : index
    %get3A_7 = vector.load %arg0[%get3A_4, %get3A_5, %get3A_6] : memref<2x512x512xf32, #tpu.memory_space<vmem>>, vector<1x512x512xf32>
    %get3A_8 = vector.shape_cast %get3A_7 : vector<1x512x512xf32> to vector<512x512xf32>
    %add3A = arith.addf %get3A_3, %get3A_8 : vector<512x512xf32>
    %mul3A = arith.constant 2.621440e+05 : f32
    %mul3A_9 = vector.broadcast %mul3A : f32 to vector<512x512xf32>
    %mul3A_10 = arith.mulf %add3A, %mul3A_9 : vector<512x512xf32>
    %reduce_sum3A = vector.shape_cast %mul3A_10 : vector<512x512xf32> to vector<1x512x512xf32>
    %reduce_sum3A_11 = arith.constant dense<0.000000e+00> : vector<1xf32>
    %reduce_sum3A_12 = vector.multi_reduction <add>, %reduce_sum3A, %reduce_sum3A_11 [1, 2] : vector<1x512x512xf32> to vector<1xf32>
    %reduce_sum3A_13 = vector.shape_cast %reduce_sum3A_12 : vector<1xf32> to vector<1x1x1xf32>
    %reduce_sum3A_14 = vector.extract %reduce_sum3A_13[0, 0, 0] : f32 from vector<1x1x1xf32>
    %div3A = arith.constant 2.621440e+05 : f32
    %div3A_15 = arith.divf %reduce_sum3A_14, %div3A : f32
    %sub3A = vector.broadcast %div3A_15 : f32 to vector<512x512xf32>
    %sub3A_16 = arith.subf %mul3A_10, %sub3A : vector<512x512xf32>
    %mul3A_17 = arith.constant 9.53674316E-7 : f32
    %mul3A_18 = vector.broadcast %mul3A_17 : f32 to vector<512x512xf32>
    %mul3A_19 = arith.mulf %mul3A_18, %sub3A_16 : vector<512x512xf32>
    %broadcast_in_dim3A = arith.constant 0.000000e+00 : f32
    %broadcast_in_dim3A_20 = vector.broadcast %broadcast_in_dim3A : f32 to vector<512x512xf32>
    %scan3A = arith.constant 0 : i32
    %scan3A_21 = arith.constant 40 : i32
    %scan3A_22 = arith.addi %scan3A, %scan3A_21 : i32
    %scan3A_23 = arith.constant 1 : i32
    %scan3A_24 = scf.for %scan3A_94 = %scan3A to %scan3A_22 step %scan3A_23 iter_args(%scan3A_95 = %broadcast_in_dim3A_20) -> (vector<512x512xf32>)  : i32 {
      %slice3A_96 = vector.extract_strided_slice %scan3A_95 {offsets = [0, 0], sizes = [1, 512], strides = [1, 1]} : vector<512x512xf32> to vector<1x512xf32>
      %slice3A_97 = vector.extract_strided_slice %scan3A_95 {offsets = [0, 0], sizes = [511, 512], strides = [1, 1]} : vector<512x512xf32> to vector<511x512xf32>
      %concatenate3A_98 = tpu.concatenate %slice3A_96, %slice3A_97 in 0 : vector<1x512xf32>, vector<511x512xf32> -> vector<512x512xf32>
      %slice3A_99 = vector.extract_strided_slice %scan3A_95 {offsets = [1, 0], sizes = [511, 512], strides = [1, 1]} : vector<512x512xf32> to vector<511x512xf32>
      %slice3A_100 = vector.extract_strided_slice %scan3A_95 {offsets = [511, 0], sizes = [1, 512], strides = [1, 1]} : vector<512x512xf32> to vector<1x512xf32>
      %concatenate3A_101 = tpu.concatenate %slice3A_99, %slice3A_100 in 0 : vector<511x512xf32>, vector<1x512xf32> -> vector<512x512xf32>
      %slice3A_102 = vector.extract_strided_slice %scan3A_95 {offsets = [0, 0], sizes = [512, 1], strides = [1, 1]} : vector<512x512xf32> to vector<512x1xf32>
      %slice3A_103 = vector.extract_strided_slice %scan3A_95 {offsets = [0, 0], sizes = [512, 511], strides = [1, 1]} : vector<512x512xf32> to vector<512x511xf32>
      %concatenate3A_104 = tpu.concatenate %slice3A_102, %slice3A_103 in 1 : vector<512x1xf32>, vector<512x511xf32> -> vector<512x512xf32>
      %slice3A_105 = vector.extract_strided_slice %scan3A_95 {offsets = [0, 1], sizes = [512, 511], strides = [1, 1]} : vector<512x512xf32> to vector<512x511xf32>
      %slice3A_106 = vector.extract_strided_slice %scan3A_95 {offsets = [0, 511], sizes = [512, 1], strides = [1, 1]} : vector<512x512xf32> to vector<512x1xf32>
      %concatenate3A_107 = tpu.concatenate %slice3A_105, %slice3A_106 in 1 : vector<512x511xf32>, vector<512x1xf32> -> vector<512x512xf32>
      %add3A_108 = arith.addf %concatenate3A_98, %concatenate3A_101 : vector<512x512xf32>
      %add3A_109 = arith.addf %add3A_108, %concatenate3A_104 : vector<512x512xf32>
      %add3A_110 = arith.addf %add3A_109, %concatenate3A_107 : vector<512x512xf32>
      %mul3A_111 = arith.constant 2.500000e-01 : f32
      %mul3A_112 = vector.broadcast %mul3A_111 : f32 to vector<512x512xf32>
      %mul3A_113 = arith.mulf %mul3A_112, %add3A_110 : vector<512x512xf32>
      %sub3A_114 = arith.subf %mul3A_113, %mul3A_19 : vector<512x512xf32>
      scf.yield %sub3A_114 : vector<512x512xf32>
    }
    %slice3A = vector.extract_strided_slice %scan3A_24 {offsets = [1, 0], sizes = [1, 512], strides = [1, 1]} : vector<512x512xf32> to vector<1x512xf32>
    %slice3A_25 = vector.extract_strided_slice %scan3A_24 {offsets = [0, 0], sizes = [1, 512], strides = [1, 1]} : vector<512x512xf32> to vector<1x512xf32>
    %sub3A_26 = arith.subf %slice3A, %slice3A_25 : vector<1x512xf32>
    %neg3A = arith.constant 0.000000e+00 : f32
    %neg3A_27 = vector.broadcast %neg3A : f32 to vector<1x512xf32>
    %neg3A_28 = arith.subf %neg3A_27, %sub3A_26 : vector<1x512xf32>
    %mul3A_29 = arith.constant 5.120000e+02 : f32
    %mul3A_30 = vector.broadcast %mul3A_29 : f32 to vector<1x512xf32>
    %mul3A_31 = arith.mulf %neg3A_28, %mul3A_30 : vector<1x512xf32>
    %slice3A_32 = vector.extract_strided_slice %scan3A_24 {offsets = [2, 0], sizes = [510, 512], strides = [1, 1]} : vector<512x512xf32> to vector<510x512xf32>
    %slice3A_33 = vector.extract_strided_slice %scan3A_24 {offsets = [0, 0], sizes = [510, 512], strides = [1, 1]} : vector<512x512xf32> to vector<510x512xf32>
    %sub3A_34 = arith.subf %slice3A_32, %slice3A_33 : vector<510x512xf32>
    %neg3A_35 = arith.constant 0.000000e+00 : f32
    %neg3A_36 = vector.broadcast %neg3A_35 : f32 to vector<510x512xf32>
    %neg3A_37 = arith.subf %neg3A_36, %sub3A_34 : vector<510x512xf32>
    %mul3A_38 = arith.constant 2.560000e+02 : f32
    %mul3A_39 = vector.broadcast %mul3A_38 : f32 to vector<510x512xf32>
    %mul3A_40 = arith.mulf %neg3A_37, %mul3A_39 : vector<510x512xf32>
    %slice3A_41 = vector.extract_strided_slice %scan3A_24 {offsets = [511, 0], sizes = [1, 512], strides = [1, 1]} : vector<512x512xf32> to vector<1x512xf32>
    %slice3A_42 = vector.extract_strided_slice %scan3A_24 {offsets = [510, 0], sizes = [1, 512], strides = [1, 1]} : vector<512x512xf32> to vector<1x512xf32>
    %sub3A_43 = arith.subf %slice3A_41, %slice3A_42 : vector<1x512xf32>
    %neg3A_44 = arith.constant 0.000000e+00 : f32
    %neg3A_45 = vector.broadcast %neg3A_44 : f32 to vector<1x512xf32>
    %neg3A_46 = arith.subf %neg3A_45, %sub3A_43 : vector<1x512xf32>
    %mul3A_47 = arith.constant 5.120000e+02 : f32
    %mul3A_48 = vector.broadcast %mul3A_47 : f32 to vector<1x512xf32>
    %mul3A_49 = arith.mulf %neg3A_46, %mul3A_48 : vector<1x512xf32>
    %concatenate3A = tpu.concatenate %mul3A_31, %mul3A_40, %mul3A_49 in 0 : vector<1x512xf32>, vector<510x512xf32>, vector<1x512xf32> -> vector<512x512xf32>
    %slice3A_50 = vector.extract_strided_slice %scan3A_24 {offsets = [0, 1], sizes = [512, 1], strides = [1, 1]} : vector<512x512xf32> to vector<512x1xf32>
    %slice3A_51 = vector.extract_strided_slice %scan3A_24 {offsets = [0, 0], sizes = [512, 1], strides = [1, 1]} : vector<512x512xf32> to vector<512x1xf32>
    %sub3A_52 = arith.subf %slice3A_50, %slice3A_51 : vector<512x1xf32>
    %neg3A_53 = arith.constant 0.000000e+00 : f32
    %neg3A_54 = vector.broadcast %neg3A_53 : f32 to vector<512x1xf32>
    %neg3A_55 = arith.subf %neg3A_54, %sub3A_52 : vector<512x1xf32>
    %mul3A_56 = arith.constant 5.120000e+02 : f32
    %mul3A_57 = vector.broadcast %mul3A_56 : f32 to vector<512x1xf32>
    %mul3A_58 = arith.mulf %neg3A_55, %mul3A_57 : vector<512x1xf32>
    %slice3A_59 = vector.extract_strided_slice %scan3A_24 {offsets = [0, 2], sizes = [512, 510], strides = [1, 1]} : vector<512x512xf32> to vector<512x510xf32>
    %slice3A_60 = vector.extract_strided_slice %scan3A_24 {offsets = [0, 0], sizes = [512, 510], strides = [1, 1]} : vector<512x512xf32> to vector<512x510xf32>
    %sub3A_61 = arith.subf %slice3A_59, %slice3A_60 : vector<512x510xf32>
    %neg3A_62 = arith.constant 0.000000e+00 : f32
    %neg3A_63 = vector.broadcast %neg3A_62 : f32 to vector<512x510xf32>
    %neg3A_64 = arith.subf %neg3A_63, %sub3A_61 : vector<512x510xf32>
    %mul3A_65 = arith.constant 2.560000e+02 : f32
    %mul3A_66 = vector.broadcast %mul3A_65 : f32 to vector<512x510xf32>
    %mul3A_67 = arith.mulf %neg3A_64, %mul3A_66 : vector<512x510xf32>
    %slice3A_68 = vector.extract_strided_slice %scan3A_24 {offsets = [0, 511], sizes = [512, 1], strides = [1, 1]} : vector<512x512xf32> to vector<512x1xf32>
    %slice3A_69 = vector.extract_strided_slice %scan3A_24 {offsets = [0, 510], sizes = [512, 1], strides = [1, 1]} : vector<512x512xf32> to vector<512x1xf32>
    %sub3A_70 = arith.subf %slice3A_68, %slice3A_69 : vector<512x1xf32>
    %neg3A_71 = arith.constant 0.000000e+00 : f32
    %neg3A_72 = vector.broadcast %neg3A_71 : f32 to vector<512x1xf32>
    %neg3A_73 = arith.subf %neg3A_72, %sub3A_70 : vector<512x1xf32>
    %mul3A_74 = arith.constant 5.120000e+02 : f32
    %mul3A_75 = vector.broadcast %mul3A_74 : f32 to vector<512x1xf32>
    %mul3A_76 = arith.mulf %neg3A_73, %mul3A_75 : vector<512x1xf32>
    %concatenate3A_77 = tpu.concatenate %mul3A_58, %mul3A_67, %mul3A_76 in 1 : vector<512x1xf32>, vector<512x510xf32>, vector<512x1xf32> -> vector<512x512xf32>
    %mul3A_78 = arith.mulf %concatenate3A, %concatenate3A : vector<512x512xf32>
    %mul3A_79 = arith.mulf %concatenate3A_77, %concatenate3A_77 : vector<512x512xf32>
    %add3A_80 = arith.addf %mul3A_78, %mul3A_79 : vector<512x512xf32>
    %mul3A_81 = arith.mulf %mul3A_10, %add3A_80 : vector<512x512xf32>
    %reduce_sum3A_82 = vector.shape_cast %mul3A_81 : vector<512x512xf32> to vector<1x512x512xf32>
    %reduce_sum3A_83 = arith.constant dense<0.000000e+00> : vector<1xf32>
    %reduce_sum3A_84 = vector.multi_reduction <add>, %reduce_sum3A_82, %reduce_sum3A_83 [1, 2] : vector<1x512x512xf32> to vector<1xf32>
    %reduce_sum3A_85 = vector.shape_cast %reduce_sum3A_84 : vector<1xf32> to vector<1x1x1xf32>
    %reduce_sum3A_86 = vector.extract %reduce_sum3A_85[0, 0, 0] : f32 from vector<1x1x1xf32>
    %mul3A_87 = arith.constant 5.000000e-01 : f32
    %mul3A_88 = arith.mulf %mul3A_87, %reduce_sum3A_86 : f32
    %mul3A_89 = arith.constant 3.81469727E-6 : f32
    %mul3A_90 = arith.mulf %mul3A_88, %mul3A_89 : f32
    %broadcast_in_dim3A_91 = vector.broadcast %mul3A_90 : f32 to vector<1x1xf32>
    %swap3A = arith.constant 0 : index
    %swap3A_92 = arith.constant 0 : index
    %swap3A_93 = vector.load %arg1[%swap3A, %swap3A_92] : memref<1x1xf32, #tpu.memory_space<vmem>>, vector<1x1xf32>
    tpu.vector_store %arg1[%swap3A, %swap3A_92], %broadcast_in_dim3A_91 {strides = array<i32>} : memref<1x1xf32, #tpu.memory_space<vmem>>, vector<1x1xf32>,
    return
  }
}

</mosaic_0001>

<sc_bundles>
// kernel: kernel.4.cloned.1.call-start
scs
__scs_entry_jumppad:
0x0: {  	(pc) =	sbr.rel $0x88, $3  }
0x1: {  	(tag) =	ssettag $0x0;
	lr =	simm.s32 $0x1  }
0x2: {  	[smem:$0x3F9E] =	sst lr;
	_ =	strace $0xD0000000  }
0x3: {  	_ = 	snop  }
0x4: {  	_ = 	snop  }
0x5: {  	_ = 	snop  }
0x6: {  	_ = 	snop  }
0x7: {  	_ = 	snop  }
__scs_overlays_trampoline_lowered:
0x8: {  	[smem:$0x3FAD] =	sst s0  }
0x9: {  	[smem:$0x3FAE] =	sst s1  }
0xa: {  	[smem:$0x3FAF] =	sst s2  }
0xb: {  	[smem:$0x3FB0] =	sst s3  }
0xc: {  	[smem:$0x3FB1] =	sst s4  }
0xd: {  	[smem:$0x3FB2] =	sst s5  }
0xe: {  	[smem:$0x3FB3] =	sst s6  }
0xf: {  	[smem:$0x3FB4] =	sst s7  }
0x10: {  	[smem:$0x3FB5] =	sst s8  }
0x11: {  	[smem:$0x3FB6] =	sst s9;
	s0 =	simm.s32 @!p0 $0x0  }
0x12: {  	s1 =	sld [smem:$0x3F9C];
	s0 =	simm.s32 @p0 $0x1  }
0x13: {  	[smem:$0x3FB7] =	sst s0;
	s0 =	simm.s32 @!p1 $0x0  }
0x14: {  	s2 =	sld [smem:$0x3F9B];
	s0 =	simm.s32 @p1 $0x1  }
0x15: {  	[smem:$0x3FB8] =	sst s0;
	s0 =	simm.s32 @!p2 $0x0  }
0x16: {  	s3 =	sld [smem:$0x3FDB];
	s0 =	simm.s32 @p2 $0x1  }
0x17: {  	s4 =	simm.s32 $0x1BF5;
	[smem:$0x3FBA] =	sst s0  }
0x18: {  	s0 =	sld [smem:$0x3F9D];
	_ =	swait.ge [sflag:s4], $0x0  }
0x19: {  	s7 =	sld [smem:$0x3F9E]  }
0x1a: {  	s8 =	sadd.s32 $0xFFFFE003, lr  }
0x1b: {  	s9 =	sadd.s32 $0xFFFFFEF7, lr;
	s5 =	simm.s32 $0xFFFFFFFF;
	p2 =	slt.u32 s8, $0xFFFFF086  }
0x1c: {  	p1 =	slt.u32 s9, $0xF7A;
	s5 =	simm.s32 @!p2 $0x0  }
0x1d: {  	s5 =	simm.s32 @p1 $0x1;
	p0 =	seq.s32 s7, s2  }
0x1e: {  	s7 =	smul.u32 @!p0 $0xF7A, s2;
	p2 =	seq.s32 @!p0 s5, $0x0  }
0x1f: {  	s9 =	smul.u32 $0xF7A, s1;
	s8 =	simm.s32 @!p0 $0x1BF5;
	p2 =	por !p2, p0  }
0x20: {  	[sflag:s8] =	ssyncset.s32 @!p0 $0xFFFFF086;
	s6 =	sadd.s32 @!p0 s3, s7;
	s7 =	simm.s32 @!p0 $0x108  }
0x21: {  	s3 =	sadd.s32 s3, s9;
	s6 =	sadd.s32 @!p0 $0x88, s6;
	s7 =	simm.s32 @p2 $0x1082  }
0x22: {  	[simem:s7], [sflag:s8] =	dma.local @!p0 [hbm:s6], $0xF7A  }
0x23: {  	s9 =	sor.u32 $0xD0000000, s2;
	s6 =	simm.s32 $0x108;
	_ =	swait.ge @!p0 [sflag:s8], $0x0  }
0x24: {  	s3 =	sadd.s32 $0x88, s3;
	s6 =	simm.s32 @!p1 $0x1082;
	[sflag:s4] =	ssyncset.s32 $0xFFFFF086  }
0x25: {  	[simem:s6], [sflag:s4] =	dma.local [hbm:s3], $0xF7A  }
0x26: {  	[smem:$0x3F9E] =	sst s1;
	(tag) =	ssettag s2;
	_ =	strace s9  }
0x27: {  	s1 =	sld [smem:$0x3FAE]  }
0x28: {  	s2 =	sld [smem:$0x3FAF]  }
0x29: {  	s4 =	sld [smem:$0x3FB1]  }
0x2a: {  	p0 =	seq.s32 s5, $0x0;
	s5 =	sld [smem:$0x3FB2]  }
0x2b: {  	s6 =	sld [smem:$0x3FB3]  }
0x2c: {  	s7 =	sld [smem:$0x3FB4]  }
0x2d: {  	s3 =	simm.s32 $0x108;
	s8 =	sld [smem:$0x3FB5]  }
0x2e: {  	s3 =	simm.s32 @!p0 $0x1082;
	s9 =	sld [smem:$0x3FB6]  }
0x2f: {  	lr =	sadd.s32 s0, s3;
	s0 =	sld [smem:$0x3FAD]  }
0x30: {  	s3 =	sld [smem:$0x3FB0]  }
0x31: {  	[smem:$0x3FB9] =	sst s10  }
0x32: {  	s10 =	sld [smem:$0x3FB7];
	_ =	sdelay $0x3  }
0x33: {  	p0 =	seq.s32 s10, $0x1;
	s10 =	sld [smem:$0x3FB9];
	_ =	sdelay $0x3  }
0x34: {  	[smem:$0x3FB9] =	sst s10  }
0x35: {  	s10 =	sld [smem:$0x3FB8];
	_ =	sdelay $0x3  }
0x36: {  	p1 =	seq.s32 s10, $0x1;
	s10 =	sld [smem:$0x3FB9];
	_ =	sdelay $0x3  }
0x37: {  	[smem:$0x3FB9] =	sst s10  }
0x38: {  	s10 =	sld [smem:$0x3FBA]  }
0x39: {  	_ = 	snop;
	(pc) =	sbr.ind lr, $3  }
0x3a: {  	_ = 	snop  }
0x3b: {  	_ = 	snop  }
0x3c: {  	p2 =	seq.s32 s10, $0x1;
	s10 =	sld [smem:$0x3FB9]  }
0x3d: {  	_ =	shalt  }
0x3e: {  	_ =	shalt  }
0x3f: {  	_ =	shalt  }
0x40: {  	_ =	shalt  }
0x41: {  	_ =	shalt  }
0x42: {  	_ =	shalt  }
0x43: {  	_ =	shalt  }
0x44: {  	_ =	shalt  }
0x45: {  	_ =	shalt  }
0x46: {  	_ =	shalt  }
0x47: {  	_ =	shalt  }
0x48: {  	_ =	shalt  }
0x49: {  	_ =	shalt  }
0x4a: {  	_ =	shalt  }
0x4b: {  	_ =	shalt  }
0x4c: {  	_ =	shalt  }
0x4d: {  	_ =	shalt  }
0x4e: {  	_ =	shalt  }
0x4f: {  	_ =	shalt  }
0x50: {  	_ =	shalt  }
0x51: {  	_ =	shalt  }
0x52: {  	_ =	shalt  }
0x53: {  	_ =	shalt  }
0x54: {  	_ =	shalt  }
0x55: {  	_ =	shalt  }
0x56: {  	_ =	shalt  }
0x57: {  	_ =	shalt  }
0x58: {  	_ =	shalt  }
0x59: {  	_ =	shalt  }
0x5a: {  	_ =	shalt  }
0x5b: {  	_ =	shalt  }
0x5c: {  	_ =	shalt  }
0x5d: {  	_ =	shalt  }
0x5e: {  	_ =	shalt  }
0x5f: {  	_ =	shalt  }
0x60: {  	_ =	shalt  }
0x61: {  	_ =	shalt  }
0x62: {  	_ =	shalt  }
0x63: {  	_ =	shalt  }
0x64: {  	_ =	shalt  }
0x65: {  	_ =	shalt  }
0x66: {  	_ =	shalt  }
0x67: {  	_ =	shalt  }
0x68: {  	_ =	shalt  }
0x69: {  	_ =	shalt  }
0x6a: {  	_ =	shalt  }
0x6b: {  	_ =	shalt  }
0x6c: {  	_ =	shalt  }
0x6d: {  	_ =	shalt  }
0x6e: {  	_ =	shalt  }
0x6f: {  	_ =	shalt  }
0x70: {  	_ =	shalt  }
0x71: {  	_ =	shalt  }
0x72: {  	_ =	shalt  }
0x73: {  	_ =	shalt  }
0x74: {  	_ =	shalt  }
0x75: {  	_ =	shalt  }
0x76: {  	_ =	shalt  }
0x77: {  	_ =	shalt  }
0x78: {  	_ =	shalt  }
0x79: {  	_ =	shalt  }
0x7a: {  	_ =	shalt  }
0x7b: {  	_ =	shalt  }
0x7c: {  	_ =	shalt  }
0x7d: {  	_ =	shalt  }
0x7e: {  	_ =	shalt  }
0x7f: {  	_ =	shalt  }
0x80: {  	_ =	shalt  }
0x81: {  	_ =	shalt  }
0x82: {  	_ =	shalt  }
0x83: {  	_ =	shalt  }
0x84: {  	_ =	shalt  }
0x85: {  	_ =	shalt  }
0x86: {  	_ =	shalt  }
0x87: {  	_ =	shalt  }
.Lfunc_end0:
.L_simem_size_0:
called_computation_lowered:
.L_overlay_start_0:
0x88: {  	s2 =	sld [smem:$0x3FD9]  }
0x89: {  	s3 =	sld [smem:$0x3FFE];
	_ =	sdelay $0x1  }
0x8a: {  	s1 =	srdreg.scid  }
0x8b: {  	s0 =	sand.u32 $0x1, s1  }
0x8c: {  	s17 =	sshll.u32 s0, $0xA;
	s2 =	sadd.s32 s3, s2  }
0x8d: {  	s2 =	sadd.s32 s2, s17  }
0x8e: {  	[smem:$0x3FC5] =	sst s2  }
0x8f: {  	_ = 	snop  }
0x90: {  	s2 =	sld [smem:$0x3FC9]  }
0x91: {  	s18 =	sld [smem:$0x3FC8]  }
0x92: {  	s4 =	sld [smem:$0x3FC7];
	(tm) =	ssettm $0x1  }
0x93: {  	s5 =	sld [smem:$0x3FFB];
	_ =	sdelay $0x3  }
0x94: {  	_ =	strace s5  }
0x95: {  	s5 =	sld [smem:$0x3FFC];
	_ =	sdelay $0x3  }
0x96: {  	_ =	strace s5  }
0x97: {  	s5 =	sld [smem:$0x3FFD];
	_ =	sdelay $0x3  }
0x98: {  	_ =	strace s5  }
0x99: {  	_ =	strace $0x8FFFFFFF  }
0x9a: {  	s19 =	sld [smem:$0x3FDB];
	_ =	sdelay $0x1  }
0x9b: {  	s6 =	simm.s32 $_scs_section_size  }
0x9c: {  	s7 =	simm.s32 $_size__tile_overlayer_lowered;
	s8 =	simm.s32 $_tile_overlayer_lowered  }
0x9d: {  	s22 =	simm.s32 $0x1BFF;
	s21 =	sshll.u32 s8, $0x1;
	s5 =	sadd.s32 s6, s19  }
0x9e: {  	s9 =	simm.s32 $0x0;
	s20 =	sshll.u32 s7, $0x1;
	s7 =	sadd.s32 s21, s5  }
0x9f: {  	[timem:s9], [sflag:s22] =	dma.local [hbm:s7], s20  }
0xa0: {  	_ =	swait.ge [sflag:s22], s20  }
0xa1: {  	s6 =	ssub.s32 $0x0, s20;
	[sflag:s22] =	ssyncset.done $0x0  }
0xa2: {  	[sflag:s22] =	ssyncadd.s32 s6;
	_ =	sdelay $0x1  }
0xa3: {  	s23 =	simm.s32 $0x1B8B  }
0xa4: {  	_ =	swait.ge [sflag:s23], $0x1  }
0xa5: {  	[sflag:s23] =	ssyncset.done $0x0  }
0xa6: {  	s25 =	simm.s32 $0x1B8E;
	s24 =	sld [smem:$0x3FFE];
	[sflag:s23] =	ssyncadd.s32 $0xFFFFFFFF  }
0xa7: {  	s26 =	simm.s32 $execute0_lowered;
	[smem:$0x3FD2] =	sst s25  }
0xa8: {  	s7 =	sshll.u32 s26, $0x1;
	_ =	strace $0x80000046;
	[dreg:$0x1] =	wrdreg $0xFFFFFFFF  }
0xa9: {  	s28 =	simm.s32 $_size_execute0_lowered;
	s5 =	sadd.s32 s5, s7;
	[dreg:$0x0] =	wrdreg $0x0  }
0xaa: {  	s7 =	sshll.u32 s28, $0x1;
	[dreg:$0x2] =	wrdreg s5  }
0xab: {  	[dreg:$0x3] =	wrdreg s7  }
0xac: {  	[dreg:$0x4] =	wrdreg $0xC0  }
0xad: {  	_ =	task [dreg:s9], $0x5FFFF  }
0xae: {  	[dreg:$0x1] =	wrdreg $0xFFFFFFFF  }
0xaf: {  	[dreg:$0x0] =	wrdreg $0x60  }
0xb0: {  	[dreg:$0x2] =	wrdreg s2  }
0xb1: {  	[dreg:$0x3] =	wrdreg s18  }
0xb2: {  	[dreg:$0x4] =	wrdreg s4  }
0xb3: {  	[dreg:$0x5] =	wrdreg s24  }
0xb4: {  	[dreg:$0x6] =	wrdreg $0x84000  }
0xb5: {  	[dreg:$0x7] =	wrdreg $0x9  }
0xb6: {  	_ =	task.clear_ibuf [dreg:s9], $0x8FFFF;
	_ =	strace $0x90000046  }
0xb7: {  	s29 =	simm.s32 $0x9;
	_ =	strace $0x80000048  }
0xb8: {  	_ =	swait.ge [sflag:s29], $0x1  }
0xb9: {  	[sflag:s29] =	ssyncadd.s32 $0xFFFFFFFF  }
0xba: {  	_ =	strace $0x90000048  }
0xbb: {  	_ =	sfence  }
0xbc: {  	s30 =	sld [smem:$0x0];
	_ =	sdelay $0x2  }
0xbd: {  	s31 =	sshll.u32 s1, $0xD;
	s1 =	sshrl.u32 s1, $0x2  }
0xbe: {  	s3 =	sand.u32 $0x4000, s31;
	s1 =	sadd.s32 s1, s30  }
0xbf: {  	s0 =	sor.u32 s3, s0;
	s1 =	sshll.u32 s1, $0x11  }
0xc0: {  	s0 =	sor.u32 s1, s0  }
0xc1: {  	s0 =	sadd.s32 $0x8F2B, s0  }
0xc2: {  	[sflag:s0] =	ssyncadd.remote.s32 $0x1  }
0xc3: {  	_ =	sfence.sel $0xFFFF  }
0xc4: {  	[dreg:$0x0] =	wrdreg $0xFFFFFFFF;
	(pc) =	sbr.abs _section_cstart, $3  }
0xc5: {  	[dreg:$0x1] =	wrdreg $0xFFFFFFFF  }
0xc6: {  	_ =	task.clear_ibuf [dreg:s9], $0x2FFFF;
	_ =	strace $0x9FFFFFFF  }
0xc7: {  	(tm) =	ssettm $0x7FFFFFFF  }
tec
execute0_lowered:
.L_overlay_start_1:
0x0: {  	(tag) =	ssettag $0x1  }
0x1: {  	s1 =	rddreg [dreg:$0x0]  }
0x2: {  	s2 =	rddreg [dreg:$0x1]  }
0x3: {  	s3 =	rddreg [dreg:$0x2]  }
0x4: {  	s0 =	rddreg [dreg:$0x3]  }
0x5: {  	s5 =	rddreg [dreg:$0x4];
	s6 =	simm.s32 $0x0;
	s4 =	srdreg.scid  }
0x6: {  	s9 =	stileid.u32;
	s11 =	simm.s32 $0x3;
	s28 =	simm.s32 $0x80  }
0x7: {  	s29 =	simm.s32 $0x4000;
	s30 =	simm.s32 $0x4200;
	s31 =	simm.s32 $0x4080  }
0x8: {  	[smem:$0x7FF] =	sst s6;
	s4 =	sand.u32 $0x1, s4;
	s19 =	sshll.u32 s9, $0xE  }
0x9: {  	s9 =	sshll.u32 s9, $0xB;
	s6 =	simm.s32 $0x2;
	s7 =	sshll.u32 s4, $0x12  }
0xa: {  	s8 =	sshll.u32 s4, $0xF;
	_ =	strace $0x80000047;
	s4 =	ssub.s32 $0x2, s4  }
0xb: {  	s10 =	sadd.s32 s19, s5;
	s7 =	sor.u32 s19, s7;
	s14 =	sor.u32 s9, s8  }
0xc: {  	s20 =	sshrl.u32 s4, $0x1;
	s9 =	simm.s32 $0x4400;
	s19 =	simm.s32 $0x4300  }
0xd: {  	[dreg:$0x7] =	wrdreg s10;
	s7 =	sshrl.u32 s7, $0x3;
	s8 =	sshrl.u32 s14, $0x3  }
0xe: {  	s4 =	ssub.s32 s4, s20;
	s13 =	sor.u32 $0x20000, s14;
	s26 =	sor.u32 $0x10000, s14  }
0xf: {  	s20 =	simm.s32 $0x4180;
	s21 =	sadd.s32 s1, s8;
	[dreg:$0xd] =	wrdreg s26  }
0x10: {  	s0 =	sadd.s32 s7, s0;
	s23 =	sadd.s32 s2, s8;
	[dreg:$0x6] =	wrdreg s21  }
.Ltmp0:
0x11: {  	s24 =	sadd.s32 s3, s8;
	[dreg:$0x9] =	wrdreg s23;
	(pc) =	sbr.rel .LBB2_1-.Ltmp0, $4  }
0x12: {  	s25 =	smax.u32 s4, $0x1;
	s4 =	simm.s32 $0x4100;
	[dreg:$0xa] =	wrdreg s24  }
0x13: {  	s8 =	simm.s32 $0x0;
	s22 =	sadd.s32 $0x1E848, s21;
	[dreg:$0xc] =	wrdreg s25  }
0x14: {  	s0 =	sadd.s32 $0x400, s0;
	s21 =	simm.s32 $0x4380;
	[dreg:$0x8] =	wrdreg s22  }
0x15: {  	v0 =	vimm.f32 $0.0e+00;
	v1 =	vlaneseq.u32;
	[dreg:$0xb] =	wrdreg s0;
	s22 =	simm.s32 $0x1;
	s0 =	simm.s32 $0x4280  }
.LBB2_10:
0x16: {  	[bflag:$0x0] =	sbarrier.arrive $0xFFFF  }
0x17: {  	s9 =	simm.s32 $0x4400;
	s11 =	simm.s32 $0x3;
	s10 =	rddreg [dreg:$0x7]  }
0x18: {  	[tilespmem:s9], [sflag:$0x3] =	stream.linear.gather [spmem:s10], $0x4000, $0x38;
	[tilespmem:$0xC400] =	vst v63  }
0x19: {  	_ =	swait.ge [sflag:s11], $0x4000  }
0x1a: {  	[sflag:s11] =	ssyncset.done $0x0  }
0x1b: {  	s7 =	simm.s32 $0x0;
	s8 =	rddreg [dreg:$0xb];
	[sflag:s11] =	ssyncadd.s32 $0xFFFFC000  }
0x1c: {  	[hbm4b:s8+s7] =	stream.linear.scatter [tilespmem:s9], [sflag:$0x3], $0x4000, $0x38;
	[tilespmem:$0xC400] =	vst v63  }
0x1d: {  	_ =	swait.ge [sflag:s11], $0x4000  }
0x1e: {  	s25 =	rddreg [dreg:$0xe]  }
0x1f: {  	s26 =	rddreg [dreg:$0xc];
	s8 =	sadd.s32 $0x1, s25  }
0x20: {  	p0 =	sne.s32 s8, s26  }
.Ltmp1:
0x21: {  	_ = 	snop;
	(pc) =	sbr.rel @!p0 .LBB2_11-.Ltmp1, $3  }
0x22: {  	_ =	sdelay $0x1  }
0x23: {  	[sflag:s11] =	ssyncset.done $0x0  }
0x24: {  	[sflag:s11] =	ssyncadd.s32 $0xFFFFC000  }
.LBB2_1:
0x25: {  	[dreg:$0xe] =	wrdreg s8;
	s7 =	simm.s32 $0x40;
	s8 =	simm.s32 $0x0  }
.LBB2_2:
0x26: {  	p0 =	sne.s32 s7, $0xFFC0;
	[tilespmem:s8+$0x4400] =	vst v0;
	s8 =	smov.u32 s7;
	s7 =	sadd.s32 $0x40, s7  }
.Ltmp2:
0x27: {  	(pc) =	sbr.rel @p0 .LBB2_2-.Ltmp2, $2  }
0x28: {  	_ =	sdelay $0x2  }
0x29: {  	s8 =	sshra.s32 s8, $0x2  }
0x2a: {  	[tilespmem:s8+$0x4400] =	vst v0  }
0x2b: {  	[spmem:s10] =	stream.linear.scatter [tilespmem:s9], [sflag:$0x3], $0x4000, $0x38;
	[tilespmem:$0xC400] =	vst v63  }
0x2c: {  	_ =	swait.ge [sflag:s11], $0x4000  }
0x2d: {  	[sflag:s11] =	ssyncset.done $0x0  }
0x2e: {  	[sflag:s11] =	ssyncadd.s32 $0xFFFFC000  }
0x2f: {  	[bflag:$0x0] =	sbarrier.arrive $0xFFFF  }
0x30: {  	s11 =	simm.s32 $0x0;
	s7 =	rddreg [dreg:$0x6]  }
0x31: {  	[tilespmem:s11], [sflag:$0x1] =	stream.linear.gather [hbm4b:s7+s11], $0x800, $0x38;
	[tilespmem:$0xC400] =	vst v63  }
0x32: {  	s18 =	simm.s32 $0x800;
	s17 =	rddreg [dreg:$0x8]  }
0x33: {  	[tilespmem:s18], [sflag:$0x1] =	stream.linear.gather [hbm4b:s17+s11], $0x800, $0x38;
	[tilespmem:$0xC400] =	vst v63  }
.Ltmp3:
0x34: {  	s23 =	rddreg [dreg:$0x9];
	(pc) =	sbr.rel .LBB2_4-.Ltmp3, $4  }
0x35: {  	s24 =	simm.s32 $0x1000;
	s26 =	simm.s32 $0x1800;
	s25 =	rddreg [dreg:$0xa]  }
0x36: {  	[tilespmem:s24], [sflag:$0x1] =	stream.linear.gather [hbm4b:s23+s11], $0x800, $0x38;
	[tilespmem:$0xC400] =	vst v63  }
0x37: {  	s15 =	simm.s32 $0x0;
	s12 =	rddreg [dreg:$0xd];
	s7 =	smov.u32 s14  }
0x38: {  	[tilespmem:s26], [sflag:$0x1] =	stream.linear.gather [hbm4b:s25+s11], $0x800, $0x38;
	[tilespmem:$0xC400] =	vst v63  }
.LBB2_9:
0x39: {  	s15 =	sadd.s32 $0x1, s15  }
0x3a: {  	p0 =	sne.s32 s15, $0x8  }
.Ltmp4:
0x3b: {  	_ = 	snop;
	(pc) =	sbr.rel @!p0 .LBB2_10-.Ltmp4, $2  }
0x3c: {  	_ =	sdelay $0x2  }
0x3d: {  	s7 =	sadd.s32 $0x20000, s7;
	s12 =	sadd.s32 $0x20000, s12  }
.LBB2_4:
0x3e: {  	_ =	swait.ge [sflag:s22], $0x800  }
0x3f: {  	[sflag:s22] =	ssyncset.done $0x0  }
0x40: {  	[sflag:s22] =	ssyncadd.s32 $0xFFFFF800  }
0x41: {  	_ =	swait.ge [sflag:s22], $0x800  }
0x42: {  	[sflag:s22] =	ssyncset.done $0x0  }
0x43: {  	[sflag:s22] =	ssyncadd.s32 $0xFFFFF800  }
0x44: {  	s17 =	sshll.u32 s15, $0x11;
	_ =	swait.ge [sflag:s22], $0x800  }
0x45: {  	s10 =	sor.u32 s14, s17;
	[sflag:s22] =	ssyncset.done $0x0  }
0x46: {  	s8 =	sor.u32 $0x10000, s10;
	[sflag:s22] =	ssyncadd.s32 $0xFFFFF800  }
0x47: {  	s18 =	simm.s32 $0x2000;
	s9 =	smin.u32 s8, $0xF3A40;
	_ =	swait.ge [sflag:s22], $0x800  }
0x48: {  	s23 =	simm.s32 $0x2800;
	s9 =	sshrl.u32 s9, $0x3;
	[sflag:s22] =	ssyncset.done $0x0  }
0x49: {  	s25 =	simm.s32 $0x3000;
	s16 =	sadd.s32 s1, s9;
	[sflag:s22] =	ssyncadd.s32 $0xFFFFF800  }
0x4a: {  	[tilespmem:s18], [sflag:$0x1] =	stream.linear.gather [hbm4b:s16+s11], $0x800, $0x38;
	[tilespmem:$0xC400] =	vst v63  }
0x4b: {  	p0 =	slt.s32 s12, $0xF3A40;
	s26 =	simm.s32 $0x3800;
	s16 =	sadd.s32 $0x1E848, s16  }
0x4c: {  	[tilespmem:s23], [sflag:$0x1] =	stream.linear.gather [hbm4b:s16+s11], $0x800, $0x38;
	[tilespmem:$0xC400] =	vst v63  }
0x4d: {  	v2 =	vmov s10;
	s10 =	simm.s32 $0x840;
	s24 =	sadd.s32 s2, s9;
	s9 =	sadd.s32 s3, s9  }
0x4e: {  	[tilespmem:s25], [sflag:$0x1] =	stream.linear.gather [hbm4b:s24+s11], $0x800, $0x38;
	[tilespmem:$0xC400] =	vst v63  }
0x4f: {  	s18 =	simm.s32 $0x1040;
	s16 =	smov.u32 s12;
	s23 =	simm.s32 $0x40  }
0x50: {  	[tilespmem:s26], [sflag:$0x1] =	stream.linear.gather [hbm4b:s9+s11], $0x800, $0x38;
	[tilespmem:$0xC400] =	vst v63  }
0x51: {  	s16 =	simm.s32 @!p0 $0xF3A40;
	s24 =	simm.s32 $0x0;
	s9 =	simm.s32 $0x1840  }
.LBB2_5:
0x52: {  	v3 =	vld [tilespmem:s23+$0xFFFFFFC0];
	_ =	sdelay $0x1  }
0x53: {  	v4 =	vld [tilespmem:s10+$0xFFFFFFC0];
	_ =	sdelay $0x2  }
0x54: {  	v7 =	vld [tilespmem:s18+$0xFFFFFFC0];
	v3 =	vmul.f32 $5.120000000e+02, v3  }
0x55: {  	v8 =	vld [tilespmem:s9+$0xFFFFFFC0]  }
0x56: {  	v4 =	vmul.f32 $5.120000000e+02, v4;
	v3 =	vadd.f32 $-5.000000000e-01, v3;
	_ =	sdelay $0x1  }
0x57: {  	v4 =	vadd.f32 $-5.000000000e-01, v4;
	v5 =	vtrunc.f32 v3  }
0x58: {  	v5 =	vcvt.f32.s32 v5  }
0x59: {  	s25 =	sadd.s32 s24, s7;
	v7 =	vmul.f32 v8, v7;
	v6 =	vtrunc.f32 v4  }
0x5a: {  	v41 =	vor.u32 s25, v1;
	v6 =	vcvt.f32.s32 v6;
	v9 =	vcvt.s32.f32 v5  }
0x5b: {  	vm0 =	vlt.u32 v41, v2  }
0x5c: {  	v7 =	vsel vm0, $0x0, v7;
	v10 =	vcvt.s32.f32 v6;
	v3 =	vsub.f32 v3, v9  }
0x5d: {  	vm9 =	vlt.s32 v6, $0x1FF;
	v42 =	vadd.s32 $0x1, v5;
	v5 =	vshll.u32 v5, $0x9  }
0x5e: {  	v43 =	vnsel vm9, $0x1FF, v6;
	v6 =	vadd.s32 $0x1, v6;
	v3 =	vmax.f32 v3, $0.0e+00  }
0x5f: {  	vm10 =	vlt.s32 v42, $0x1FF;
	v4 =	vsub.f32 v4, v10;
	v3 =	vmin.f32 v3, $1.000000000e+00  }
0x60: {  	v8 =	vnsel vm10, $0x1FF, v42;
	vm11 =	vlt.s32 v6, $0x1FF;
	v3 =	vmul.f32 v3, v7  }
0x61: {  	v44 =	vadd.s32 v5, v43;
	v8 =	vshll.u32 v8, $0x9;
	v6 =	vnsel vm11, $0x1FF, v6  }
0x62: {  	[tilespmem:$0x4000] =	vst v44;
	v4 =	vmax.f32 v4, $0.0e+00;
	v9 =	vadd.s32 v43, v8;
	v7 =	vsub.f32 v7, v3  }
0x63: {  	v5 =	vadd.s32 v5, v6;
	v4 =	vmin.f32 v4, $1.000000000e+00;
	[tilespmem:$0x4080] =	vst v9  }
0x64: {  	v6 =	vadd.s32 v6, v8;
	[tilespmem:$0x4100] =	vst v5;
	v45 =	vmul.f32 v7, v4  }
0x65: {  	[tilespmem:$0x4180] =	vst v6;
	v4 =	vmul.f32 v4, v3  }
0x66: {  	v7 =	vsub.f32 v7, v45;
	[tilespmem:$0x4300] =	vst v45  }
0x67: {  	v3 =	vsub.f32 v3, v4;
	[tilespmem:$0x4380] =	vst v4  }
0x68: {  	[tilespmem:$0x4200] =	vst v7  }
0x69: {  	[tilespmem:$0x4280] =	vst v3  }
0x6a: {  	v3 =	vld [tilespmem:s23+$0xFFFFFFD0];
	_ =	sdelay $0x1  }
0x6b: {  	v4 =	vld [tilespmem:s10+$0xFFFFFFD0];
	_ =	sdelay $0x2  }
0x6c: {  	v7 =	vld [tilespmem:s18+$0xFFFFFFD0];
	v3 =	vmul.f32 $5.120000000e+02, v3  }
0x6d: {  	v48 =	vld [tilespmem:s9+$0xFFFFFFD0]  }
0x6e: {  	v4 =	vmul.f32 $5.120000000e+02, v4;
	v3 =	vadd.f32 $-5.000000000e-01, v3;
	_ =	sdelay $0x1  }
0x6f: {  	v4 =	vadd.f32 $-5.000000000e-01, v4;
	v46 =	vtrunc.f32 v3  }
0x70: {  	v5 =	vcvt.f32.s32 v46  }
0x71: {  	s26 =	sadd.s32 $0x10, s25;
	v7 =	vmul.f32 v48, v7;
	v47 =	vtrunc.f32 v4  }
0x72: {  	v51 =	vor.u32 s26, v1;
	v6 =	vcvt.f32.s32 v47;
	v49 =	vcvt.s32.f32 v5  }
0x73: {  	vm12 =	vlt.u32 v51, v2  }
0x74: {  	v7 =	vsel vm12, $0x0, v7;
	v50 =	vcvt.s32.f32 v6;
	v3 =	vsub.f32 v3, v49  }
0x75: {  	vm13 =	vlt.s32 v6, $0x1FF;
	v52 =	vadd.s32 $0x1, v5;
	v5 =	vshll.u32 v5, $0x9  }
0x76: {  	v53 =	vnsel vm13, $0x1FF, v6;
	v6 =	vadd.s32 $0x1, v6;
	v3 =	vmax.f32 v3, $0.0e+00  }
0x77: {  	vm14 =	vlt.s32 v52, $0x1FF;
	v4 =	vsub.f32 v4, v50;
	v3 =	vmin.f32 v3, $1.000000000e+00  }
0x78: {  	v8 =	vnsel vm14, $0x1FF, v52;
	vm15 =	vlt.s32 v6, $0x1FF;
	v3 =	vmul.f32 v3, v7  }
0x79: {  	v54 =	vadd.s32 v5, v53;
	v8 =	vshll.u32 v8, $0x9;
	v6 =	vnsel vm15, $0x1FF, v6  }
0x7a: {  	[tilespmem:$0x4010] =	vst v54;
	v4 =	vmax.f32 v4, $0.0e+00;
	v9 =	vadd.s32 v53, v8;
	v7 =	vsub.f32 v7, v3  }
0x7b: {  	v5 =	vadd.s32 v5, v6;
	v4 =	vmin.f32 v4, $1.000000000e+00;
	[tilespmem:$0x4090] =	vst v9  }
0x7c: {  	v6 =	vadd.s32 v6, v8;
	[tilespmem:$0x4110] =	vst v5;
	v55 =	vmul.f32 v7, v4  }
0x7d: {  	[tilespmem:$0x4190] =	vst v6;
	v4 =	vmul.f32 v4, v3  }
0x7e: {  	v7 =	vsub.f32 v7, v55;
	[tilespmem:$0x4310] =	vst v55  }
0x7f: {  	v3 =	vsub.f32 v3, v4;
	[tilespmem:$0x4390] =	vst v4  }
0x80: {  	[tilespmem:$0x4210] =	vst v7  }
0x81: {  	[tilespmem:$0x4290] =	vst v3  }
0x82: {  	v3 =	vld [tilespmem:s23+$0xFFFFFFE0];
	_ =	sdelay $0x1  }
0x83: {  	v4 =	vld [tilespmem:s10+$0xFFFFFFE0];
	_ =	sdelay $0x2  }
0x84: {  	v7 =	vld [tilespmem:s18+$0xFFFFFFE0];
	v3 =	vmul.f32 $5.120000000e+02, v3  }
0x85: {  	v58 =	vld [tilespmem:s9+$0xFFFFFFE0]  }
0x86: {  	v4 =	vmul.f32 $5.120000000e+02, v4;
	v3 =	vadd.f32 $-5.000000000e-01, v3;
	_ =	sdelay $0x1  }
0x87: {  	v4 =	vadd.f32 $-5.000000000e-01, v4;
	v56 =	vtrunc.f32 v3  }
0x88: {  	v5 =	vcvt.f32.s32 v56  }
0x89: {  	s26 =	sadd.s32 $0x20, s25;
	v7 =	vmul.f32 v58, v7;
	v57 =	vtrunc.f32 v4  }
0x8a: {  	v61 =	vor.u32 s26, v1;
	v6 =	vcvt.f32.s32 v57;
	v59 =	vcvt.s32.f32 v5  }
0x8b: {  	vm4 =	vlt.u32 v61, v2  }
0x8c: {  	v7 =	vsel vm4, $0x0, v7;
	v60 =	vcvt.s32.f32 v6;
	v3 =	vsub.f32 v3, v59  }
0x8d: {  	vm5 =	vlt.s32 v6, $0x1FF;
	v62 =	vadd.s32 $0x1, v5;
	v5 =	vshll.u32 v5, $0x9  }
0x8e: {  	v63 =	vnsel vm5, $0x1FF, v6;
	v6 =	vadd.s32 $0x1, v6;
	v3 =	vmax.f32 v3, $0.0e+00  }
0x8f: {  	vm6 =	vlt.s32 v62, $0x1FF;
	v4 =	vsub.f32 v4, v60;
	v3 =	vmin.f32 v3, $1.000000000e+00  }
0x90: {  	v8 =	vnsel vm6, $0x1FF, v62;
	vm7 =	vlt.s32 v6, $0x1FF;
	v3 =	vmul.f32 v3, v7  }
0x91: {  	v12 =	vadd.s32 v5, v63;
	v8 =	vshll.u32 v8, $0x9;
	v6 =	vnsel vm7, $0x1FF, v6  }
0x92: {  	[tilespmem:$0x4020] =	vst v12;
	v4 =	vmax.f32 v4, $0.0e+00;
	v9 =	vadd.s32 v63, v8;
	v7 =	vsub.f32 v7, v3  }
0x93: {  	v5 =	vadd.s32 v5, v6;
	v4 =	vmin.f32 v4, $1.000000000e+00;
	[tilespmem:$0x40A0] =	vst v9  }
0x94: {  	v6 =	vadd.s32 v6, v8;
	[tilespmem:$0x4120] =	vst v5;
	v13 =	vmul.f32 v7, v4  }
0x95: {  	[tilespmem:$0x41A0] =	vst v6;
	v4 =	vmul.f32 v4, v3  }
0x96: {  	v7 =	vsub.f32 v7, v13;
	[tilespmem:$0x4320] =	vst v13  }
0x97: {  	v3 =	vsub.f32 v3, v4;
	[tilespmem:$0x43A0] =	vst v4  }
0x98: {  	[tilespmem:$0x4220] =	vst v7  }
0x99: {  	[tilespmem:$0x42A0] =	vst v3  }
0x9a: {  	v3 =	vld [tilespmem:s23+$0xFFFFFFF0];
	_ =	sdelay $0x1  }
0x9b: {  	v4 =	vld [tilespmem:s10+$0xFFFFFFF0];
	_ =	sdelay $0x2  }
0x9c: {  	v7 =	vld [tilespmem:s18+$0xFFFFFFF0];
	v3 =	vmul.f32 $5.120000000e+02, v3  }
0x9d: {  	v16 =	vld [tilespmem:s9+$0xFFFFFFF0]  }
0x9e: {  	v4 =	vmul.f32 $5.120000000e+02, v4;
	v3 =	vadd.f32 $-5.000000000e-01, v3;
	_ =	sdelay $0x1  }
0x9f: {  	v4 =	vadd.f32 $-5.000000000e-01, v4;
	v14 =	vtrunc.f32 v3  }
0xa0: {  	v5 =	vcvt.f32.s32 v14  }
0xa1: {  	s26 =	sadd.s32 $0x30, s25;
	v7 =	vmul.f32 v16, v7;
	v15 =	vtrunc.f32 v4  }
0xa2: {  	v19 =	vor.u32 s26, v1;
	v6 =	vcvt.f32.s32 v15;
	v17 =	vcvt.s32.f32 v5  }
0xa3: {  	vm8 =	vlt.u32 v19, v2  }
0xa4: {  	v7 =	vsel vm8, $0x0, v7;
	v18 =	vcvt.s32.f32 v6;
	v3 =	vsub.f32 v3, v17  }
0xa5: {  	vm9 =	vlt.s32 v6, $0x1FF;
	v20 =	vadd.s32 $0x1, v5;
	v5 =	vshll.u32 v5, $0x9  }
0xa6: {  	v21 =	vnsel vm9, $0x1FF, v6;
	v6 =	vadd.s32 $0x1, v6;
	v3 =	vmax.f32 v3, $0.0e+00  }
0xa7: {  	vm10 =	vlt.s32 v20, $0x1FF;
	v4 =	vsub.f32 v4, v18;
	v3 =	vmin.f32 v3, $1.000000000e+00  }
0xa8: {  	v8 =	vnsel vm10, $0x1FF, v20;
	vm11 =	vlt.s32 v6, $0x1FF;
	v3 =	vmul.f32 v3, v7  }
0xa9: {  	v22 =	vadd.s32 v5, v21;
	v8 =	vshll.u32 v8, $0x9;
	v6 =	vnsel vm11, $0x1FF, v6  }
0xaa: {  	[tilespmem:$0x4030] =	vst v22;
	v4 =	vmax.f32 v4, $0.0e+00;
	v9 =	vadd.s32 v21, v8;
	v7 =	vsub.f32 v7, v3  }
0xab: {  	v5 =	vadd.s32 v5, v6;
	v4 =	vmin.f32 v4, $1.000000000e+00;
	[tilespmem:$0x40B0] =	vst v9  }
0xac: {  	v6 =	vadd.s32 v6, v8;
	[tilespmem:$0x4130] =	vst v5;
	v23 =	vmul.f32 v7, v4  }
0xad: {  	[tilespmem:$0x41B0] =	vst v6;
	v4 =	vmul.f32 v4, v3  }
0xae: {  	v7 =	vsub.f32 v7, v23;
	[tilespmem:$0x4330] =	vst v23  }
0xaf: {  	v3 =	vsub.f32 v3, v4;
	[tilespmem:$0x43B0] =	vst v4  }
0xb0: {  	[tilespmem:$0x4230] =	vst v7  }
0xb1: {  	[tilespmem:$0x42B0] =	vst v3  }
0xb2: {  	v3 =	vld [tilespmem:s23+$0x0];
	_ =	sdelay $0x1  }
0xb3: {  	v4 =	vld [tilespmem:s10+$0x0];
	_ =	sdelay $0x2  }
0xb4: {  	v7 =	vld [tilespmem:s18+$0x0];
	v3 =	vmul.f32 $5.120000000e+02, v3  }
0xb5: {  	v26 =	vld [tilespmem:s9+$0x0]  }
0xb6: {  	v4 =	vmul.f32 $5.120000000e+02, v4;
	v3 =	vadd.f32 $-5.000000000e-01, v3;
	_ =	sdelay $0x1  }
0xb7: {  	v4 =	vadd.f32 $-5.000000000e-01, v4;
	v24 =	vtrunc.f32 v3  }
0xb8: {  	v5 =	vcvt.f32.s32 v24  }
0xb9: {  	s26 =	sadd.s32 $0x40, s25;
	v7 =	vmul.f32 v26, v7;
	v25 =	vtrunc.f32 v4  }
0xba: {  	v29 =	vor.u32 s26, v1;
	v6 =	vcvt.f32.s32 v25;
	v27 =	vcvt.s32.f32 v5  }
0xbb: {  	vm12 =	vlt.u32 v29, v2  }
0xbc: {  	v7 =	vsel vm12, $0x0, v7;
	v28 =	vcvt.s32.f32 v6;
	v3 =	vsub.f32 v3, v27  }
0xbd: {  	vm13 =	vlt.s32 v6, $0x1FF;
	v30 =	vadd.s32 $0x1, v5;
	v5 =	vshll.u32 v5, $0x9  }
0xbe: {  	v31 =	vnsel vm13, $0x1FF, v6;
	v6 =	vadd.s32 $0x1, v6;
	v3 =	vmax.f32 v3, $0.0e+00  }
0xbf: {  	vm14 =	vlt.s32 v30, $0x1FF;
	v4 =	vsub.f32 v4, v28;
	v3 =	vmin.f32 v3, $1.000000000e+00  }
0xc0: {  	v8 =	vnsel vm14, $0x1FF, v30;
	vm15 =	vlt.s32 v6, $0x1FF;
	v3 =	vmul.f32 v3, v7  }
0xc1: {  	v32 =	vadd.s32 v5, v31;
	v8 =	vshll.u32 v8, $0x9;
	v6 =	vnsel vm15, $0x1FF, v6  }
0xc2: {  	[tilespmem:$0x4040] =	vst v32;
	v4 =	vmax.f32 v4, $0.0e+00;
	v9 =	vadd.s32 v31, v8;
	v7 =	vsub.f32 v7, v3  }
0xc3: {  	v5 =	vadd.s32 v5, v6;
	v4 =	vmin.f32 v4, $1.000000000e+00;
	[tilespmem:$0x40C0] =	vst v9  }
0xc4: {  	v6 =	vadd.s32 v6, v8;
	[tilespmem:$0x4140] =	vst v5;
	v33 =	vmul.f32 v7, v4  }
0xc5: {  	[tilespmem:$0x41C0] =	vst v6;
	v4 =	vmul.f32 v4, v3  }
0xc6: {  	v7 =	vsub.f32 v7, v33;
	[tilespmem:$0x4340] =	vst v33  }
0xc7: {  	v3 =	vsub.f32 v3, v4;
	[tilespmem:$0x43C0] =	vst v4  }
0xc8: {  	[tilespmem:$0x4240] =	vst v7  }
0xc9: {  	[tilespmem:$0x42C0] =	vst v3  }
0xca: {  	v3 =	vld [tilespmem:s23+$0x10];
	_ =	sdelay $0x1  }
0xcb: {  	v4 =	vld [tilespmem:s10+$0x10];
	_ =	sdelay $0x2  }
0xcc: {  	v7 =	vld [tilespmem:s18+$0x10];
	v3 =	vmul.f32 $5.120000000e+02, v3  }
0xcd: {  	v36 =	vld [tilespmem:s9+$0x10]  }
0xce: {  	v4 =	vmul.f32 $5.120000000e+02, v4;
	v3 =	vadd.f32 $-5.000000000e-01, v3;
	_ =	sdelay $0x1  }
0xcf: {  	v4 =	vadd.f32 $-5.000000000e-01, v4;
	v34 =	vtrunc.f32 v3  }
0xd0: {  	v5 =	vcvt.f32.s32 v34  }
0xd1: {  	s26 =	sadd.s32 $0x50, s25;
	v7 =	vmul.f32 v36, v7;
	v35 =	vtrunc.f32 v4  }
0xd2: {  	v39 =	vor.u32 s26, v1;
	v6 =	vcvt.f32.s32 v35;
	v37 =	vcvt.s32.f32 v5  }
0xd3: {  	vm4 =	vlt.u32 v39, v2  }
0xd4: {  	v7 =	vsel vm4, $0x0, v7;
	v38 =	vcvt.s32.f32 v6;
	v3 =	vsub.f32 v3, v37  }
0xd5: {  	vm5 =	vlt.s32 v6, $0x1FF;
	v40 =	vadd.s32 $0x1, v5;
	v5 =	vshll.u32 v5, $0x9  }
0xd6: {  	v41 =	vnsel vm5, $0x1FF, v6;
	v6 =	vadd.s32 $0x1, v6;
	v3 =	vmax.f32 v3, $0.0e+00  }
0xd7: {  	vm6 =	vlt.s32 v40, $0x1FF;
	v4 =	vsub.f32 v4, v38;
	v3 =	vmin.f32 v3, $1.000000000e+00  }
0xd8: {  	v8 =	vnsel vm6, $0x1FF, v40;
	vm7 =	vlt.s32 v6, $0x1FF;
	v3 =	vmul.f32 v3, v7  }
0xd9: {  	v42 =	vadd.s32 v5, v41;
	v8 =	vshll.u32 v8, $0x9;
	v6 =	vnsel vm7, $0x1FF, v6  }
0xda: {  	[tilespmem:$0x4050] =	vst v42;
	v4 =	vmax.f32 v4, $0.0e+00;
	v9 =	vadd.s32 v41, v8;
	v7 =	vsub.f32 v7, v3  }
0xdb: {  	v5 =	vadd.s32 v5, v6;
	v4 =	vmin.f32 v4, $1.000000000e+00;
	[tilespmem:$0x40D0] =	vst v9  }
0xdc: {  	v6 =	vadd.s32 v6, v8;
	[tilespmem:$0x4150] =	vst v5;
	v43 =	vmul.f32 v7, v4  }
0xdd: {  	[tilespmem:$0x41D0] =	vst v6;
	v4 =	vmul.f32 v4, v3  }
0xde: {  	v7 =	vsub.f32 v7, v43;
	[tilespmem:$0x4350] =	vst v43  }
0xdf: {  	v3 =	vsub.f32 v3, v4;
	[tilespmem:$0x43D0] =	vst v4  }
0xe0: {  	[tilespmem:$0x4250] =	vst v7  }
0xe1: {  	[tilespmem:$0x42D0] =	vst v3  }
0xe2: {  	v3 =	vld [tilespmem:s23+$0x20];
	_ =	sdelay $0x1  }
0xe3: {  	v4 =	vld [tilespmem:s10+$0x20];
	_ =	sdelay $0x2  }
0xe4: {  	v7 =	vld [tilespmem:s18+$0x20];
	v3 =	vmul.f32 $5.120000000e+02, v3  }
0xe5: {  	v46 =	vld [tilespmem:s9+$0x20]  }
0xe6: {  	v4 =	vmul.f32 $5.120000000e+02, v4;
	v3 =	vadd.f32 $-5.000000000e-01, v3;
	_ =	sdelay $0x1  }
0xe7: {  	v4 =	vadd.f32 $-5.000000000e-01, v4;
	v44 =	vtrunc.f32 v3  }
0xe8: {  	v5 =	vcvt.f32.s32 v44  }
0xe9: {  	s26 =	sadd.s32 $0x60, s25;
	v7 =	vmul.f32 v46, v7;
	v45 =	vtrunc.f32 v4  }
0xea: {  	v49 =	vor.u32 s26, v1;
	v6 =	vcvt.f32.s32 v45;
	v47 =	vcvt.s32.f32 v5  }
0xeb: {  	vm8 =	vlt.u32 v49, v2  }
0xec: {  	v7 =	vsel vm8, $0x0, v7;
	v48 =	vcvt.s32.f32 v6;
	v3 =	vsub.f32 v3, v47  }
0xed: {  	vm9 =	vlt.s32 v6, $0x1FF;
	v50 =	vadd.s32 $0x1, v5;
	v5 =	vshll.u32 v5, $0x9  }
0xee: {  	v51 =	vnsel vm9, $0x1FF, v6;
	v6 =	vadd.s32 $0x1, v6;
	v3 =	vmax.f32 v3, $0.0e+00  }
0xef: {  	vm10 =	vlt.s32 v50, $0x1FF;
	v4 =	vsub.f32 v4, v48;
	v3 =	vmin.f32 v3, $1.000000000e+00  }
0xf0: {  	v8 =	vnsel vm10, $0x1FF, v50;
	vm11 =	vlt.s32 v6, $0x1FF;
	v3 =	vmul.f32 v3, v7  }
0xf1: {  	v52 =	vadd.s32 v5, v51;
	v8 =	vshll.u32 v8, $0x9;
	v6 =	vnsel vm11, $0x1FF, v6  }
0xf2: {  	[tilespmem:$0x4060] =	vst v52;
	v4 =	vmax.f32 v4, $0.0e+00;
	v9 =	vadd.s32 v51, v8;
	v7 =	vsub.f32 v7, v3  }
0xf3: {  	v5 =	vadd.s32 v5, v6;
	v4 =	vmin.f32 v4, $1.000000000e+00;
	[tilespmem:$0x40E0] =	vst v9  }
0xf4: {  	v6 =	vadd.s32 v6, v8;
	[tilespmem:$0x4160] =	vst v5;
	v53 =	vmul.f32 v7, v4  }
0xf5: {  	[tilespmem:$0x41E0] =	vst v6;
	v4 =	vmul.f32 v4, v3  }
0xf6: {  	v7 =	vsub.f32 v7, v53;
	[tilespmem:$0x4360] =	vst v53  }
0xf7: {  	v3 =	vsub.f32 v3, v4;
	[tilespmem:$0x43E0] =	vst v4  }
0xf8: {  	[tilespmem:$0x4260] =	vst v7  }
0xf9: {  	[tilespmem:$0x42E0] =	vst v3  }
0xfa: {  	v3 =	vld [tilespmem:s23+$0x30];
	_ =	sdelay $0x1  }
0xfb: {  	v4 =	vld [tilespmem:s10+$0x30];
	_ =	sdelay $0x2  }
0xfc: {  	v7 =	vld [tilespmem:s18+$0x30];
	v3 =	vmul.f32 $5.120000000e+02, v3  }
0xfd: {  	v56 =	vld [tilespmem:s9+$0x30]  }
0xfe: {  	v4 =	vmul.f32 $5.120000000e+02, v4;
	v3 =	vadd.f32 $-5.000000000e-01, v3;
	_ =	sdelay $0x1  }
0xff: {  	v4 =	vadd.f32 $-5.000000000e-01, v4;
	v54 =	vtrunc.f32 v3  }
0x100: {  	v5 =	vcvt.f32.s32 v54  }
0x101: {  	s25 =	sadd.s32 $0x70, s25;
	v7 =	vmul.f32 v56, v7;
	v55 =	vtrunc.f32 v4  }
0x102: {  	v59 =	vor.u32 s25, v1;
	v6 =	vcvt.f32.s32 v55;
	v57 =	vcvt.s32.f32 v5  }
0x103: {  	vm12 =	vlt.u32 v59, v2  }
0x104: {  	v7 =	vsel vm12, $0x0, v7;
	v58 =	vcvt.s32.f32 v6;
	v3 =	vsub.f32 v3, v57  }
0x105: {  	vm13 =	vlt.s32 v6, $0x1FF;
	v60 =	vadd.s32 $0x1, v5;
	v5 =	vshll.u32 v5, $0x9  }
0x106: {  	v61 =	vnsel vm13, $0x1FF, v6;
	v6 =	vadd.s32 $0x1, v6;
	v3 =	vmax.f32 v3, $0.0e+00  }
0x107: {  	vm14 =	vlt.s32 v60, $0x1FF;
	v4 =	vsub.f32 v4, v58;
	v3 =	vmin.f32 v3, $1.000000000e+00  }
0x108: {  	v8 =	vnsel vm14, $0x1FF, v60;
	vm15 =	vlt.s32 v6, $0x1FF;
	v3 =	vmul.f32 v3, v7  }
0x109: {  	v62 =	vadd.s32 v5, v61;
	v8 =	vshll.u32 v8, $0x9;
	v6 =	vnsel vm15, $0x1FF, v6  }
0x10a: {  	[tilespmem:$0x4070] =	vst v62;
	v4 =	vmax.f32 v4, $0.0e+00;
	v9 =	vadd.s32 v61, v8;
	v7 =	vsub.f32 v7, v3  }
0x10b: {  	v5 =	vadd.s32 v5, v6;
	v4 =	vmin.f32 v4, $1.000000000e+00;
	[tilespmem:$0x40F0] =	vst v9  }
0x10c: {  	v6 =	vadd.s32 v6, v8;
	[tilespmem:$0x4170] =	vst v5;
	v63 =	vmul.f32 v7, v4  }
0x10d: {  	[tilespmem:$0x41F0] =	vst v6;
	v4 =	vmul.f32 v4, v3  }
0x10e: {  	v7 =	vsub.f32 v7, v63;
	[tilespmem:$0x4370] =	vst v63  }
0x10f: {  	v3 =	vsub.f32 v3, v4;
	[tilespmem:$0x43F0] =	vst v4  }
0x110: {  	[tilespmem:$0x4270] =	vst v7  }
0x111: {  	[tilespmem:$0x42F0] =	vst v3  }
0x112: {  	[spmem:s5] =	stream.indirect.scatter.add.f32 [tilespmem:s30], [sflag:$0x2], $0x1, s29, s28, $0xb8;
	[tilespmem:$0xC400] =	vst v63  }
0x113: {  	_ = 	snop  }
0x114: {  	[spmem:s5] =	stream.indirect.scatter.add.f32 [tilespmem:s0], [sflag:$0x2], $0x1, s31, s28, $0xb8;
	[tilespmem:$0xC400] =	vst v63  }
0x115: {  	_ = 	snop  }
0x116: {  	[spmem:s5] =	stream.indirect.scatter.add.f32 [tilespmem:s19], [sflag:$0x2], $0x1, s4, s28, $0xb8;
	[tilespmem:$0xC400] =	vst v63  }
0x117: {  	_ = 	snop  }
0x118: {  	[spmem:s5] =	stream.indirect.scatter.add.f32 [tilespmem:s21], [sflag:$0x2], $0x1, s20, s28, $0xb8;
	[tilespmem:$0xC400] =	vst v63  }
0x119: {  	_ =	swait.ge [sflag:s6], $0x80  }
0x11a: {  	[sflag:s6] =	ssyncset.done $0x0  }
0x11b: {  	[sflag:s6] =	ssyncadd.s32 $0xFFFFFF80  }
0x11c: {  	_ =	swait.ge [sflag:s6], $0x80  }
0x11d: {  	[sflag:s6] =	ssyncset.done $0x0  }
0x11e: {  	[sflag:s6] =	ssyncadd.s32 $0xFFFFFF80  }
0x11f: {  	p0 =	sne.s32 s24, $0x780;
	_ =	swait.ge [sflag:s6], $0x80  }
.Ltmp5:
0x120: {  	[sflag:s6] =	ssyncset.done $0x0;
	(pc) =	sbr.rel @p0 .LBB2_5-.Ltmp5, $4  }
0x121: {  	[sflag:s6] =	ssyncadd.s32 $0xFFFFFF80  }
0x122: {  	s24 =	sadd.s32 $0x80, s24;
	_ =	swait.ge [sflag:s6], $0x80  }
0x123: {  	s9 =	sadd.s32 $0x80, s9;
	s18 =	sadd.s32 $0x80, s18;
	[sflag:s6] =	ssyncset.done $0x0  }
0x124: {  	s10 =	sadd.s32 $0x80, s10;
	s23 =	sadd.s32 $0x80, s23;
	[sflag:s6] =	ssyncadd.s32 $0xFFFFFF80  }
0x125: {  	_ =	swait.ge [sflag:s22], $0x800  }
0x126: {  	[sflag:s22] =	ssyncset.done $0x0  }
0x127: {  	[sflag:s22] =	ssyncadd.s32 $0xFFFFF800  }
0x128: {  	_ =	swait.ge [sflag:s22], $0x800  }
0x129: {  	[sflag:s22] =	ssyncset.done $0x0  }
0x12a: {  	[sflag:s22] =	ssyncadd.s32 $0xFFFFF800  }
0x12b: {  	_ =	swait.ge [sflag:s22], $0x800  }
0x12c: {  	p0 =	seq.s32 s15, $0x7;
	[sflag:s22] =	ssyncset.done $0x0  }
0x12d: {  	s9 =	sadd.s32 @!p0 s13, s17;
	[sflag:s22] =	ssyncadd.s32 $0xFFFFF800  }
0x12e: {  	s9 =	smin.u32 @!p0 s9, $0xF3A40;
	_ =	swait.ge [sflag:s22], $0x800  }
0x12f: {  	s9 =	sshrl.u32 @!p0 s9, $0x3;
	[sflag:s22] =	ssyncset.done $0x0  }
0x130: {  	s17 =	simm.s32 @!p0 $0x0;
	s10 =	sadd.s32 @!p0 s1, s9;
	[sflag:s22] =	ssyncadd.s32 $0xFFFFF800  }
0x131: {  	[tilespmem:s17], [sflag:$0x1] =	stream.linear.gather @!p0 [hbm4b:s10+s17], $0x800, $0x38;
	[tilespmem:$0xC400] =	vst v63  }
0x132: {  	s18 =	simm.s32 @!p0 $0x800;
	s10 =	sadd.s32 @!p0 $0x1E848, s10  }
0x133: {  	[tilespmem:s18], [sflag:$0x1] =	stream.linear.gather @!p0 [hbm4b:s10+s17], $0x800, $0x38;
	[tilespmem:$0xC400] =	vst v63  }
0x134: {  	s10 =	sadd.s32 @!p0 s2, s9;
	s18 =	simm.s32 @!p0 $0x1000  }
0x135: {  	[tilespmem:s18], [sflag:$0x1] =	stream.linear.gather @!p0 [hbm4b:s10+s17], $0x800, $0x38;
	[tilespmem:$0xC400] =	vst v63  }
0x136: {  	s9 =	sadd.s32 @!p0 s3, s9;
	s10 =	simm.s32 @!p0 $0x1800  }
0x137: {  	[tilespmem:s10], [sflag:$0x1] =	stream.linear.gather @!p0 [hbm4b:s9+s17], $0x800, $0x38;
	[tilespmem:$0xC400] =	vst v63  }
0x138: {  	p0 =	sgt.u32 s8, $0xF423F  }
.Ltmp6:
0x139: {  	_ = 	snop;
	(pc) =	sbr.rel @p0 .LBB2_9-.Ltmp6, $1  }
0x13a: {  	_ =	sdelay $0x3  }
0x13b: {  	v2 =	vmul.u32 $0xFFFFFFFF, v1  }
0x13c: {  	s9 =	simm.s32 $0x0;
	s17 =	simm.s32 $0x3040  }
0x13d: {  	s10 =	simm.s32 $0x2040;
	s18 =	simm.s32 $0x3840;
	v2 =	vadd.s32 s8, v2;
	s8 =	simm.s32 $0x2840  }
.LBB2_8:
0x13e: {  	v3 =	vld [tilespmem:s10+$0xFFFFFFC0];
	_ =	sdelay $0x1  }
0x13f: {  	v4 =	vld [tilespmem:s8+$0xFFFFFFC0];
	_ =	sdelay $0x2  }
0x140: {  	v7 =	vld [tilespmem:s17+$0xFFFFFFC0];
	v3 =	vmul.f32 $5.120000000e+02, v3  }
0x141: {  	v8 =	vld [tilespmem:s18+$0xFFFFFFC0]  }
0x142: {  	v4 =	vmul.f32 $5.120000000e+02, v4;
	v3 =	vadd.f32 $-5.000000000e-01, v3;
	_ =	sdelay $0x1  }
0x143: {  	v4 =	vadd.f32 $-5.000000000e-01, v4;
	v5 =	vtrunc.f32 v3  }
0x144: {  	v5 =	vcvt.f32.s32 v5  }
0x145: {  	s23 =	sadd.s32 s9, s16;
	v7 =	vmul.f32 v8, v7;
	v6 =	vtrunc.f32 v4  }
0x146: {  	v41 =	vmov s23;
	v6 =	vcvt.f32.s32 v6;
	v9 =	vcvt.s32.f32 v5  }
0x147: {  	vm0 =	vlt.s32 v41, v2  }
0x148: {  	v7 =	vsel vm0, $0x0, v7;
	v10 =	vcvt.s32.f32 v6;
	v3 =	vsub.f32 v3, v9  }
0x149: {  	vm9 =	vlt.s32 v6, $0x1FF;
	v42 =	vadd.s32 $0x1, v5;
	v5 =	vshll.u32 v5, $0x9  }
0x14a: {  	v43 =	vnsel vm9, $0x1FF, v6;
	v6 =	vadd.s32 $0x1, v6;
	v3 =	vmax.f32 v3, $0.0e+00  }
0x14b: {  	vm10 =	vlt.s32 v42, $0x1FF;
	v4 =	vsub.f32 v4, v10;
	v3 =	vmin.f32 v3, $1.000000000e+00  }
0x14c: {  	v8 =	vnsel vm10, $0x1FF, v42;
	vm11 =	vlt.s32 v6, $0x1FF;
	v3 =	vmul.f32 v3, v7  }
0x14d: {  	v44 =	vadd.s32 v5, v43;
	v8 =	vshll.u32 v8, $0x9;
	v6 =	vnsel vm11, $0x1FF, v6  }
0x14e: {  	[tilespmem:$0x4000] =	vst v44;
	v4 =	vmax.f32 v4, $0.0e+00;
	v9 =	vadd.s32 v43, v8;
	v7 =	vsub.f32 v7, v3  }
0x14f: {  	v5 =	vadd.s32 v5, v6;
	v4 =	vmin.f32 v4, $1.000000000e+00;
	[tilespmem:$0x4080] =	vst v9  }
0x150: {  	v6 =	vadd.s32 v6, v8;
	[tilespmem:$0x4100] =	vst v5;
	v45 =	vmul.f32 v7, v4  }
0x151: {  	[tilespmem:$0x4180] =	vst v6;
	v4 =	vmul.f32 v4, v3  }
0x152: {  	v7 =	vsub.f32 v7, v45;
	[tilespmem:$0x4300] =	vst v45  }
0x153: {  	v3 =	vsub.f32 v3, v4;
	[tilespmem:$0x4380] =	vst v4  }
0x154: {  	[tilespmem:$0x4200] =	vst v7  }
0x155: {  	[tilespmem:$0x4280] =	vst v3  }
0x156: {  	v3 =	vld [tilespmem:s10+$0xFFFFFFD0];
	_ =	sdelay $0x1  }
0x157: {  	v4 =	vld [tilespmem:s8+$0xFFFFFFD0];
	_ =	sdelay $0x2  }
0x158: {  	v7 =	vld [tilespmem:s17+$0xFFFFFFD0];
	v3 =	vmul.f32 $5.120000000e+02, v3  }
0x159: {  	v48 =	vld [tilespmem:s18+$0xFFFFFFD0]  }
0x15a: {  	v4 =	vmul.f32 $5.120000000e+02, v4;
	v3 =	vadd.f32 $-5.000000000e-01, v3;
	_ =	sdelay $0x1  }
0x15b: {  	v4 =	vadd.f32 $-5.000000000e-01, v4;
	v46 =	vtrunc.f32 v3  }
0x15c: {  	v5 =	vcvt.f32.s32 v46  }
0x15d: {  	s24 =	sadd.s32 $0x10, s23;
	v7 =	vmul.f32 v48, v7;
	v47 =	vtrunc.f32 v4  }
0x15e: {  	v51 =	vmov s24;
	v6 =	vcvt.f32.s32 v47;
	v49 =	vcvt.s32.f32 v5  }
0x15f: {  	vm12 =	vlt.s32 v51, v2  }
0x160: {  	v7 =	vsel vm12, $0x0, v7;
	v50 =	vcvt.s32.f32 v6;
	v3 =	vsub.f32 v3, v49  }
0x161: {  	vm13 =	vlt.s32 v6, $0x1FF;
	v52 =	vadd.s32 $0x1, v5;
	v5 =	vshll.u32 v5, $0x9  }
0x162: {  	v53 =	vnsel vm13, $0x1FF, v6;
	v6 =	vadd.s32 $0x1, v6;
	v3 =	vmax.f32 v3, $0.0e+00  }
0x163: {  	vm14 =	vlt.s32 v52, $0x1FF;
	v4 =	vsub.f32 v4, v50;
	v3 =	vmin.f32 v3, $1.000000000e+00  }
0x164: {  	v8 =	vnsel vm14, $0x1FF, v52;
	vm15 =	vlt.s32 v6, $0x1FF;
	v3 =	vmul.f32 v3, v7  }
0x165: {  	v54 =	vadd.s32 v5, v53;
	v8 =	vshll.u32 v8, $0x9;
	v6 =	vnsel vm15, $0x1FF, v6  }
0x166: {  	[tilespmem:$0x4010] =	vst v54;
	v4 =	vmax.f32 v4, $0.0e+00;
	v9 =	vadd.s32 v53, v8;
	v7 =	vsub.f32 v7, v3  }
0x167: {  	v5 =	vadd.s32 v5, v6;
	v4 =	vmin.f32 v4, $1.000000000e+00;
	[tilespmem:$0x4090] =	vst v9  }
0x168: {  	v6 =	vadd.s32 v6, v8;
	[tilespmem:$0x4110] =	vst v5;
	v55 =	vmul.f32 v7, v4  }
0x169: {  	[tilespmem:$0x4190] =	vst v6;
	v4 =	vmul.f32 v4, v3  }
0x16a: {  	v7 =	vsub.f32 v7, v55;
	[tilespmem:$0x4310] =	vst v55  }
0x16b: {  	v3 =	vsub.f32 v3, v4;
	[tilespmem:$0x4390] =	vst v4  }
0x16c: {  	[tilespmem:$0x4210] =	vst v7  }
0x16d: {  	[tilespmem:$0x4290] =	vst v3  }
0x16e: {  	v3 =	vld [tilespmem:s10+$0xFFFFFFE0];
	_ =	sdelay $0x1  }
0x16f: {  	v4 =	vld [tilespmem:s8+$0xFFFFFFE0];
	_ =	sdelay $0x2  }
0x170: {  	v7 =	vld [tilespmem:s17+$0xFFFFFFE0];
	v3 =	vmul.f32 $5.120000000e+02, v3  }
0x171: {  	v58 =	vld [tilespmem:s18+$0xFFFFFFE0]  }
0x172: {  	v4 =	vmul.f32 $5.120000000e+02, v4;
	v3 =	vadd.f32 $-5.000000000e-01, v3;
	_ =	sdelay $0x1  }
0x173: {  	v4 =	vadd.f32 $-5.000000000e-01, v4;
	v56 =	vtrunc.f32 v3  }
0x174: {  	v5 =	vcvt.f32.s32 v56  }
0x175: {  	s26 =	sadd.s32 $0x20, s23;
	v7 =	vmul.f32 v58, v7;
	v57 =	vtrunc.f32 v4  }
0x176: {  	v61 =	vmov s26;
	v6 =	vcvt.f32.s32 v57;
	v59 =	vcvt.s32.f32 v5  }
0x177: {  	vm4 =	vlt.s32 v61, v2  }
0x178: {  	v7 =	vsel vm4, $0x0, v7;
	v60 =	vcvt.s32.f32 v6;
	v3 =	vsub.f32 v3, v59  }
0x179: {  	vm5 =	vlt.s32 v6, $0x1FF;
	v62 =	vadd.s32 $0x1, v5;
	v5 =	vshll.u32 v5, $0x9  }
0x17a: {  	v63 =	vnsel vm5, $0x1FF, v6;
	v6 =	vadd.s32 $0x1, v6;
	v3 =	vmax.f32 v3, $0.0e+00  }
0x17b: {  	vm6 =	vlt.s32 v62, $0x1FF;
	v4 =	vsub.f32 v4, v60;
	v3 =	vmin.f32 v3, $1.000000000e+00  }
0x17c: {  	v8 =	vnsel vm6, $0x1FF, v62;
	vm7 =	vlt.s32 v6, $0x1FF;
	v3 =	vmul.f32 v3, v7  }
0x17d: {  	v12 =	vadd.s32 v5, v63;
	v8 =	vshll.u32 v8, $0x9;
	v6 =	vnsel vm7, $0x1FF, v6  }
0x17e: {  	[tilespmem:$0x4020] =	vst v12;
	v4 =	vmax.f32 v4, $0.0e+00;
	v9 =	vadd.s32 v63, v8;
	v7 =	vsub.f32 v7, v3  }
0x17f: {  	v5 =	vadd.s32 v5, v6;
	v4 =	vmin.f32 v4, $1.000000000e+00;
	[tilespmem:$0x40A0] =	vst v9  }
0x180: {  	v6 =	vadd.s32 v6, v8;
	[tilespmem:$0x4120] =	vst v5;
	v13 =	vmul.f32 v7, v4  }
0x181: {  	[tilespmem:$0x41A0] =	vst v6;
	v4 =	vmul.f32 v4, v3  }
0x182: {  	v7 =	vsub.f32 v7, v13;
	[tilespmem:$0x4320] =	vst v13  }
0x183: {  	v3 =	vsub.f32 v3, v4;
	[tilespmem:$0x43A0] =	vst v4  }
0x184: {  	[tilespmem:$0x4220] =	vst v7  }
0x185: {  	[tilespmem:$0x42A0] =	vst v3  }
0x186: {  	v3 =	vld [tilespmem:s10+$0xFFFFFFF0];
	_ =	sdelay $0x1  }
0x187: {  	v4 =	vld [tilespmem:s8+$0xFFFFFFF0];
	_ =	sdelay $0x2  }
0x188: {  	v7 =	vld [tilespmem:s17+$0xFFFFFFF0];
	v3 =	vmul.f32 $5.120000000e+02, v3  }
0x189: {  	v16 =	vld [tilespmem:s18+$0xFFFFFFF0]  }
0x18a: {  	v4 =	vmul.f32 $5.120000000e+02, v4;
	v3 =	vadd.f32 $-5.000000000e-01, v3;
	_ =	sdelay $0x1  }
0x18b: {  	v4 =	vadd.f32 $-5.000000000e-01, v4;
	v14 =	vtrunc.f32 v3  }
0x18c: {  	v5 =	vcvt.f32.s32 v14  }
0x18d: {  	s25 =	sadd.s32 $0x30, s23;
	v7 =	vmul.f32 v16, v7;
	v15 =	vtrunc.f32 v4  }
0x18e: {  	v19 =	vmov s25;
	v6 =	vcvt.f32.s32 v15;
	v17 =	vcvt.s32.f32 v5  }
0x18f: {  	vm8 =	vlt.s32 v19, v2  }
0x190: {  	v7 =	vsel vm8, $0x0, v7;
	v18 =	vcvt.s32.f32 v6;
	v3 =	vsub.f32 v3, v17  }
0x191: {  	vm9 =	vlt.s32 v6, $0x1FF;
	v20 =	vadd.s32 $0x1, v5;
	v5 =	vshll.u32 v5, $0x9  }
0x192: {  	v21 =	vnsel vm9, $0x1FF, v6;
	v6 =	vadd.s32 $0x1, v6;
	v3 =	vmax.f32 v3, $0.0e+00  }
0x193: {  	vm10 =	vlt.s32 v20, $0x1FF;
	v4 =	vsub.f32 v4, v18;
	v3 =	vmin.f32 v3, $1.000000000e+00  }
0x194: {  	v8 =	vnsel vm10, $0x1FF, v20;
	vm11 =	vlt.s32 v6, $0x1FF;
	v3 =	vmul.f32 v3, v7  }
0x195: {  	v22 =	vadd.s32 v5, v21;
	v8 =	vshll.u32 v8, $0x9;
	v6 =	vnsel vm11, $0x1FF, v6  }
0x196: {  	[tilespmem:$0x4030] =	vst v22;
	v4 =	vmax.f32 v4, $0.0e+00;
	v9 =	vadd.s32 v21, v8;
	v7 =	vsub.f32 v7, v3  }
0x197: {  	v5 =	vadd.s32 v5, v6;
	v4 =	vmin.f32 v4, $1.000000000e+00;
	[tilespmem:$0x40B0] =	vst v9  }
0x198: {  	v6 =	vadd.s32 v6, v8;
	[tilespmem:$0x4130] =	vst v5;
	v23 =	vmul.f32 v7, v4  }
0x199: {  	[tilespmem:$0x41B0] =	vst v6;
	v4 =	vmul.f32 v4, v3  }
0x19a: {  	v7 =	vsub.f32 v7, v23;
	[tilespmem:$0x4330] =	vst v23  }
0x19b: {  	v3 =	vsub.f32 v3, v4;
	[tilespmem:$0x43B0] =	vst v4  }
0x19c: {  	[tilespmem:$0x4230] =	vst v7  }
0x19d: {  	[tilespmem:$0x42B0] =	vst v3  }
0x19e: {  	v3 =	vld [tilespmem:s10+$0x0];
	_ =	sdelay $0x1  }
0x19f: {  	v4 =	vld [tilespmem:s8+$0x0];
	_ =	sdelay $0x2  }
0x1a0: {  	v7 =	vld [tilespmem:s17+$0x0];
	v3 =	vmul.f32 $5.120000000e+02, v3  }
0x1a1: {  	v26 =	vld [tilespmem:s18+$0x0]  }
0x1a2: {  	v4 =	vmul.f32 $5.120000000e+02, v4;
	v3 =	vadd.f32 $-5.000000000e-01, v3;
	_ =	sdelay $0x1  }
0x1a3: {  	v4 =	vadd.f32 $-5.000000000e-01, v4;
	v24 =	vtrunc.f32 v3  }
0x1a4: {  	v5 =	vcvt.f32.s32 v24  }
0x1a5: {  	s26 =	sadd.s32 $0x40, s23;
	v7 =	vmul.f32 v26, v7;
	v25 =	vtrunc.f32 v4  }
0x1a6: {  	v29 =	vmov s26;
	v6 =	vcvt.f32.s32 v25;
	v27 =	vcvt.s32.f32 v5  }
0x1a7: {  	vm12 =	vlt.s32 v29, v2  }
0x1a8: {  	v7 =	vsel vm12, $0x0, v7;
	v28 =	vcvt.s32.f32 v6;
	v3 =	vsub.f32 v3, v27  }
0x1a9: {  	vm13 =	vlt.s32 v6, $0x1FF;
	v30 =	vadd.s32 $0x1, v5;
	v5 =	vshll.u32 v5, $0x9  }
0x1aa: {  	v31 =	vnsel vm13, $0x1FF, v6;
	v6 =	vadd.s32 $0x1, v6;
	v3 =	vmax.f32 v3, $0.0e+00  }
0x1ab: {  	vm14 =	vlt.s32 v30, $0x1FF;
	v4 =	vsub.f32 v4, v28;
	v3 =	vmin.f32 v3, $1.000000000e+00  }
0x1ac: {  	v8 =	vnsel vm14, $0x1FF, v30;
	vm15 =	vlt.s32 v6, $0x1FF;
	v3 =	vmul.f32 v3, v7  }
0x1ad: {  	v32 =	vadd.s32 v5, v31;
	v8 =	vshll.u32 v8, $0x9;
	v6 =	vnsel vm15, $0x1FF, v6  }
0x1ae: {  	[tilespmem:$0x4040] =	vst v32;
	v4 =	vmax.f32 v4, $0.0e+00;
	v9 =	vadd.s32 v31, v8;
	v7 =	vsub.f32 v7, v3  }
0x1af: {  	v5 =	vadd.s32 v5, v6;
	v4 =	vmin.f32 v4, $1.000000000e+00;
	[tilespmem:$0x40C0] =	vst v9  }
0x1b0: {  	v6 =	vadd.s32 v6, v8;
	[tilespmem:$0x4140] =	vst v5;
	v33 =	vmul.f32 v7, v4  }
0x1b1: {  	[tilespmem:$0x41C0] =	vst v6;
	v4 =	vmul.f32 v4, v3  }
0x1b2: {  	v7 =	vsub.f32 v7, v33;
	[tilespmem:$0x4340] =	vst v33  }
0x1b3: {  	v3 =	vsub.f32 v3, v4;
	[tilespmem:$0x43C0] =	vst v4  }
0x1b4: {  	[tilespmem:$0x4240] =	vst v7  }
0x1b5: {  	[tilespmem:$0x42C0] =	vst v3  }
0x1b6: {  	v3 =	vld [tilespmem:s10+$0x10];
	_ =	sdelay $0x1  }
0x1b7: {  	v4 =	vld [tilespmem:s8+$0x10];
	_ =	sdelay $0x2  }
0x1b8: {  	v7 =	vld [tilespmem:s17+$0x10];
	v3 =	vmul.f32 $5.120000000e+02, v3  }
0x1b9: {  	v36 =	vld [tilespmem:s18+$0x10]  }
0x1ba: {  	v4 =	vmul.f32 $5.120000000e+02, v4;
	v3 =	vadd.f32 $-5.000000000e-01, v3;
	_ =	sdelay $0x1  }
0x1bb: {  	v4 =	vadd.f32 $-5.000000000e-01, v4;
	v34 =	vtrunc.f32 v3  }
0x1bc: {  	v5 =	vcvt.f32.s32 v34  }
0x1bd: {  	s25 =	sadd.s32 $0x50, s23;
	v7 =	vmul.f32 v36, v7;
	v35 =	vtrunc.f32 v4  }
0x1be: {  	v39 =	vmov s25;
	v6 =	vcvt.f32.s32 v35;
	v37 =	vcvt.s32.f32 v5  }
0x1bf: {  	vm4 =	vlt.s32 v39, v2  }
0x1c0: {  	v7 =	vsel vm4, $0x0, v7;
	v38 =	vcvt.s32.f32 v6;
	v3 =	vsub.f32 v3, v37  }
0x1c1: {  	vm5 =	vlt.s32 v6, $0x1FF;
	v40 =	vadd.s32 $0x1, v5;
	v5 =	vshll.u32 v5, $0x9  }
0x1c2: {  	v41 =	vnsel vm5, $0x1FF, v6;
	v6 =	vadd.s32 $0x1, v6;
	v3 =	vmax.f32 v3, $0.0e+00  }
0x1c3: {  	vm6 =	vlt.s32 v40, $0x1FF;
	v4 =	vsub.f32 v4, v38;
	v3 =	vmin.f32 v3, $1.000000000e+00  }
0x1c4: {  	v8 =	vnsel vm6, $0x1FF, v40;
	vm7 =	vlt.s32 v6, $0x1FF;
	v3 =	vmul.f32 v3, v7  }
0x1c5: {  	v42 =	vadd.s32 v5, v41;
	v8 =	vshll.u32 v8, $0x9;
	v6 =	vnsel vm7, $0x1FF, v6  }
0x1c6: {  	[tilespmem:$0x4050] =	vst v42;
	v4 =	vmax.f32 v4, $0.0e+00;
	v9 =	vadd.s32 v41, v8;
	v7 =	vsub.f32 v7, v3  }
0x1c7: {  	v5 =	vadd.s32 v5, v6;
	v4 =	vmin.f32 v4, $1.000000000e+00;
	[tilespmem:$0x40D0] =	vst v9  }
0x1c8: {  	v6 =	vadd.s32 v6, v8;
	[tilespmem:$0x4150] =	vst v5;
	v43 =	vmul.f32 v7, v4  }
0x1c9: {  	[tilespmem:$0x41D0] =	vst v6;
	v4 =	vmul.f32 v4, v3  }
0x1ca: {  	v7 =	vsub.f32 v7, v43;
	[tilespmem:$0x4350] =	vst v43  }
0x1cb: {  	v3 =	vsub.f32 v3, v4;
	[tilespmem:$0x43D0] =	vst v4  }
0x1cc: {  	[tilespmem:$0x4250] =	vst v7  }
0x1cd: {  	[tilespmem:$0x42D0] =	vst v3  }
0x1ce: {  	v3 =	vld [tilespmem:s10+$0x20];
	_ =	sdelay $0x1  }
0x1cf: {  	v4 =	vld [tilespmem:s8+$0x20];
	_ =	sdelay $0x2  }
0x1d0: {  	v7 =	vld [tilespmem:s17+$0x20];
	v3 =	vmul.f32 $5.120000000e+02, v3  }
0x1d1: {  	v46 =	vld [tilespmem:s18+$0x20]  }
0x1d2: {  	v4 =	vmul.f32 $5.120000000e+02, v4;
	v3 =	vadd.f32 $-5.000000000e-01, v3;
	_ =	sdelay $0x1  }
0x1d3: {  	v4 =	vadd.f32 $-5.000000000e-01, v4;
	v44 =	vtrunc.f32 v3  }
0x1d4: {  	v5 =	vcvt.f32.s32 v44  }
0x1d5: {  	s26 =	sadd.s32 $0x60, s23;
	v7 =	vmul.f32 v46, v7;
	v45 =	vtrunc.f32 v4  }
0x1d6: {  	v49 =	vmov s26;
	v6 =	vcvt.f32.s32 v45;
	v47 =	vcvt.s32.f32 v5  }
0x1d7: {  	vm8 =	vlt.s32 v49, v2  }
0x1d8: {  	v7 =	vsel vm8, $0x0, v7;
	v48 =	vcvt.s32.f32 v6;
	v3 =	vsub.f32 v3, v47  }
0x1d9: {  	vm9 =	vlt.s32 v6, $0x1FF;
	v50 =	vadd.s32 $0x1, v5;
	v5 =	vshll.u32 v5, $0x9  }
0x1da: {  	v51 =	vnsel vm9, $0x1FF, v6;
	v6 =	vadd.s32 $0x1, v6;
	v3 =	vmax.f32 v3, $0.0e+00  }
0x1db: {  	vm10 =	vlt.s32 v50, $0x1FF;
	v4 =	vsub.f32 v4, v48;
	v3 =	vmin.f32 v3, $1.000000000e+00  }
0x1dc: {  	v8 =	vnsel vm10, $0x1FF, v50;
	vm11 =	vlt.s32 v6, $0x1FF;
	v3 =	vmul.f32 v3, v7  }
0x1dd: {  	v52 =	vadd.s32 v5, v51;
	v8 =	vshll.u32 v8, $0x9;
	v6 =	vnsel vm11, $0x1FF, v6  }
0x1de: {  	[tilespmem:$0x4060] =	vst v52;
	v4 =	vmax.f32 v4, $0.0e+00;
	v9 =	vadd.s32 v51, v8;
	v7 =	vsub.f32 v7, v3  }
0x1df: {  	v5 =	vadd.s32 v5, v6;
	v4 =	vmin.f32 v4, $1.000000000e+00;
	[tilespmem:$0x40E0] =	vst v9  }
0x1e0: {  	v6 =	vadd.s32 v6, v8;
	[tilespmem:$0x4160] =	vst v5;
	v53 =	vmul.f32 v7, v4  }
0x1e1: {  	[tilespmem:$0x41E0] =	vst v6;
	v4 =	vmul.f32 v4, v3  }
0x1e2: {  	v7 =	vsub.f32 v7, v53;
	[tilespmem:$0x4360] =	vst v53  }
0x1e3: {  	v3 =	vsub.f32 v3, v4;
	[tilespmem:$0x43E0] =	vst v4  }
0x1e4: {  	[tilespmem:$0x4260] =	vst v7  }
0x1e5: {  	[tilespmem:$0x42E0] =	vst v3  }
0x1e6: {  	v3 =	vld [tilespmem:s10+$0x30];
	_ =	sdelay $0x1  }
0x1e7: {  	v4 =	vld [tilespmem:s8+$0x30];
	_ =	sdelay $0x2  }
0x1e8: {  	v7 =	vld [tilespmem:s17+$0x30];
	v3 =	vmul.f32 $5.120000000e+02, v3  }
0x1e9: {  	v56 =	vld [tilespmem:s18+$0x30]  }
0x1ea: {  	v4 =	vmul.f32 $5.120000000e+02, v4;
	v3 =	vadd.f32 $-5.000000000e-01, v3;
	_ =	sdelay $0x1  }
0x1eb: {  	v4 =	vadd.f32 $-5.000000000e-01, v4;
	v54 =	vtrunc.f32 v3  }
0x1ec: {  	v5 =	vcvt.f32.s32 v54  }
0x1ed: {  	s23 =	sadd.s32 $0x70, s23;
	v7 =	vmul.f32 v56, v7;
	v55 =	vtrunc.f32 v4  }
0x1ee: {  	v59 =	vmov s23;
	v6 =	vcvt.f32.s32 v55;
	v57 =	vcvt.s32.f32 v5  }
0x1ef: {  	vm12 =	vlt.s32 v59, v2  }
0x1f0: {  	v7 =	vsel vm12, $0x0, v7;
	v58 =	vcvt.s32.f32 v6;
	v3 =	vsub.f32 v3, v57  }
0x1f1: {  	vm13 =	vlt.s32 v6, $0x1FF;
	v60 =	vadd.s32 $0x1, v5;
	v5 =	vshll.u32 v5, $0x9  }
0x1f2: {  	v61 =	vnsel vm13, $0x1FF, v6;
	v6 =	vadd.s32 $0x1, v6;
	v3 =	vmax.f32 v3, $0.0e+00  }
0x1f3: {  	vm14 =	vlt.s32 v60, $0x1FF;
	v4 =	vsub.f32 v4, v58;
	v3 =	vmin.f32 v3, $1.000000000e+00  }
0x1f4: {  	v8 =	vnsel vm14, $0x1FF, v60;
	vm15 =	vlt.s32 v6, $0x1FF;
	v3 =	vmul.f32 v3, v7  }
0x1f5: {  	v62 =	vadd.s32 v5, v61;
	v8 =	vshll.u32 v8, $0x9;
	v6 =	vnsel vm15, $0x1FF, v6  }
0x1f6: {  	[tilespmem:$0x4070] =	vst v62;
	v4 =	vmax.f32 v4, $0.0e+00;
	v9 =	vadd.s32 v61, v8;
	v7 =	vsub.f32 v7, v3  }
0x1f7: {  	v5 =	vadd.s32 v5, v6;
	v4 =	vmin.f32 v4, $1.000000000e+00;
	[tilespmem:$0x40F0] =	vst v9  }
0x1f8: {  	v6 =	vadd.s32 v6, v8;
	[tilespmem:$0x4170] =	vst v5;
	v63 =	vmul.f32 v7, v4  }
0x1f9: {  	[tilespmem:$0x41F0] =	vst v6;
	v4 =	vmul.f32 v4, v3  }
0x1fa: {  	v7 =	vsub.f32 v7, v63;
	[tilespmem:$0x4370] =	vst v63  }
0x1fb: {  	v3 =	vsub.f32 v3, v4;
	[tilespmem:$0x43F0] =	vst v4  }
0x1fc: {  	[tilespmem:$0x4270] =	vst v7  }
0x1fd: {  	[tilespmem:$0x42F0] =	vst v3  }
0x1fe: {  	[spmem:s5] =	stream.indirect.scatter.add.f32 [tilespmem:s30], [sflag:$0x2], $0x1, s29, s28, $0xb8;
	[tilespmem:$0xC400] =	vst v63  }
0x1ff: {  	_ = 	snop  }
0x200: {  	[spmem:s5] =	stream.indirect.scatter.add.f32 [tilespmem:s0], [sflag:$0x2], $0x1, s31, s28, $0xb8;
	[tilespmem:$0xC400] =	vst v63  }
0x201: {  	_ = 	snop  }
0x202: {  	[spmem:s5] =	stream.indirect.scatter.add.f32 [tilespmem:s19], [sflag:$0x2], $0x1, s4, s28, $0xb8;
	[tilespmem:$0xC400] =	vst v63  }
0x203: {  	_ = 	snop  }
0x204: {  	[spmem:s5] =	stream.indirect.scatter.add.f32 [tilespmem:s21], [sflag:$0x2], $0x1, s20, s28, $0xb8;
	[tilespmem:$0xC400] =	vst v63  }
0x205: {  	_ =	swait.ge [sflag:s6], $0x80  }
0x206: {  	[sflag:s6] =	ssyncset.done $0x0  }
0x207: {  	[sflag:s6] =	ssyncadd.s32 $0xFFFFFF80  }
0x208: {  	_ =	swait.ge [sflag:s6], $0x80  }
0x209: {  	[sflag:s6] =	ssyncset.done $0x0  }
0x20a: {  	[sflag:s6] =	ssyncadd.s32 $0xFFFFFF80  }
0x20b: {  	p0 =	sne.s32 s9, $0x780;
	_ =	swait.ge [sflag:s6], $0x80  }
.Ltmp7:
0x20c: {  	[sflag:s6] =	ssyncset.done $0x0;
	(pc) =	sbr.rel @p0 .LBB2_8-.Ltmp7, $4  }
0x20d: {  	[sflag:s6] =	ssyncadd.s32 $0xFFFFFF80  }
0x20e: {  	s9 =	sadd.s32 $0x80, s9;
	_ =	swait.ge [sflag:s6], $0x80  }
0x20f: {  	s17 =	sadd.s32 $0x80, s17;
	s8 =	sadd.s32 $0x80, s8;
	[sflag:s6] =	ssyncset.done $0x0  }
0x210: {  	s10 =	sadd.s32 $0x80, s10;
	s18 =	sadd.s32 $0x80, s18;
	[sflag:s6] =	ssyncadd.s32 $0xFFFFFF80  }
.Ltmp8:
0x211: {  	_ = 	snop;
	(pc) =	sbr.rel .LBB2_9-.Ltmp8, $1  }
0x212: {  	_ =	sdelay $0x3  }
.LBB2_11:
0x213: {  	_ =	sfence.sel $0x180000  }
0x214: {  	[bflag:$0x0] =	sbarrier.arrive $0xFFFF  }
0x215: {  	_ =	strace $0x90000047  }
0x216: {  	s0 =	stileid.u32;
	[bflag:$0x2] =	sbarrier.arrive $0xFFFF  }
0x217: {  	p0 =	sne.s32 s0, $0x0;
	s0 =	rddreg [dreg:$0x5]  }
0x218: {  	s0 =	sadd.s32 @!p0 $0x100000, s0  }
0x219: {  	[sflag:s0] =	ssyncadd.tile.s32 @!p0 $0x1;
	_ =	shalt  }
.Lfunc_end2:
_tile_overlayer_lowered:
.L_overlay_start_2:
0x21a: {  	(tag) =	ssettag $0x2  }
0x21b: {  	s0 =	rddreg [dreg:$0x0];
	s2 =	stileid.u32  }
0x21c: {  	s1 =	rddreg [dreg:$0x1];
	p0 =	sne.s32 s2, $0x0  }
0x21d: {  	s3 =	rddreg [dreg:$0x2];
	[bflag:$0x3] =	sbarrier.arrive $0xFFFF;
	s2 =	simm.s32 @!p0 $0x1C03  }
0x21e: {  	[timem:s3], [sflag:s2] =	dma.local @!p0 [hbm:s0], s1  }
0x21f: {  	s0 =	simm.s32 @!p0 $0x3  }
0x220: {  	_ =	swait.ge @!p0 [sflag:s0], s1  }
0x221: {  	s1 =	ssub.s32 @!p0 $0x0, s1;
	[sflag:s0] =	ssyncset.done @!p0 $0x0  }
0x222: {  	[sflag:s0] =	ssyncadd.s32 @!p0 s1  }
0x223: {  	[bflag:$0x3] =	sbarrier.arrive $0xFFFF  }
0x224: {  	_ =	shalt  }

</sc_bundles>
